<compile_context>
chip_gen: v7x
topology: tpu7x:2x2x1
jax: 0.10.2.dev20260603
libtpu: 0.0.44.dev20260713+nightly
codegen_flags: <defaults>
</compile_context>

<pallas_src>
import functools

import jax
import jax.numpy as jnp
import numpy as np
from jax import lax
from jax.experimental import pallas as pl
from jax.experimental.pallas import tpu as pltpu
from jax.experimental.pallas import tpu_sc as plsc

NC = 2
NS = 16
L = 16


def _build(nb, nind, nch, ne):
    assert nb == NC
    assert nch % (2 * L) == 0
    eps = ne // NS
    assert eps * NS == ne
    W = 80
    NWSB = 10
    SB = W * NWSB
    assert eps % SB == 0 and NWSB % 2 == 0
    n_sb = eps // SB
    n_pair = NWSB // 2
    wch = nch + L
    RT = 80
    OT = 16
    assert nind % RT == 0 and RT % 8 == 0 and RT % OT == 0
    n_rt = nind // RT
    nq = nch // (2 * L)

    mesh = plsc.VectorSubcoreMesh(
        core_axis_name="c", subcore_axis_name="s",
        num_cores=NC, num_subcores=NS)

    cp = pltpu.CompilerParams(needs_layout_passes=False,
                              use_tc_tiling_on_sc=False)

    @functools.partial(
        pl.kernel,
        out_type=jax.ShapeDtypeStruct((nb, nind, nch), jnp.float32),
        mesh=mesh,
        compiler_params=cp,
        scratch_types=[
            pltpu.VMEM((3, NWSB, W), jnp.int32),
            pltpu.VMEM((3, NWSB, W), jnp.int32),
            pltpu.VMEM((W, nch), jnp.bfloat16),
            pltpu.VMEM((W, nch), jnp.bfloat16),
            pltpu.VMEM((W, wch), jnp.float32),
            pltpu.VMEM((W, wch), jnp.float32),
            pltpu.VMEM((OT, nch), jnp.float32),
            pltpu.VMEM((W,), jnp.int32),
            pltpu.VMEM((W,), jnp.int32),
            pltpu.VMEM_SHARED((nind, wch), jnp.float32),
            pltpu.SemaphoreType.DMA,
            pltpu.SemaphoreType.DMA,
            pltpu.SemaphoreType.DMA,
            pltpu.SemaphoreType.DMA,
            pltpu.SemaphoreType.DMA,
            pltpu.SemaphoreType.DMA,
        ])
    def smooth(xb_ref, meta_ref, out_ref,
               m_a, m_b, g_a, g_b, w_a, w_b, o_v, rid_a, rid_b, acc_sh,
               sem_ma, sem_mb, sem_ga, sem_gb, sem_wa, sem_wb):
        core = lax.axis_index("c")
        sid = lax.axis_index("s")
        zero = jnp.zeros((L,), jnp.float32)
        hmask = jnp.full((L,), 0xFFFF0000, jnp.uint32)
        sh16 = jnp.full((L,), 16, jnp.uint32)

        pltpu.async_copy(meta_ref.at[core, sid, 0], m_a, sem_ma)
        pltpu.async_copy(meta_ref.at[core, sid, 1], m_b, sem_mb)

        @pl.loop(0, W)
        def _(r):
            @pl.loop(0, wch // L)
            def _(k):
                w_a[r, pl.ds(k * L, L)] = zero

        @pl.loop(sid, n_rt, step=NS)
        def _(t):
            pltpu.sync_copy(w_a, acc_sh.at[pl.ds(t * RT, RT)])

        plsc.subcore_barrier()

        def mstart(m_v, sem, s):
            pltpu.async_copy(meta_ref.at[core, sid, s], m_v, sem)

        def mwait(m_v, sem):
            pltpu.make_async_copy(meta_ref.at[core, sid, 0], m_v, sem).wait()

        def gstart(m_v, wn, g_v, sem):
            pltpu.async_copy(xb_ref.at[m_v.at[0, wn]], g_v, sem)

        def gwait(g_v, sem):
            pltpu.make_async_copy(xb_ref.at[m_a.at[0, 0]], g_v, sem).wait()

        def ridcopy(rid_v, m_v, wn):
            @pl.loop(0, W // L)
            def _(k):
                rid_v[pl.ds(k * L, L)] = m_v[2, wn, pl.ds(k * L, L)]

        def addstart(w_v, rid_v, sem):
            pltpu.async_copy(w_v, acc_sh.at[rid_v], sem, add=True)

        def addwait(w_v, sem):
            pltpu.make_async_copy(w_v, acc_sh.at[rid_a], sem).wait()

        def weight(m_v, wn, g_v, w_v):
            one = jnp.full((L,), 1, jnp.int32)
            wsp = jnp.full((L,), wn, jnp.int32)

            @plsc.parallel_loop(0, W)
            def _(e):
                vbits = plsc.load_gather(
                    m_v, [one, wsp, jnp.full((L,), e, jnp.int32)])
                vb = plsc.bitcast(vbits, jnp.float32)
                w_v[e, pl.ds(nch, L)] = vb
                for q in range(nq):
                    gh = g_v[e, pl.ds(2 * L * q, 2 * L)]
                    u = plsc.bitcast(gh, jnp.uint32)
                    lo = plsc.bitcast(u << sh16, jnp.float32)
                    hi = plsc.bitcast(u & hmask, jnp.float32)
                    w_v[e, pl.ds(2 * L * q, L)] = lo * vb
                    w_v[e, pl.ds(2 * L * q + L, L)] = hi * vb

        def do_sb(m_cur, sem_mc, m_nxt, sem_mn, s):
            @pl.when(s < n_sb - 1)
            def _():
                mwait(m_nxt, sem_mn)

            @pl.loop(0, n_pair)
            def _(p):
                gwait(g_a, sem_ga)

                @pl.when((p > 0) | (s > 0))
                def _():
                    addwait(w_a, sem_wa)

                ridcopy(rid_a, m_cur, 2 * p)
                weight(m_cur, 2 * p, g_a, w_a)

                @pl.when(p < n_pair - 1)
                def _():
                    gstart(m_cur, 2 * p + 2, g_a, sem_ga)

                @pl.when((p == n_pair - 1) & (s < n_sb - 1))
                def _():
                    gstart(m_nxt, 0, g_a, sem_ga)

                addstart(w_a, rid_a, sem_wa)

                gwait(g_b, sem_gb)

                @pl.when((p > 0) | (s > 0))
                def _():
                    addwait(w_b, sem_wb)

                ridcopy(rid_b, m_cur, 2 * p + 1)
                weight(m_cur, 2 * p + 1, g_b, w_b)

                @pl.when(p < n_pair - 1)
                def _():
                    gstart(m_cur, 2 * p + 3, g_b, sem_gb)

                @pl.when((p == n_pair - 1) & (s < n_sb - 1))
                def _():
                    gstart(m_nxt, 1, g_b, sem_gb)

                addstart(w_b, rid_b, sem_wb)

            @pl.when(s + 2 < n_sb)
            def _():
                mstart(m_cur, sem_mc, s + 2)

        mwait(m_a, sem_ma)
        gstart(m_a, 0, g_a, sem_ga)
        gstart(m_a, 1, g_b, sem_gb)

        @pl.loop(0, n_sb // 2)
        def _(i):
            do_sb(m_a, sem_ma, m_b, sem_mb, 2 * i)
            do_sb(m_b, sem_mb, m_a, sem_ma, 2 * i + 1)

        if n_sb % 2 == 1:
            do_sb(m_a, sem_ma, m_b, sem_mb, n_sb - 1)

        addwait(w_a, sem_wa)
        addwait(w_b, sem_wb)

        plsc.subcore_barrier()

        def nstart(t, a_buf, sem):
            @pl.when(t < n_rt)
            def _():
                pltpu.async_copy(acc_sh.at[pl.ds(t * RT, RT)], a_buf, sem)

        def ntile(t, a_buf, sem):
            @pl.when(t < n_rt)
            def _():
                pltpu.make_async_copy(
                    acc_sh.at[pl.ds(0, RT)], a_buf, sem).wait()

                @pl.loop(0, RT // OT)
                def _(j):
                    @pl.loop(0, OT)
                    def _(r):
                        d = a_buf[j * OT + r, pl.ds(nch, L)]
                        rec = 1.0 / jnp.where(d > 0.0, d, 1.0)

                        @pl.loop(0, nch // L)
                        def _(k):
                            o_v[r, pl.ds(k * L, L)] = (
                                a_buf[j * OT + r, pl.ds(k * L, L)] * rec)

                    pltpu.sync_copy(
                        o_v, out_ref.at[core, pl.ds(t * RT + j * OT, OT)])

                nstart(t + 2 * NS, a_buf, sem)

        nstart(sid, w_a, sem_ga)
        nstart(sid + NS, w_b, sem_gb)
        n_kp = ((n_rt + NS - 1) // NS + 1) // 2

        @pl.loop(0, n_kp)
        def _(kp):
            ntile(sid + (2 * kp) * NS, w_a, sem_ga)
            ntile(sid + (2 * kp + 1) * NS, w_b, sem_gb)

    return smooth


def kernel(x, kernel_vals, kernel_rows, kernel_cols):
    nb, nind, nch = x.shape
    ne = kernel_vals.shape[0]
    eps = ne // NS
    W = 80
    SB = W * 10
    n_sb = eps // SB

    perm = np.empty((nch,), np.int32)
    for g in range(nch // 32):
        b = 32 * g
        perm[b + 0:b + 32:2] = np.arange(b, b + 16)
        perm[b + 1:b + 32:2] = np.arange(b + 16, b + 32)
    xb = x.reshape(nb * nind, nch).astype(jnp.bfloat16)[:, perm]

    vbits = lax.bitcast_convert_type(kernel_vals, jnp.int32)
    planes = []
    for c in range(NC):
        cc = (kernel_cols + np.int32(c * nind)).reshape(NS, n_sb, SB)
        planes.append(jnp.stack(
            [cc, vbits.reshape(NS, n_sb, SB),
             kernel_rows.reshape(NS, n_sb, SB)], axis=2))
    meta = jnp.stack(planes).reshape(NC, NS, n_sb, 3, SB // W, W)

    fn = _build(nb, nind, nch, ne)
    return fn(xb, meta)

# --- scband reference (transcript-rebuilt; emitter-appended) ---
"""Pipeline reference for scband-healpy-smoothing-layer-26766236188942 (READ-ONLY COPY).

The authoritative reference and input builder live on the scoring server;
editing this copy changes nothing except your own understanding.
"""

import jax, jax.numpy as jnp
import numpy as np

N_BATCH = 2
N_IND = 10000
N_CH = 128
N_EDGES = 320000
SIGMA_ARCMIN = 10.0


def setup_inputs(seed: int = 0) -> dict:
    key = jax.random.key(seed)
    k1, k2, k3, k4 = jax.random.split(key, 4)
    x = jax.random.normal(k1, (N_BATCH, N_IND, N_CH), dtype=jnp.float32)
    # sparse Gaussian kernel precomputed at __init__ time: COO (rows, cols, vals)
    kernel_rows = jnp.sort(jax.random.randint(k2, (N_EDGES,), 0, N_IND)).astype(jnp.int32)
    kernel_cols = jax.random.randint(k3, (N_EDGES,), 0, N_IND).astype(jnp.int32)
    # angular separations r within the 3-sigma support radius
    sigma_rad = SIGMA_ARCMIN / 60.0 / 180.0 * np.pi
    r = jax.random.uniform(k4, (N_EDGES,), minval=0.0, maxval=3.0 * sigma_rad)
    # kernel_func(r) = exp(-0.5 / sigma_rad**2 * r**2)
    kernel_vals = jnp.exp(-0.5 / (sigma_rad ** 2) * r ** 2).astype(jnp.float32)
    return {"x": x, "kernel_vals": kernel_vals, "kernel_rows": kernel_rows, "kernel_cols": kernel_cols}


def reference(x, kernel_vals, kernel_rows, kernel_cols):
    n_ind = x.shape[1]
    # row-normalize the Gaussian kernel so smoothing preserves the map mean
    row_sum = jax.ops.segment_sum(kernel_vals, kernel_rows, num_segments=n_ind)
    denom = row_sum[kernel_rows]
    vals_n = kernel_vals / jnp.where(denom > 0, denom, 1.0)

    def smooth_one(xb):
        # sparse-dense matmul: out = K @ xb  (gather + weight + scatter-add)
        gathered = xb[kernel_cols] * vals_n[:, None]
        return jax.ops.segment_sum(gathered, kernel_rows, num_segments=n_ind)

    return jax.vmap(smooth_one)(x)

if __name__ == "__main__":
    import jax
    _d = setup_inputs()
    print(jax.jit(kernel)(*tuple(_d.values())))

</pallas_src>

<mosaic_0001>
#map = affine_map<(d0, d1) -> (0, 0)>
#map1 = affine_map<(d0, d1) -> (0, 0, 0, 0, 0, 0)>
#map2 = affine_map<(d0, d1) -> (0, 0, 0)>
module attributes {stable_mosaic.version = 14 : i64} {
  func.func @smooth(%arg0: i32, %arg1: i32, %arg2: memref<20000x128xbf16, #tpu.memory_space<hbm>>, %arg3: memref<2x16x25x3x10x80xi32, #tpu.memory_space<hbm>>, %arg4: memref<2x10000x128xf32, #tpu.memory_space<hbm>>, %arg5: memref<3x10x80xi32, #tpu.memory_space<vmem>>, %arg6: memref<3x10x80xi32, #tpu.memory_space<vmem>>, %arg7: memref<80x128xbf16, #tpu.memory_space<vmem>>, %arg8: memref<80x128xbf16, #tpu.memory_space<vmem>>, %arg9: memref<80x144xf32, #tpu.memory_space<vmem>>, %arg10: memref<80x144xf32, #tpu.memory_space<vmem>>, %arg11: memref<16x128xf32, #tpu.memory_space<vmem>>, %arg12: memref<80xi32, #tpu.memory_space<vmem>>, %arg13: memref<80xi32, #tpu.memory_space<vmem>>, %arg14: memref<10000x144xf32, #tpu.memory_space<vmem_shared>>, %arg15: memref<!tpu.dma_semaphore, #tpu.memory_space<semaphore_mem>>, %arg16: memref<!tpu.dma_semaphore, #tpu.memory_space<semaphore_mem>>, %arg17: memref<!tpu.dma_semaphore, #tpu.memory_space<semaphore_mem>>, %arg18: memref<!tpu.dma_semaphore, #tpu.memory_space<semaphore_mem>>, %arg19: memref<!tpu.dma_semaphore, #tpu.memory_space<semaphore_mem>>, %arg20: memref<!tpu.dma_semaphore, #tpu.memory_space<semaphore_mem>>) attributes {dimension_semantics = [#tpu.dimension_semantics<core_parallel>, #tpu.dimension_semantics<subcore_parallel>], iteration_bounds = array<i64: 2, 16>, scalar_prefetch = 0 : i64, scratch_operands = 16 : i64, tpu.core_type = #tpu.core_type<sc_vector_subcore>, window_params = [{transform_indices = #map}, {transform_indices = #map1}, {transform_indices = #map2}]} {
    %broadcast_in_dim3A = arith.constant 0.000000e+00 : f32
    %broadcast_in_dim3A_0 = vector.broadcast %broadcast_in_dim3A : f32 to vector<16xf32>
    %broadcast_in_dim3A_1 = arith.constant -65536 : i32
    %broadcast_in_dim3A_2 = vector.broadcast %broadcast_in_dim3A_1 : i32 to vector<16xi32>
    %broadcast_in_dim3A_3 = arith.constant 16 : i32
    %broadcast_in_dim3A_4 = vector.broadcast %broadcast_in_dim3A_3 : i32 to vector<16xi32>
    %dma_start3A = arith.constant 0 : i32
    %dma_start3A_5 = arith.constant 0 : i32
    %dma_start3A_6 = arith.constant 0 : i32
    %dma_start3A_7 = arith.constant 0 : i32
    %dma_start3A_8 = tpu.memref_slice %arg3[%arg0, %arg1, %dma_start3A, %dma_start3A_5, %dma_start3A_6, %dma_start3A_7] : memref<2x16x25x3x10x80xi32, #tpu.memory_space<hbm>> -> memref<1x1x1x3x10x80xi32, #tpu.memory_space<hbm>>
    %dma_start3A_9 = tpu.memref_squeeze %dma_start3A_8 : memref<1x1x1x3x10x80xi32, #tpu.memory_space<hbm>> -> memref<3x10x80xi32, #tpu.memory_space<hbm>>
    %dma_start3A_10 = arith.constant 0 : i32
    %dma_start3A_11 = arith.constant 0 : i32
    %dma_start3A_12 = arith.constant 0 : i32
    %dma_start3A_13 = tpu.memref_slice %arg3[%arg0, %arg1, %dma_start3A, %dma_start3A_10, %dma_start3A_11, %dma_start3A_12] : memref<2x16x25x3x10x80xi32, #tpu.memory_space<hbm>> -> memref<1x1x1x3x10x80xi32, #tpu.memory_space<hbm>>
    %dma_start3A_14 = tpu.memref_squeeze %dma_start3A_13 : memref<1x1x1x3x10x80xi32, #tpu.memory_space<hbm>> -> memref<3x10x80xi32, #tpu.memory_space<hbm>>
    tpu.enqueue_dma source(%dma_start3A_14 : memref<3x10x80xi32, #tpu.memory_space<hbm>>) target(%arg5 : memref<3x10x80xi32, #tpu.memory_space<vmem>>) target_semaphore(%arg15 : memref<!tpu.dma_semaphore, #tpu.memory_space<semaphore_mem>>)
    %dma_start3A_15 = arith.constant 1 : i32
    %dma_start3A_16 = arith.constant 0 : i32
    %dma_start3A_17 = arith.constant 0 : i32
    %dma_start3A_18 = arith.constant 0 : i32
    %dma_start3A_19 = tpu.memref_slice %arg3[%arg0, %arg1, %dma_start3A_15, %dma_start3A_16, %dma_start3A_17, %dma_start3A_18] : memref<2x16x25x3x10x80xi32, #tpu.memory_space<hbm>> -> memref<1x1x1x3x10x80xi32, #tpu.memory_space<hbm>>
    %dma_start3A_20 = tpu.memref_squeeze %dma_start3A_19 : memref<1x1x1x3x10x80xi32, #tpu.memory_space<hbm>> -> memref<3x10x80xi32, #tpu.memory_space<hbm>>
    %dma_start3A_21 = arith.constant 0 : i32
    %dma_start3A_22 = arith.constant 0 : i32
    %dma_start3A_23 = arith.constant 0 : i32
    %dma_start3A_24 = tpu.memref_slice %arg3[%arg0, %arg1, %dma_start3A_15, %dma_start3A_21, %dma_start3A_22, %dma_start3A_23] : memref<2x16x25x3x10x80xi32, #tpu.memory_space<hbm>> -> memref<1x1x1x3x10x80xi32, #tpu.memory_space<hbm>>
    %dma_start3A_25 = tpu.memref_squeeze %dma_start3A_24 : memref<1x1x1x3x10x80xi32, #tpu.memory_space<hbm>> -> memref<3x10x80xi32, #tpu.memory_space<hbm>>
    tpu.enqueue_dma source(%dma_start3A_25 : memref<3x10x80xi32, #tpu.memory_space<hbm>>) target(%arg6 : memref<3x10x80xi32, #tpu.memory_space<vmem>>) target_semaphore(%arg16 : memref<!tpu.dma_semaphore, #tpu.memory_space<semaphore_mem>>)
    %scan3A = arith.constant 0 : i32
    %scan3A_26 = arith.constant 80 : i32
    %scan3A_27 = arith.addi %scan3A, %scan3A_26 : i32
    %scan3A_28 = arith.constant 1 : i32
    scf.for %scan3A_101 = %scan3A to %scan3A_27 step %scan3A_28  : i32 {
      %mul3A = arith.constant 1 : i32
      %mul3A_102 = arith.muli %scan3A_101, %mul3A : i32
      %add3A_103 = arith.constant 0 : i32
      %add3A_104 = arith.addi %add3A_103, %mul3A_102 : i32
      %scan3A_105 = arith.constant 0 : i32
      %scan3A_106 = arith.constant 9 : i32
      %scan3A_107 = arith.addi %scan3A_105, %scan3A_106 : i32
      %scan3A_108 = arith.constant 1 : i32
      scf.for %scan3A_110 = %scan3A_105 to %scan3A_107 step %scan3A_108  : i32 {
        %mul3A_111 = arith.constant 1 : i32
        %mul3A_112 = arith.muli %scan3A_110, %mul3A_111 : i32
        %add3A_113 = arith.constant 0 : i32
        %add3A_114 = arith.addi %add3A_113, %mul3A_112 : i32
        %mul3A_115 = arith.constant 16 : i32
        %mul3A_116 = arith.muli %add3A_114, %mul3A_115 : i32
        %swap3A = arith.index_cast %add3A_104 : i32 to index
        %swap3A_117 = arith.index_cast %mul3A_116 : i32 to index
        %swap3A_118 = tpu.vector_load %arg9[%swap3A, %swap3A_117] {strides = array<i32>} : memref<80x144xf32, #tpu.memory_space<vmem>>, vector<16xf32>,
        tpu.vector_store %arg9[%swap3A, %swap3A_117], %broadcast_in_dim3A_0 {strides = array<i32>} : memref<80x144xf32, #tpu.memory_space<vmem>>, vector<16xf32>,
      }
      %scan3A_109 = arith.constant 9 : i32
    }
    %scan3A_29 = arith.constant 80 : i32
    %sub3A = arith.constant 125 : i32
    %sub3A_30 = arith.subi %sub3A, %arg1 : i32
    %sub3A_31 = arith.constant 16 : i32
    %sub3A_32 = arith.constant 1 : i32
    %sub3A_33 = arith.subi %sub3A_31, %sub3A_32 : i32
    %add3A = arith.addi %sub3A_30, %sub3A_33 : i32
    %div3A = arith.constant 16 : i32
    %div3A_34 = arith.divsi %add3A, %div3A : i32
    %while3A = arith.constant 16 : i32
    %while3A_35 = arith.constant 0 : i32
    %while3A_36 = arith.subi %div3A_34, %while3A_35 : i32
    %while3A_37 = arith.addi %while3A_35, %while3A_36 : i32
    %while3A_38 = arith.constant 1 : i32
    %while3A_39 = arith.divsi %while3A_36, %while3A_38 : i32
    %while3A_40 = arith.muli %while3A_39, %while3A_38 : i32
    %while3A_41 = arith.addi %while3A_35, %while3A_40 : i32
    %while3A_42 = arith.constant 1 : i32
    scf.for %while3A_101 = %while3A_35 to %while3A_41 step %while3A_42  : i32 {
      %mul3A = arith.muli %while3A_101, %while3A : i32
      %add3A_102 = arith.addi %arg1, %mul3A : i32
      %mul3A_103 = arith.constant 80 : i32
      %mul3A_104 = arith.muli %add3A_102, %mul3A_103 : i32
      "tpu.region"() ({
        %run_scoped3A = tpu.sem_alloc : memref<!tpu.dma_semaphore, #tpu.memory_space<semaphore_mem>>
        %dma_start3A_105 = arith.constant 0 : i32
        %dma_start3A_106 = tpu.memref_slice %arg14[%mul3A_104, %dma_start3A_105] : memref<10000x144xf32, #tpu.memory_space<vmem_shared>> -> memref<80x144xf32, #tpu.memory_space<vmem_shared>>
        %dma_start3A_107 = arith.constant 0 : i32
        %dma_start3A_108 = tpu.memref_slice %arg14[%mul3A_104, %dma_start3A_107] : memref<10000x144xf32, #tpu.memory_space<vmem_shared>> -> memref<80x144xf32, #tpu.memory_space<vmem_shared>>
        tpu.enqueue_dma source(%arg9 : memref<80x144xf32, #tpu.memory_space<vmem>>) target(%dma_start3A_108 : memref<80x144xf32, #tpu.memory_space<vmem_shared>>) target_semaphore(%run_scoped3A : memref<!tpu.dma_semaphore, #tpu.memory_space<semaphore_mem>>)
        %dma_wait3A_109 = arith.constant 0 : i32
        %dma_wait3A_110 = tpu.memref_slice %arg14[%mul3A_104, %dma_wait3A_109] : memref<10000x144xf32, #tpu.memory_space<vmem_shared>> -> memref<80x144xf32, #tpu.memory_space<vmem_shared>>
        %dma_wait3A_111 = arith.constant 0 : i32
        %dma_wait3A_112 = tpu.memref_slice %arg14[%mul3A_104, %dma_wait3A_111] : memref<10000x144xf32, #tpu.memory_space<vmem_shared>> -> memref<80x144xf32, #tpu.memory_space<vmem_shared>>
        tpu.wait_dma2 semaphore(%run_scoped3A : memref<!tpu.dma_semaphore, #tpu.memory_space<semaphore_mem>>) src(%arg9 : memref<80x144xf32, #tpu.memory_space<vmem>>) dst(%dma_wait3A_112 : memref<80x144xf32, #tpu.memory_space<vmem_shared>>)
        tpu.yield
      }) : () -> ()
    }
    %while3A_43 = arith.constant 1 : i32
    scf.for %while3A_101 = %while3A_41 to %while3A_37 step %while3A_43  : i32 {
      %mul3A = arith.muli %while3A_101, %while3A : i32
      %add3A_102 = arith.addi %arg1, %mul3A : i32
      %mul3A_103 = arith.constant 80 : i32
      %mul3A_104 = arith.muli %add3A_102, %mul3A_103 : i32
      "tpu.region"() ({
        %run_scoped3A = tpu.sem_alloc : memref<!tpu.dma_semaphore, #tpu.memory_space<semaphore_mem>>
        %dma_start3A_105 = arith.constant 0 : i32
        %dma_start3A_106 = tpu.memref_slice %arg14[%mul3A_104, %dma_start3A_105] : memref<10000x144xf32, #tpu.memory_space<vmem_shared>> -> memref<80x144xf32, #tpu.memory_space<vmem_shared>>
        %dma_start3A_107 = arith.constant 0 : i32
        %dma_start3A_108 = tpu.memref_slice %arg14[%mul3A_104, %dma_start3A_107] : memref<10000x144xf32, #tpu.memory_space<vmem_shared>> -> memref<80x144xf32, #tpu.memory_space<vmem_shared>>
        tpu.enqueue_dma source(%arg9 : memref<80x144xf32, #tpu.memory_space<vmem>>) target(%dma_start3A_108 : memref<80x144xf32, #tpu.memory_space<vmem_shared>>) target_semaphore(%run_scoped3A : memref<!tpu.dma_semaphore, #tpu.memory_space<semaphore_mem>>)
        %dma_wait3A_109 = arith.constant 0 : i32
        %dma_wait3A_110 = tpu.memref_slice %arg14[%mul3A_104, %dma_wait3A_109] : memref<10000x144xf32, #tpu.memory_space<vmem_shared>> -> memref<80x144xf32, #tpu.memory_space<vmem_shared>>
        %dma_wait3A_111 = arith.constant 0 : i32
        %dma_wait3A_112 = tpu.memref_slice %arg14[%mul3A_104, %dma_wait3A_111] : memref<10000x144xf32, #tpu.memory_space<vmem_shared>> -> memref<80x144xf32, #tpu.memory_space<vmem_shared>>
        tpu.wait_dma2 semaphore(%run_scoped3A : memref<!tpu.dma_semaphore, #tpu.memory_space<semaphore_mem>>) src(%arg9 : memref<80x144xf32, #tpu.memory_space<vmem>>) dst(%dma_wait3A_112 : memref<80x144xf32, #tpu.memory_space<vmem_shared>>)
        tpu.yield
      }) : () -> ()
    }
    %barrier3A = arith.constant 0 : index
    tpu.barrier barrier_id(%barrier3A)
    %dma_wait3A = arith.constant 0 : i32
    %dma_wait3A_44 = arith.constant 0 : i32
    %dma_wait3A_45 = arith.constant 0 : i32
    %dma_wait3A_46 = arith.constant 0 : i32
    %dma_wait3A_47 = tpu.memref_slice %arg3[%arg0, %arg1, %dma_wait3A, %dma_wait3A_44, %dma_wait3A_45, %dma_wait3A_46] : memref<2x16x25x3x10x80xi32, #tpu.memory_space<hbm>> -> memref<1x1x1x3x10x80xi32, #tpu.memory_space<hbm>>
    %dma_wait3A_48 = tpu.memref_squeeze %dma_wait3A_47 : memref<1x1x1x3x10x80xi32, #tpu.memory_space<hbm>> -> memref<3x10x80xi32, #tpu.memory_space<hbm>>
    %dma_wait3A_49 = arith.constant 0 : i32
    %dma_wait3A_50 = arith.constant 0 : i32
    %dma_wait3A_51 = arith.constant 0 : i32
    %dma_wait3A_52 = tpu.memref_slice %arg3[%arg0, %arg1, %dma_wait3A, %dma_wait3A_49, %dma_wait3A_50, %dma_wait3A_51] : memref<2x16x25x3x10x80xi32, #tpu.memory_space<hbm>> -> memref<1x1x1x3x10x80xi32, #tpu.memory_space<hbm>>
    %dma_wait3A_53 = tpu.memref_squeeze %dma_wait3A_52 : memref<1x1x1x3x10x80xi32, #tpu.memory_space<hbm>> -> memref<3x10x80xi32, #tpu.memory_space<hbm>>
    tpu.wait_dma2 semaphore(%arg15 : memref<!tpu.dma_semaphore, #tpu.memory_space<semaphore_mem>>) src(%dma_wait3A_53 : memref<3x10x80xi32, #tpu.memory_space<hbm>>) dst(%arg5 : memref<3x10x80xi32, #tpu.memory_space<vmem>>)
    %dma_start3A_54 = arith.constant 0 : i32
    %dma_start3A_55 = arith.constant 0 : i32
    %dma_start3A_56 = arith.constant 0 : i32
    %dma_start3A_57 = tpu.memref_slice %arg5[%dma_start3A_54, %dma_start3A_55, %dma_start3A_56] : memref<3x10x80xi32, #tpu.memory_space<vmem>> -> memref<1x1x80xi32, #tpu.memory_space<vmem>>
    %dma_start3A_58 = tpu.memref_squeeze %dma_start3A_57 : memref<1x1x80xi32, #tpu.memory_space<vmem>> -> memref<80xi32, #tpu.memory_space<vmem>>
    %dma_start3A_59 = arith.constant 0 : i32
    %dma_start3A_60 = arith.constant 0 : i32
    %dma_start3A_61 = tpu.memref_slice %arg2[%dma_start3A_59, %dma_start3A_60] : memref<20000x128xbf16, #tpu.memory_space<hbm>> -> memref<20000x128xbf16, #tpu.memory_space<hbm>>
    tpu.enqueue_indirect_dma source(%dma_start3A_61 : memref<20000x128xbf16, #tpu.memory_space<hbm>>) target(%arg7 : memref<80x128xbf16, #tpu.memory_space<vmem>>) offsets(%dma_start3A_58 : memref<80xi32, #tpu.memory_space<vmem>>) semaphore(%arg17 : memref<!tpu.dma_semaphore, #tpu.memory_space<semaphore_mem>>)
    %dma_start3A_62 = arith.constant 0 : i32
    %dma_start3A_63 = arith.constant 1 : i32
    %dma_start3A_64 = arith.constant 0 : i32
    %dma_start3A_65 = tpu.memref_slice %arg5[%dma_start3A_62, %dma_start3A_63, %dma_start3A_64] : memref<3x10x80xi32, #tpu.memory_space<vmem>> -> memref<1x1x80xi32, #tpu.memory_space<vmem>>
    %dma_start3A_66 = tpu.memref_squeeze %dma_start3A_65 : memref<1x1x80xi32, #tpu.memory_space<vmem>> -> memref<80xi32, #tpu.memory_space<vmem>>
    %dma_start3A_67 = arith.constant 0 : i32
    %dma_start3A_68 = arith.constant 0 : i32
    %dma_start3A_69 = tpu.memref_slice %arg2[%dma_start3A_67, %dma_start3A_68] : memref<20000x128xbf16, #tpu.memory_space<hbm>> -> memref<20000x128xbf16, #tpu.memory_space<hbm>>
    tpu.enqueue_indirect_dma source(%dma_start3A_69 : memref<20000x128xbf16, #tpu.memory_space<hbm>>) target(%arg8 : memref<80x128xbf16, #tpu.memory_space<vmem>>) offsets(%dma_start3A_66 : memref<80xi32, #tpu.memory_space<vmem>>) semaphore(%arg18 : memref<!tpu.dma_semaphore, #tpu.memory_space<semaphore_mem>>)
    %scan3A_70 = arith.constant 0 : i32
    %scan3A_71 = arith.constant 12 : i32
    %scan3A_72 = arith.addi %scan3A_70, %scan3A_71 : i32
    %scan3A_73 = arith.constant 1 : i32
    scf.for %scan3A_101 = %scan3A_70 to %scan3A_72 step %scan3A_73  : i32 {
      %mul3A = arith.constant 1 : i32
      %mul3A_102 = arith.muli %scan3A_101, %mul3A : i32
      %add3A_103 = arith.constant 0 : i32
      %add3A_104 = arith.addi %add3A_103, %mul3A_102 : i32
      %mul3A_105 = arith.constant 2 : i32
      %mul3A_106 = arith.muli %mul3A_105, %add3A_104 : i32
      %lt3A_107 = arith.constant 24 : i32
      %lt3A_108 = arith.cmpi slt, %mul3A_106, %lt3A_107 : i32
      %convert_element_type3A_109 = arith.extui %lt3A_108 : i1 to i32
      %cond3A_110 = arith.constant 0 : i32
      %cond3A_111 = arith.cmpi ne, %convert_element_type3A_109, %cond3A_110 : i32
      scf.if %cond3A_111 {
        %dma_wait3A_145 = arith.constant 0 : i32
        %dma_wait3A_146 = arith.constant 0 : i32
        %dma_wait3A_147 = arith.constant 0 : i32
        %dma_wait3A_148 = arith.constant 0 : i32
        %dma_wait3A_149 = tpu.memref_slice %arg3[%arg0, %arg1, %dma_wait3A_145, %dma_wait3A_146, %dma_wait3A_147, %dma_wait3A_148] : memref<2x16x25x3x10x80xi32, #tpu.memory_space<hbm>> -> memref<1x1x1x3x10x80xi32, #tpu.memory_space<hbm>>
        %dma_wait3A_150 = tpu.memref_squeeze %dma_wait3A_149 : memref<1x1x1x3x10x80xi32, #tpu.memory_space<hbm>> -> memref<3x10x80xi32, #tpu.memory_space<hbm>>
        %dma_wait3A_151 = arith.constant 0 : i32
        %dma_wait3A_152 = arith.constant 0 : i32
        %dma_wait3A_153 = arith.constant 0 : i32
        %dma_wait3A_154 = tpu.memref_slice %arg3[%arg0, %arg1, %dma_wait3A_145, %dma_wait3A_151, %dma_wait3A_152, %dma_wait3A_153] : memref<2x16x25x3x10x80xi32, #tpu.memory_space<hbm>> -> memref<1x1x1x3x10x80xi32, #tpu.memory_space<hbm>>
        %dma_wait3A_155 = tpu.memref_squeeze %dma_wait3A_154 : memref<1x1x1x3x10x80xi32, #tpu.memory_space<hbm>> -> memref<3x10x80xi32, #tpu.memory_space<hbm>>
        tpu.wait_dma2 semaphore(%arg16 : memref<!tpu.dma_semaphore, #tpu.memory_space<semaphore_mem>>) src(%dma_wait3A_155 : memref<3x10x80xi32, #tpu.memory_space<hbm>>) dst(%arg6 : memref<3x10x80xi32, #tpu.memory_space<vmem>>)
      } else {
      }
      %scan3A_112 = arith.constant 0 : i32
      %scan3A_113 = arith.constant 5 : i32
      %scan3A_114 = arith.addi %scan3A_112, %scan3A_113 : i32
      %scan3A_115 = arith.constant 1 : i32
      scf.for %scan3A_145 = %scan3A_112 to %scan3A_114 step %scan3A_115  : i32 {
        %mul3A_146 = arith.constant 1 : i32
        %mul3A_147 = arith.muli %scan3A_145, %mul3A_146 : i32
        %add3A_148 = arith.constant 0 : i32
        %add3A_149 = arith.addi %add3A_148, %mul3A_147 : i32
        %dma_wait3A_150 = arith.constant 0 : i32
        %dma_wait3A_151 = arith.constant 0 : i32
        %dma_wait3A_152 = arith.constant 0 : i32
        %dma_wait3A_153 = tpu.memref_slice %arg5[%dma_wait3A_150, %dma_wait3A_151, %dma_wait3A_152] : memref<3x10x80xi32, #tpu.memory_space<vmem>> -> memref<1x1x80xi32, #tpu.memory_space<vmem>>
        %dma_wait3A_154 = tpu.memref_squeeze %dma_wait3A_153 : memref<1x1x80xi32, #tpu.memory_space<vmem>> -> memref<80xi32, #tpu.memory_space<vmem>>
        %dma_wait3A_155 = arith.constant 0 : i32
        %dma_wait3A_156 = arith.constant 0 : i32
        %dma_wait3A_157 = tpu.memref_slice %arg2[%dma_wait3A_155, %dma_wait3A_156] : memref<20000x128xbf16, #tpu.memory_space<hbm>> -> memref<20000x128xbf16, #tpu.memory_space<hbm>>
        tpu.wait_indirect_dma semaphore(%arg17 : memref<!tpu.dma_semaphore, #tpu.memory_space<semaphore_mem>>) src(%dma_wait3A_157 : memref<20000x128xbf16, #tpu.memory_space<hbm>>) dst(%arg7 : memref<80x128xbf16, #tpu.memory_space<vmem>>)
        %gt3A = arith.constant 0 : i32
        %gt3A_158 = arith.cmpi sgt, %add3A_149, %gt3A : i32
        %gt3A_159 = arith.constant 0 : i32
        %gt3A_160 = arith.cmpi sgt, %mul3A_106, %gt3A_159 : i32
        %or3A = arith.ori %gt3A_158, %gt3A_160 : i1
        %convert_element_type3A_161 = arith.extui %or3A : i1 to i32
        %cond3A_162 = arith.constant 0 : i32
        %cond3A_163 = arith.cmpi ne, %convert_element_type3A_161, %cond3A_162 : i32
        scf.if %cond3A_163 {
          %dma_wait3A_243 = arith.constant 0 : i32
          %dma_wait3A_244 = arith.constant 0 : i32
          %dma_wait3A_245 = tpu.memref_slice %arg14[%dma_wait3A_243, %dma_wait3A_244] : memref<10000x144xf32, #tpu.memory_space<vmem_shared>> -> memref<10000x144xf32, #tpu.memory_space<vmem_shared>>
          tpu.wait_indirect_dma semaphore(%arg19 : memref<!tpu.dma_semaphore, #tpu.memory_space<semaphore_mem>>) src(%arg9 : memref<80x144xf32, #tpu.memory_space<vmem>>) dst(%dma_wait3A_245 : memref<10000x144xf32, #tpu.memory_space<vmem_shared>>)
        } else {
        }
        %mul3A_164 = arith.constant 2 : i32
        %mul3A_165 = arith.muli %mul3A_164, %add3A_149 : i32
        %scan3A_166 = arith.constant 0 : i32
        %scan3A_167 = arith.constant 5 : i32
        %scan3A_168 = arith.addi %scan3A_166, %scan3A_167 : i32
        %scan3A_169 = arith.constant 1 : i32
        scf.for %scan3A_243 = %scan3A_166 to %scan3A_168 step %scan3A_169  : i32 {
          %mul3A_244 = arith.constant 1 : i32
          %mul3A_245 = arith.muli %scan3A_243, %mul3A_244 : i32
          %add3A_246 = arith.constant 0 : i32
          %add3A_247 = arith.addi %add3A_246, %mul3A_245 : i32
          %mul3A_248 = arith.constant 16 : i32
          %mul3A_249 = arith.muli %add3A_247, %mul3A_248 : i32
          %get3A = arith.constant 2 : i32
          %get3A_250 = arith.index_cast %get3A : i32 to index
          %get3A_251 = arith.index_cast %mul3A_165 : i32 to index
          %get3A_252 = arith.index_cast %mul3A_249 : i32 to index
          %get3A_253 = tpu.vector_load %arg5[%get3A_250, %get3A_251, %get3A_252] {strides = array<i32>} : memref<3x10x80xi32, #tpu.memory_space<vmem>>, vector<16xi32>,
          %mul3A_254 = arith.constant 16 : i32
          %mul3A_255 = arith.muli %add3A_247, %mul3A_254 : i32
          %swap3A = arith.index_cast %mul3A_255 : i32 to index
          %swap3A_256 = tpu.vector_load %arg12[%swap3A] {strides = array<i32>} : memref<80xi32, #tpu.memory_space<vmem>>, vector<16xi32>,
          tpu.vector_store %arg12[%swap3A], %get3A_253 {strides = array<i32>} : memref<80xi32, #tpu.memory_space<vmem>>, vector<16xi32>,
        }
        %scan3A_170 = arith.constant 5 : i32
        %mul3A_171 = arith.constant 2 : i32
        %mul3A_172 = arith.muli %mul3A_171, %add3A_149 : i32
        %broadcast_in_dim3A_173 = arith.constant 1 : i32
        %broadcast_in_dim3A_174 = vector.broadcast %broadcast_in_dim3A_173 : i32 to vector<16xi32>
        %broadcast_in_dim3A_175 = vector.broadcast %mul3A_172 : i32 to vector<16xi32>
        %parallel_loop3A = arith.constant 0 : i32
        %parallel_loop3A_176 = arith.constant 80 : i32
        %parallel_loop3A_177 = arith.constant 1 : i32
        scf.for %parallel_loop3A_243 = %parallel_loop3A to %parallel_loop3A_176 step %parallel_loop3A_177  : i32 {
          %parallel_loop3A_244 = vector.broadcast %parallel_loop3A_243 : i32 to vector<16xi32>
          %parallel_loop3A_245 = tpu.vector_load_idx %arg5[%broadcast_in_dim3A_174, %broadcast_in_dim3A_175, %parallel_loop3A_244] : memref<3x10x80xi32, #tpu.memory_space<vmem>>[vector<16xi32>, vector<16xi32>, vector<16xi32>], vector<16xi32>,
          %parallel_loop3A_246 = vector.bitcast %parallel_loop3A_245 : vector<16xi32> to vector<16xf32>
          %parallel_loop3A_247 = arith.index_cast %parallel_loop3A_243 : i32 to index
          %parallel_loop3A_248 = arith.constant 128 : index
          %parallel_loop3A_249 = tpu.vector_load %arg9[%parallel_loop3A_247, %parallel_loop3A_248] {strides = array<i32>} : memref<80x144xf32, #tpu.memory_space<vmem>>, vector<16xf32>,
          tpu.vector_store %arg9[%parallel_loop3A_247, %parallel_loop3A_248], %parallel_loop3A_246 {strides = array<i32>} : memref<80x144xf32, #tpu.memory_space<vmem>>, vector<16xf32>,
          %parallel_loop3A_250 = arith.index_cast %parallel_loop3A_243 : i32 to index
          %parallel_loop3A_251 = arith.constant 0 : index
          %parallel_loop3A_252 = tpu.vector_load %arg7[%parallel_loop3A_250, %parallel_loop3A_251] {strides = array<i32>} : memref<80x128xbf16, #tpu.memory_space<vmem>>, vector<32xbf16>,
          %parallel_loop3A_253 = vector.bitcast %parallel_loop3A_252 : vector<32xbf16> to vector<16xi32>
          %parallel_loop3A_254 = arith.shli %parallel_loop3A_253, %broadcast_in_dim3A_4 : vector<16xi32>
          %parallel_loop3A_255 = vector.bitcast %parallel_loop3A_254 : vector<16xi32> to vector<16xf32>
          %parallel_loop3A_256 = arith.andi %parallel_loop3A_253, %broadcast_in_dim3A_2 : vector<16xi32>
          %parallel_loop3A_257 = vector.bitcast %parallel_loop3A_256 : vector<16xi32> to vector<16xf32>
          %parallel_loop3A_258 = arith.mulf %parallel_loop3A_255, %parallel_loop3A_246 : vector<16xf32>
          %parallel_loop3A_259 = arith.index_cast %parallel_loop3A_243 : i32 to index
          %parallel_loop3A_260 = arith.constant 0 : index
          %parallel_loop3A_261 = tpu.vector_load %arg9[%parallel_loop3A_259, %parallel_loop3A_260] {strides = array<i32>} : memref<80x144xf32, #tpu.memory_space<vmem>>, vector<16xf32>,
          tpu.vector_store %arg9[%parallel_loop3A_259, %parallel_loop3A_260], %parallel_loop3A_258 {strides = array<i32>} : memref<80x144xf32, #tpu.memory_space<vmem>>, vector<16xf32>,
          %parallel_loop3A_262 = arith.mulf %parallel_loop3A_257, %parallel_loop3A_246 : vector<16xf32>
          %parallel_loop3A_263 = arith.index_cast %parallel_loop3A_243 : i32 to index
          %parallel_loop3A_264 = arith.constant 16 : index
          %parallel_loop3A_265 = tpu.vector_load %arg9[%parallel_loop3A_263, %parallel_loop3A_264] {strides = array<i32>} : memref<80x144xf32, #tpu.memory_space<vmem>>, vector<16xf32>,
          tpu.vector_store %arg9[%parallel_loop3A_263, %parallel_loop3A_264], %parallel_loop3A_262 {strides = array<i32>} : memref<80x144xf32, #tpu.memory_space<vmem>>, vector<16xf32>,
          %parallel_loop3A_266 = arith.index_cast %parallel_loop3A_243 : i32 to index
          %parallel_loop3A_267 = arith.constant 32 : index
          %parallel_loop3A_268 = tpu.vector_load %arg7[%parallel_loop3A_266, %parallel_loop3A_267] {strides = array<i32>} : memref<80x128xbf16, #tpu.memory_space<vmem>>, vector<32xbf16>,
          %parallel_loop3A_269 = vector.bitcast %parallel_loop3A_268 : vector<32xbf16> to vector<16xi32>
          %parallel_loop3A_270 = arith.shli %parallel_loop3A_269, %broadcast_in_dim3A_4 : vector<16xi32>
          %parallel_loop3A_271 = vector.bitcast %parallel_loop3A_270 : vector<16xi32> to vector<16xf32>
          %parallel_loop3A_272 = arith.andi %parallel_loop3A_269, %broadcast_in_dim3A_2 : vector<16xi32>
          %parallel_loop3A_273 = vector.bitcast %parallel_loop3A_272 : vector<16xi32> to vector<16xf32>
          %parallel_loop3A_274 = arith.mulf %parallel_loop3A_271, %parallel_loop3A_246 : vector<16xf32>
          %parallel_loop3A_275 = arith.index_cast %parallel_loop3A_243 : i32 to index
          %parallel_loop3A_276 = arith.constant 32 : index
          %parallel_loop3A_277 = tpu.vector_load %arg9[%parallel_loop3A_275, %parallel_loop3A_276] {strides = array<i32>} : memref<80x144xf32, #tpu.memory_space<vmem>>, vector<16xf32>,
          tpu.vector_store %arg9[%parallel_loop3A_275, %parallel_loop3A_276], %parallel_loop3A_274 {strides = array<i32>} : memref<80x144xf32, #tpu.memory_space<vmem>>, vector<16xf32>,
          %parallel_loop3A_278 = arith.mulf %parallel_loop3A_273, %parallel_loop3A_246 : vector<16xf32>
          %parallel_loop3A_279 = arith.index_cast %parallel_loop3A_243 : i32 to index
          %parallel_loop3A_280 = arith.constant 48 : index
          %parallel_loop3A_281 = tpu.vector_load %arg9[%parallel_loop3A_279, %parallel_loop3A_280] {strides = array<i32>} : memref<80x144xf32, #tpu.memory_space<vmem>>, vector<16xf32>,
          tpu.vector_store %arg9[%parallel_loop3A_279, %parallel_loop3A_280], %parallel_loop3A_278 {strides = array<i32>} : memref<80x144xf32, #tpu.memory_space<vmem>>, vector<16xf32>,
          %parallel_loop3A_282 = arith.index_cast %parallel_loop3A_243 : i32 to index
          %parallel_loop3A_283 = arith.constant 64 : index
          %parallel_loop3A_284 = tpu.vector_load %arg7[%parallel_loop3A_282, %parallel_loop3A_283] {strides = array<i32>} : memref<80x128xbf16, #tpu.memory_space<vmem>>, vector<32xbf16>,
          %parallel_loop3A_285 = vector.bitcast %parallel_loop3A_284 : vector<32xbf16> to vector<16xi32>
          %parallel_loop3A_286 = arith.shli %parallel_loop3A_285, %broadcast_in_dim3A_4 : vector<16xi32>
          %parallel_loop3A_287 = vector.bitcast %parallel_loop3A_286 : vector<16xi32> to vector<16xf32>
          %parallel_loop3A_288 = arith.andi %parallel_loop3A_285, %broadcast_in_dim3A_2 : vector<16xi32>
          %parallel_loop3A_289 = vector.bitcast %parallel_loop3A_288 : vector<16xi32> to vector<16xf32>
          %parallel_loop3A_290 = arith.mulf %parallel_loop3A_287, %parallel_loop3A_246 : vector<16xf32>
          %parallel_loop3A_291 = arith.index_cast %parallel_loop3A_243 : i32 to index
          %parallel_loop3A_292 = arith.constant 64 : index
          %parallel_loop3A_293 = tpu.vector_load %arg9[%parallel_loop3A_291, %parallel_loop3A_292] {strides = array<i32>} : memref<80x144xf32, #tpu.memory_space<vmem>>, vector<16xf32>,
          tpu.vector_store %arg9[%parallel_loop3A_291, %parallel_loop3A_292], %parallel_loop3A_290 {strides = array<i32>} : memref<80x144xf32, #tpu.memory_space<vmem>>, vector<16xf32>,
          %parallel_loop3A_294 = arith.mulf %parallel_loop3A_289, %parallel_loop3A_246 : vector<16xf32>
          %parallel_loop3A_295 = arith.index_cast %parallel_loop3A_243 : i32 to index
          %parallel_loop3A_296 = arith.constant 80 : index
          %parallel_loop3A_297 = tpu.vector_load %arg9[%parallel_loop3A_295, %parallel_loop3A_296] {strides = array<i32>} : memref<80x144xf32, #tpu.memory_space<vmem>>, vector<16xf32>,
          tpu.vector_store %arg9[%parallel_loop3A_295, %parallel_loop3A_296], %parallel_loop3A_294 {strides = array<i32>} : memref<80x144xf32, #tpu.memory_space<vmem>>, vector<16xf32>,
          %parallel_loop3A_298 = arith.index_cast %parallel_loop3A_243 : i32 to index
          %parallel_loop3A_299 = arith.constant 96 : index
          %parallel_loop3A_300 = tpu.vector_load %arg7[%parallel_loop3A_298, %parallel_loop3A_299] {strides = array<i32>} : memref<80x128xbf16, #tpu.memory_space<vmem>>, vector<32xbf16>,
          %parallel_loop3A_301 = vector.bitcast %parallel_loop3A_300 : vector<32xbf16> to vector<16xi32>
          %parallel_loop3A_302 = arith.shli %parallel_loop3A_301, %broadcast_in_dim3A_4 : vector<16xi32>
          %parallel_loop3A_303 = vector.bitcast %parallel_loop3A_302 : vector<16xi32> to vector<16xf32>
          %parallel_loop3A_304 = arith.andi %parallel_loop3A_301, %broadcast_in_dim3A_2 : vector<16xi32>
          %parallel_loop3A_305 = vector.bitcast %parallel_loop3A_304 : vector<16xi32> to vector<16xf32>
          %parallel_loop3A_306 = arith.mulf %parallel_loop3A_303, %parallel_loop3A_246 : vector<16xf32>
          %parallel_loop3A_307 = arith.index_cast %parallel_loop3A_243 : i32 to index
          %parallel_loop3A_308 = arith.constant 96 : index
          %parallel_loop3A_309 = tpu.vector_load %arg9[%parallel_loop3A_307, %parallel_loop3A_308] {strides = array<i32>} : memref<80x144xf32, #tpu.memory_space<vmem>>, vector<16xf32>,
          tpu.vector_store %arg9[%parallel_loop3A_307, %parallel_loop3A_308], %parallel_loop3A_306 {strides = array<i32>} : memref<80x144xf32, #tpu.memory_space<vmem>>, vector<16xf32>,
          %parallel_loop3A_310 = arith.mulf %parallel_loop3A_305, %parallel_loop3A_246 : vector<16xf32>
          %parallel_loop3A_311 = arith.index_cast %parallel_loop3A_243 : i32 to index
          %parallel_loop3A_312 = arith.constant 112 : index
          %parallel_loop3A_313 = tpu.vector_load %arg9[%parallel_loop3A_311, %parallel_loop3A_312] {strides = array<i32>} : memref<80x144xf32, #tpu.memory_space<vmem>>, vector<16xf32>,
          tpu.vector_store %arg9[%parallel_loop3A_311, %parallel_loop3A_312], %parallel_loop3A_310 {strides = array<i32>} : memref<80x144xf32, #tpu.memory_space<vmem>>, vector<16xf32>,
        } {sc.loop_unroll_factor = 1 : i64, sc.parallel_access}
        %lt3A_178 = arith.constant 4 : i32
        %lt3A_179 = arith.cmpi slt, %add3A_149, %lt3A_178 : i32
        %convert_element_type3A_180 = arith.extui %lt3A_179 : i1 to i32
        %cond3A_181 = arith.constant 0 : i32
        %cond3A_182 = arith.cmpi ne, %convert_element_type3A_180, %cond3A_181 : i32
        scf.if %cond3A_182 {
          %mul3A_243 = arith.constant 2 : i32
          %mul3A_244 = arith.muli %mul3A_243, %add3A_149 : i32
          %add3A_245 = arith.constant 2 : i32
          %add3A_246 = arith.addi %mul3A_244, %add3A_245 : i32
          %dma_start3A_247 = arith.constant 0 : i32
          %dma_start3A_248 = arith.constant 0 : i32
          %dma_start3A_249 = tpu.memref_slice %arg5[%dma_start3A_247, %add3A_246, %dma_start3A_248] : memref<3x10x80xi32, #tpu.memory_space<vmem>> -> memref<1x1x80xi32, #tpu.memory_space<vmem>>
          %dma_start3A_250 = tpu.memref_squeeze %dma_start3A_249 : memref<1x1x80xi32, #tpu.memory_space<vmem>> -> memref<80xi32, #tpu.memory_space<vmem>>
          %dma_start3A_251 = arith.constant 0 : i32
          %dma_start3A_252 = arith.constant 0 : i32
          %dma_start3A_253 = tpu.memref_slice %arg2[%dma_start3A_251, %dma_start3A_252] : memref<20000x128xbf16, #tpu.memory_space<hbm>> -> memref<20000x128xbf16, #tpu.memory_space<hbm>>
          tpu.enqueue_indirect_dma source(%dma_start3A_253 : memref<20000x128xbf16, #tpu.memory_space<hbm>>) target(%arg7 : memref<80x128xbf16, #tpu.memory_space<vmem>>) offsets(%dma_start3A_250 : memref<80xi32, #tpu.memory_space<vmem>>) semaphore(%arg17 : memref<!tpu.dma_semaphore, #tpu.memory_space<semaphore_mem>>)
        } else {
        }
        %eq3A = arith.constant 4 : i32
        %eq3A_183 = arith.cmpi eq, %add3A_149, %eq3A : i32
        %lt3A_184 = arith.constant 24 : i32
        %lt3A_185 = arith.cmpi slt, %mul3A_106, %lt3A_184 : i32
        %and3A = arith.andi %eq3A_183, %lt3A_185 : i1
        %convert_element_type3A_186 = arith.extui %and3A : i1 to i32
        %cond3A_187 = arith.constant 0 : i32
        %cond3A_188 = arith.cmpi ne, %convert_element_type3A_186, %cond3A_187 : i32
        scf.if %cond3A_188 {
          %dma_start3A_243 = arith.constant 0 : i32
          %dma_start3A_244 = arith.constant 0 : i32
          %dma_start3A_245 = arith.constant 0 : i32
          %dma_start3A_246 = tpu.memref_slice %arg6[%dma_start3A_243, %dma_start3A_244, %dma_start3A_245] : memref<3x10x80xi32, #tpu.memory_space<vmem>> -> memref<1x1x80xi32, #tpu.memory_space<vmem>>
          %dma_start3A_247 = tpu.memref_squeeze %dma_start3A_246 : memref<1x1x80xi32, #tpu.memory_space<vmem>> -> memref<80xi32, #tpu.memory_space<vmem>>
          %dma_start3A_248 = arith.constant 0 : i32
          %dma_start3A_249 = arith.constant 0 : i32
          %dma_start3A_250 = tpu.memref_slice %arg2[%dma_start3A_248, %dma_start3A_249] : memref<20000x128xbf16, #tpu.memory_space<hbm>> -> memref<20000x128xbf16, #tpu.memory_space<hbm>>
          tpu.enqueue_indirect_dma source(%dma_start3A_250 : memref<20000x128xbf16, #tpu.memory_space<hbm>>) target(%arg7 : memref<80x128xbf16, #tpu.memory_space<vmem>>) offsets(%dma_start3A_247 : memref<80xi32, #tpu.memory_space<vmem>>) semaphore(%arg17 : memref<!tpu.dma_semaphore, #tpu.memory_space<semaphore_mem>>)
        } else {
        }
        %dma_start3A_189 = arith.constant 0 : i32
        %dma_start3A_190 = arith.constant 0 : i32
        %dma_start3A_191 = tpu.memref_slice %arg14[%dma_start3A_189, %dma_start3A_190] : memref<10000x144xf32, #tpu.memory_space<vmem_shared>> -> memref<10000x144xf32, #tpu.memory_space<vmem_shared>>
        tpu.enqueue_indirect_dma source(%arg9 : memref<80x144xf32, #tpu.memory_space<vmem>>) target(%dma_start3A_191 : memref<10000x144xf32, #tpu.memory_space<vmem_shared>>) offsets(%arg12 : memref<80xi32, #tpu.memory_space<vmem>>) semaphore(%arg19 : memref<!tpu.dma_semaphore, #tpu.memory_space<semaphore_mem>>) {add = true}
        %dma_wait3A_192 = arith.constant 0 : i32
        %dma_wait3A_193 = arith.constant 0 : i32
        %dma_wait3A_194 = arith.constant 0 : i32
        %dma_wait3A_195 = tpu.memref_slice %arg5[%dma_wait3A_192, %dma_wait3A_193, %dma_wait3A_194] : memref<3x10x80xi32, #tpu.memory_space<vmem>> -> memref<1x1x80xi32, #tpu.memory_space<vmem>>
        %dma_wait3A_196 = tpu.memref_squeeze %dma_wait3A_195 : memref<1x1x80xi32, #tpu.memory_space<vmem>> -> memref<80xi32, #tpu.memory_space<vmem>>
        %dma_wait3A_197 = arith.constant 0 : i32
        %dma_wait3A_198 = arith.constant 0 : i32
        %dma_wait3A_199 = tpu.memref_slice %arg2[%dma_wait3A_197, %dma_wait3A_198] : memref<20000x128xbf16, #tpu.memory_space<hbm>> -> memref<20000x128xbf16, #tpu.memory_space<hbm>>
        tpu.wait_indirect_dma semaphore(%arg18 : memref<!tpu.dma_semaphore, #tpu.memory_space<semaphore_mem>>) src(%dma_wait3A_199 : memref<20000x128xbf16, #tpu.memory_space<hbm>>) dst(%arg8 : memref<80x128xbf16, #tpu.memory_space<vmem>>)
        %gt3A_200 = arith.constant 0 : i32
        %gt3A_201 = arith.cmpi sgt, %add3A_149, %gt3A_200 : i32
        %gt3A_202 = arith.constant 0 : i32
        %gt3A_203 = arith.cmpi sgt, %mul3A_106, %gt3A_202 : i32
        %or3A_204 = arith.ori %gt3A_201, %gt3A_203 : i1
        %convert_element_type3A_205 = arith.extui %or3A_204 : i1 to i32
        %cond3A_206 = arith.constant 0 : i32
        %cond3A_207 = arith.cmpi ne, %convert_element_type3A_205, %cond3A_206 : i32
        scf.if %cond3A_207 {
          %dma_wait3A_243 = arith.constant 0 : i32
          %dma_wait3A_244 = arith.constant 0 : i32
          %dma_wait3A_245 = tpu.memref_slice %arg14[%dma_wait3A_243, %dma_wait3A_244] : memref<10000x144xf32, #tpu.memory_space<vmem_shared>> -> memref<10000x144xf32, #tpu.memory_space<vmem_shared>>
          tpu.wait_indirect_dma semaphore(%arg20 : memref<!tpu.dma_semaphore, #tpu.memory_space<semaphore_mem>>) src(%arg10 : memref<80x144xf32, #tpu.memory_space<vmem>>) dst(%dma_wait3A_245 : memref<10000x144xf32, #tpu.memory_space<vmem_shared>>)
        } else {
        }
        %mul3A_208 = arith.constant 2 : i32
        %mul3A_209 = arith.muli %mul3A_208, %add3A_149 : i32
        %add3A_210 = arith.constant 1 : i32
        %add3A_211 = arith.addi %mul3A_209, %add3A_210 : i32
        %scan3A_212 = arith.constant 0 : i32
        %scan3A_213 = arith.constant 5 : i32
        %scan3A_214 = arith.addi %scan3A_212, %scan3A_213 : i32
        %scan3A_215 = arith.constant 1 : i32
        scf.for %scan3A_243 = %scan3A_212 to %scan3A_214 step %scan3A_215  : i32 {
          %mul3A_244 = arith.constant 1 : i32
          %mul3A_245 = arith.muli %scan3A_243, %mul3A_244 : i32
          %add3A_246 = arith.constant 0 : i32
          %add3A_247 = arith.addi %add3A_246, %mul3A_245 : i32
          %mul3A_248 = arith.constant 16 : i32
          %mul3A_249 = arith.muli %add3A_247, %mul3A_248 : i32
          %get3A = arith.constant 2 : i32
          %get3A_250 = arith.index_cast %get3A : i32 to index
          %get3A_251 = arith.index_cast %add3A_211 : i32 to index
          %get3A_252 = arith.index_cast %mul3A_249 : i32 to index
          %get3A_253 = tpu.vector_load %arg5[%get3A_250, %get3A_251, %get3A_252] {strides = array<i32>} : memref<3x10x80xi32, #tpu.memory_space<vmem>>, vector<16xi32>,
          %mul3A_254 = arith.constant 16 : i32
          %mul3A_255 = arith.muli %add3A_247, %mul3A_254 : i32
          %swap3A = arith.index_cast %mul3A_255 : i32 to index
          %swap3A_256 = tpu.vector_load %arg13[%swap3A] {strides = array<i32>} : memref<80xi32, #tpu.memory_space<vmem>>, vector<16xi32>,
          tpu.vector_store %arg13[%swap3A], %get3A_253 {strides = array<i32>} : memref<80xi32, #tpu.memory_space<vmem>>, vector<16xi32>,
        }
        %scan3A_216 = arith.constant 5 : i32
        %mul3A_217 = arith.constant 2 : i32
        %mul3A_218 = arith.muli %mul3A_217, %add3A_149 : i32
        %add3A_219 = arith.constant 1 : i32
        %add3A_220 = arith.addi %mul3A_218, %add3A_219 : i32
        %broadcast_in_dim3A_221 = arith.constant 1 : i32
        %broadcast_in_dim3A_222 = vector.broadcast %broadcast_in_dim3A_221 : i32 to vector<16xi32>
        %broadcast_in_dim3A_223 = vector.broadcast %add3A_220 : i32 to vector<16xi32>
        %parallel_loop3A_224 = arith.constant 0 : i32
        %parallel_loop3A_225 = arith.constant 80 : i32
        %parallel_loop3A_226 = arith.constant 1 : i32
        scf.for %parallel_loop3A_243 = %parallel_loop3A_224 to %parallel_loop3A_225 step %parallel_loop3A_226  : i32 {
          %parallel_loop3A_244 = vector.broadcast %parallel_loop3A_243 : i32 to vector<16xi32>
          %parallel_loop3A_245 = tpu.vector_load_idx %arg5[%broadcast_in_dim3A_222, %broadcast_in_dim3A_223, %parallel_loop3A_244] : memref<3x10x80xi32, #tpu.memory_space<vmem>>[vector<16xi32>, vector<16xi32>, vector<16xi32>], vector<16xi32>,
          %parallel_loop3A_246 = vector.bitcast %parallel_loop3A_245 : vector<16xi32> to vector<16xf32>
          %parallel_loop3A_247 = arith.index_cast %parallel_loop3A_243 : i32 to index
          %parallel_loop3A_248 = arith.constant 128 : index
          %parallel_loop3A_249 = tpu.vector_load %arg10[%parallel_loop3A_247, %parallel_loop3A_248] {strides = array<i32>} : memref<80x144xf32, #tpu.memory_space<vmem>>, vector<16xf32>,
          tpu.vector_store %arg10[%parallel_loop3A_247, %parallel_loop3A_248], %parallel_loop3A_246 {strides = array<i32>} : memref<80x144xf32, #tpu.memory_space<vmem>>, vector<16xf32>,
          %parallel_loop3A_250 = arith.index_cast %parallel_loop3A_243 : i32 to index
          %parallel_loop3A_251 = arith.constant 0 : index
          %parallel_loop3A_252 = tpu.vector_load %arg8[%parallel_loop3A_250, %parallel_loop3A_251] {strides = array<i32>} : memref<80x128xbf16, #tpu.memory_space<vmem>>, vector<32xbf16>,
          %parallel_loop3A_253 = vector.bitcast %parallel_loop3A_252 : vector<32xbf16> to vector<16xi32>
          %parallel_loop3A_254 = arith.shli %parallel_loop3A_253, %broadcast_in_dim3A_4 : vector<16xi32>
          %parallel_loop3A_255 = vector.bitcast %parallel_loop3A_254 : vector<16xi32> to vector<16xf32>
          %parallel_loop3A_256 = arith.andi %parallel_loop3A_253, %broadcast_in_dim3A_2 : vector<16xi32>
          %parallel_loop3A_257 = vector.bitcast %parallel_loop3A_256 : vector<16xi32> to vector<16xf32>
          %parallel_loop3A_258 = arith.mulf %parallel_loop3A_255, %parallel_loop3A_246 : vector<16xf32>
          %parallel_loop3A_259 = arith.index_cast %parallel_loop3A_243 : i32 to index
          %parallel_loop3A_260 = arith.constant 0 : index
          %parallel_loop3A_261 = tpu.vector_load %arg10[%parallel_loop3A_259, %parallel_loop3A_260] {strides = array<i32>} : memref<80x144xf32, #tpu.memory_space<vmem>>, vector<16xf32>,
          tpu.vector_store %arg10[%parallel_loop3A_259, %parallel_loop3A_260], %parallel_loop3A_258 {strides = array<i32>} : memref<80x144xf32, #tpu.memory_space<vmem>>, vector<16xf32>,
          %parallel_loop3A_262 = arith.mulf %parallel_loop3A_257, %parallel_loop3A_246 : vector<16xf32>
          %parallel_loop3A_263 = arith.index_cast %parallel_loop3A_243 : i32 to index
          %parallel_loop3A_264 = arith.constant 16 : index
          %parallel_loop3A_265 = tpu.vector_load %arg10[%parallel_loop3A_263, %parallel_loop3A_264] {strides = array<i32>} : memref<80x144xf32, #tpu.memory_space<vmem>>, vector<16xf32>,
          tpu.vector_store %arg10[%parallel_loop3A_263, %parallel_loop3A_264], %parallel_loop3A_262 {strides = array<i32>} : memref<80x144xf32, #tpu.memory_space<vmem>>, vector<16xf32>,
          %parallel_loop3A_266 = arith.index_cast %parallel_loop3A_243 : i32 to index
          %parallel_loop3A_267 = arith.constant 32 : index
          %parallel_loop3A_268 = tpu.vector_load %arg8[%parallel_loop3A_266, %parallel_loop3A_267] {strides = array<i32>} : memref<80x128xbf16, #tpu.memory_space<vmem>>, vector<32xbf16>,
          %parallel_loop3A_269 = vector.bitcast %parallel_loop3A_268 : vector<32xbf16> to vector<16xi32>
          %parallel_loop3A_270 = arith.shli %parallel_loop3A_269, %broadcast_in_dim3A_4 : vector<16xi32>
          %parallel_loop3A_271 = vector.bitcast %parallel_loop3A_270 : vector<16xi32> to vector<16xf32>
          %parallel_loop3A_272 = arith.andi %parallel_loop3A_269, %broadcast_in_dim3A_2 : vector<16xi32>
          %parallel_loop3A_273 = vector.bitcast %parallel_loop3A_272 : vector<16xi32> to vector<16xf32>
          %parallel_loop3A_274 = arith.mulf %parallel_loop3A_271, %parallel_loop3A_246 : vector<16xf32>
          %parallel_loop3A_275 = arith.index_cast %parallel_loop3A_243 : i32 to index
          %parallel_loop3A_276 = arith.constant 32 : index
          %parallel_loop3A_277 = tpu.vector_load %arg10[%parallel_loop3A_275, %parallel_loop3A_276] {strides = array<i32>} : memref<80x144xf32, #tpu.memory_space<vmem>>, vector<16xf32>,
          tpu.vector_store %arg10[%parallel_loop3A_275, %parallel_loop3A_276], %parallel_loop3A_274 {strides = array<i32>} : memref<80x144xf32, #tpu.memory_space<vmem>>, vector<16xf32>,
          %parallel_loop3A_278 = arith.mulf %parallel_loop3A_273, %parallel_loop3A_246 : vector<16xf32>
          %parallel_loop3A_279 = arith.index_cast %parallel_loop3A_243 : i32 to index
          %parallel_loop3A_280 = arith.constant 48 : index
          %parallel_loop3A_281 = tpu.vector_load %arg10[%parallel_loop3A_279, %parallel_loop3A_280] {strides = array<i32>} : memref<80x144xf32, #tpu.memory_space<vmem>>, vector<16xf32>,
          tpu.vector_store %arg10[%parallel_loop3A_279, %parallel_loop3A_280], %parallel_loop3A_278 {strides = array<i32>} : memref<80x144xf32, #tpu.memory_space<vmem>>, vector<16xf32>,
          %parallel_loop3A_282 = arith.index_cast %parallel_loop3A_243 : i32 to index
          %parallel_loop3A_283 = arith.constant 64 : index
          %parallel_loop3A_284 = tpu.vector_load %arg8[%parallel_loop3A_282, %parallel_loop3A_283] {strides = array<i32>} : memref<80x128xbf16, #tpu.memory_space<vmem>>, vector<32xbf16>,
          %parallel_loop3A_285 = vector.bitcast %parallel_loop3A_284 : vector<32xbf16> to vector<16xi32>
          %parallel_loop3A_286 = arith.shli %parallel_loop3A_285, %broadcast_in_dim3A_4 : vector<16xi32>
          %parallel_loop3A_287 = vector.bitcast %parallel_loop3A_286 : vector<16xi32> to vector<16xf32>
          %parallel_loop3A_288 = arith.andi %parallel_loop3A_285, %broadcast_in_dim3A_2 : vector<16xi32>
          %parallel_loop3A_289 = vector.bitcast %parallel_loop3A_288 : vector<16xi32> to vector<16xf32>
          %parallel_loop3A_290 = arith.mulf %parallel_loop3A_287, %parallel_loop3A_246 : vector<16xf32>
          %parallel_loop3A_291 = arith.index_cast %parallel_loop3A_243 : i32 to index
          %parallel_loop3A_292 = arith.constant 64 : index
          %parallel_loop3A_293 = tpu.vector_load %arg10[%parallel_loop3A_291, %parallel_loop3A_292] {strides = array<i32>} : memref<80x144xf32, #tpu.memory_space<vmem>>, vector<16xf32>,
          tpu.vector_store %arg10[%parallel_loop3A_291, %parallel_loop3A_292], %parallel_loop3A_290 {strides = array<i32>} : memref<80x144xf32, #tpu.memory_space<vmem>>, vector<16xf32>,
          %parallel_loop3A_294 = arith.mulf %parallel_loop3A_289, %parallel_loop3A_246 : vector<16xf32>
          %parallel_loop3A_295 = arith.index_cast %parallel_loop3A_243 : i32 to index
          %parallel_loop3A_296 = arith.constant 80 : index
          %parallel_loop3A_297 = tpu.vector_load %arg10[%parallel_loop3A_295, %parallel_loop3A_296] {strides = array<i32>} : memref<80x144xf32, #tpu.memory_space<vmem>>, vector<16xf32>,
          tpu.vector_store %arg10[%parallel_loop3A_295, %parallel_loop3A_296], %parallel_loop3A_294 {strides = array<i32>} : memref<80x144xf32, #tpu.memory_space<vmem>>, vector<16xf32>,
          %parallel_loop3A_298 = arith.index_cast %parallel_loop3A_243 : i32 to index
          %parallel_loop3A_299 = arith.constant 96 : index
          %parallel_loop3A_300 = tpu.vector_load %arg8[%parallel_loop3A_298, %parallel_loop3A_299] {strides = array<i32>} : memref<80x128xbf16, #tpu.memory_space<vmem>>, vector<32xbf16>,
          %parallel_loop3A_301 = vector.bitcast %parallel_loop3A_300 : vector<32xbf16> to vector<16xi32>
          %parallel_loop3A_302 = arith.shli %parallel_loop3A_301, %broadcast_in_dim3A_4 : vector<16xi32>
          %parallel_loop3A_303 = vector.bitcast %parallel_loop3A_302 : vector<16xi32> to vector<16xf32>
          %parallel_loop3A_304 = arith.andi %parallel_loop3A_301, %broadcast_in_dim3A_2 : vector<16xi32>
          %parallel_loop3A_305 = vector.bitcast %parallel_loop3A_304 : vector<16xi32> to vector<16xf32>
          %parallel_loop3A_306 = arith.mulf %parallel_loop3A_303, %parallel_loop3A_246 : vector<16xf32>
          %parallel_loop3A_307 = arith.index_cast %parallel_loop3A_243 : i32 to index
          %parallel_loop3A_308 = arith.constant 96 : index
          %parallel_loop3A_309 = tpu.vector_load %arg10[%parallel_loop3A_307, %parallel_loop3A_308] {strides = array<i32>} : memref<80x144xf32, #tpu.memory_space<vmem>>, vector<16xf32>,
          tpu.vector_store %arg10[%parallel_loop3A_307, %parallel_loop3A_308], %parallel_loop3A_306 {strides = array<i32>} : memref<80x144xf32, #tpu.memory_space<vmem>>, vector<16xf32>,
          %parallel_loop3A_310 = arith.mulf %parallel_loop3A_305, %parallel_loop3A_246 : vector<16xf32>
          %parallel_loop3A_311 = arith.index_cast %parallel_loop3A_243 : i32 to index
          %parallel_loop3A_312 = arith.constant 112 : index
          %parallel_loop3A_313 = tpu.vector_load %arg10[%parallel_loop3A_311, %parallel_loop3A_312] {strides = array<i32>} : memref<80x144xf32, #tpu.memory_space<vmem>>, vector<16xf32>,
          tpu.vector_store %arg10[%parallel_loop3A_311, %parallel_loop3A_312], %parallel_loop3A_310 {strides = array<i32>} : memref<80x144xf32, #tpu.memory_space<vmem>>, vector<16xf32>,
        } {sc.loop_unroll_factor = 1 : i64, sc.parallel_access}
        %lt3A_227 = arith.constant 4 : i32
        %lt3A_228 = arith.cmpi slt, %add3A_149, %lt3A_227 : i32
        %convert_element_type3A_229 = arith.extui %lt3A_228 : i1 to i32
        %cond3A_230 = arith.constant 0 : i32
        %cond3A_231 = arith.cmpi ne, %convert_element_type3A_229, %cond3A_230 : i32
        scf.if %cond3A_231 {
          %mul3A_243 = arith.constant 2 : i32
          %mul3A_244 = arith.muli %mul3A_243, %add3A_149 : i32
          %add3A_245 = arith.constant 3 : i32
          %add3A_246 = arith.addi %mul3A_244, %add3A_245 : i32
          %dma_start3A_247 = arith.constant 0 : i32
          %dma_start3A_248 = arith.constant 0 : i32
          %dma_start3A_249 = tpu.memref_slice %arg5[%dma_start3A_247, %add3A_246, %dma_start3A_248] : memref<3x10x80xi32, #tpu.memory_space<vmem>> -> memref<1x1x80xi32, #tpu.memory_space<vmem>>
          %dma_start3A_250 = tpu.memref_squeeze %dma_start3A_249 : memref<1x1x80xi32, #tpu.memory_space<vmem>> -> memref<80xi32, #tpu.memory_space<vmem>>
          %dma_start3A_251 = arith.constant 0 : i32
          %dma_start3A_252 = arith.constant 0 : i32
          %dma_start3A_253 = tpu.memref_slice %arg2[%dma_start3A_251, %dma_start3A_252] : memref<20000x128xbf16, #tpu.memory_space<hbm>> -> memref<20000x128xbf16, #tpu.memory_space<hbm>>
          tpu.enqueue_indirect_dma source(%dma_start3A_253 : memref<20000x128xbf16, #tpu.memory_space<hbm>>) target(%arg8 : memref<80x128xbf16, #tpu.memory_space<vmem>>) offsets(%dma_start3A_250 : memref<80xi32, #tpu.memory_space<vmem>>) semaphore(%arg18 : memref<!tpu.dma_semaphore, #tpu.memory_space<semaphore_mem>>)
        } else {
        }
        %eq3A_232 = arith.constant 4 : i32
        %eq3A_233 = arith.cmpi eq, %add3A_149, %eq3A_232 : i32
        %lt3A_234 = arith.constant 24 : i32
        %lt3A_235 = arith.cmpi slt, %mul3A_106, %lt3A_234 : i32
        %and3A_236 = arith.andi %eq3A_233, %lt3A_235 : i1
        %convert_element_type3A_237 = arith.extui %and3A_236 : i1 to i32
        %cond3A_238 = arith.constant 0 : i32
        %cond3A_239 = arith.cmpi ne, %convert_element_type3A_237, %cond3A_238 : i32
        scf.if %cond3A_239 {
          %dma_start3A_243 = arith.constant 0 : i32
          %dma_start3A_244 = arith.constant 1 : i32
          %dma_start3A_245 = arith.constant 0 : i32
          %dma_start3A_246 = tpu.memref_slice %arg6[%dma_start3A_243, %dma_start3A_244, %dma_start3A_245] : memref<3x10x80xi32, #tpu.memory_space<vmem>> -> memref<1x1x80xi32, #tpu.memory_space<vmem>>
          %dma_start3A_247 = tpu.memref_squeeze %dma_start3A_246 : memref<1x1x80xi32, #tpu.memory_space<vmem>> -> memref<80xi32, #tpu.memory_space<vmem>>
          %dma_start3A_248 = arith.constant 0 : i32
          %dma_start3A_249 = arith.constant 0 : i32
          %dma_start3A_250 = tpu.memref_slice %arg2[%dma_start3A_248, %dma_start3A_249] : memref<20000x128xbf16, #tpu.memory_space<hbm>> -> memref<20000x128xbf16, #tpu.memory_space<hbm>>
          tpu.enqueue_indirect_dma source(%dma_start3A_250 : memref<20000x128xbf16, #tpu.memory_space<hbm>>) target(%arg8 : memref<80x128xbf16, #tpu.memory_space<vmem>>) offsets(%dma_start3A_247 : memref<80xi32, #tpu.memory_space<vmem>>) semaphore(%arg18 : memref<!tpu.dma_semaphore, #tpu.memory_space<semaphore_mem>>)
        } else {
        }
        %dma_start3A_240 = arith.constant 0 : i32
        %dma_start3A_241 = arith.constant 0 : i32
        %dma_start3A_242 = tpu.memref_slice %arg14[%dma_start3A_240, %dma_start3A_241] : memref<10000x144xf32, #tpu.memory_space<vmem_shared>> -> memref<10000x144xf32, #tpu.memory_space<vmem_shared>>
        tpu.enqueue_indirect_dma source(%arg10 : memref<80x144xf32, #tpu.memory_space<vmem>>) target(%dma_start3A_242 : memref<10000x144xf32, #tpu.memory_space<vmem_shared>>) offsets(%arg13 : memref<80xi32, #tpu.memory_space<vmem>>) semaphore(%arg20 : memref<!tpu.dma_semaphore, #tpu.memory_space<semaphore_mem>>) {add = true}
      }
      %scan3A_116 = arith.constant 5 : i32
      %add3A_117 = arith.constant 2 : i32
      %add3A_118 = arith.addi %mul3A_106, %add3A_117 : i32
      %lt3A_119 = arith.constant 25 : i32
      %lt3A_120 = arith.cmpi slt, %add3A_118, %lt3A_119 : i32
      %convert_element_type3A_121 = arith.extui %lt3A_120 : i1 to i32
      %cond3A_122 = arith.constant 0 : i32
      %cond3A_123 = arith.cmpi ne, %convert_element_type3A_121, %cond3A_122 : i32
      scf.if %cond3A_123 {
        %add3A_145 = arith.constant 2 : i32
        %add3A_146 = arith.addi %mul3A_106, %add3A_145 : i32
        %dma_start3A_147 = arith.constant 0 : i32
        %dma_start3A_148 = arith.constant 0 : i32
        %dma_start3A_149 = arith.constant 0 : i32
        %dma_start3A_150 = tpu.memref_slice %arg3[%arg0, %arg1, %add3A_146, %dma_start3A_147, %dma_start3A_148, %dma_start3A_149] : memref<2x16x25x3x10x80xi32, #tpu.memory_space<hbm>> -> memref<1x1x1x3x10x80xi32, #tpu.memory_space<hbm>>
        %dma_start3A_151 = tpu.memref_squeeze %dma_start3A_150 : memref<1x1x1x3x10x80xi32, #tpu.memory_space<hbm>> -> memref<3x10x80xi32, #tpu.memory_space<hbm>>
        %dma_start3A_152 = arith.constant 0 : i32
        %dma_start3A_153 = arith.constant 0 : i32
        %dma_start3A_154 = arith.constant 0 : i32
        %dma_start3A_155 = tpu.memref_slice %arg3[%arg0, %arg1, %add3A_146, %dma_start3A_152, %dma_start3A_153, %dma_start3A_154] : memref<2x16x25x3x10x80xi32, #tpu.memory_space<hbm>> -> memref<1x1x1x3x10x80xi32, #tpu.memory_space<hbm>>
        %dma_start3A_156 = tpu.memref_squeeze %dma_start3A_155 : memref<1x1x1x3x10x80xi32, #tpu.memory_space<hbm>> -> memref<3x10x80xi32, #tpu.memory_space<hbm>>
        tpu.enqueue_dma source(%dma_start3A_156 : memref<3x10x80xi32, #tpu.memory_space<hbm>>) target(%arg5 : memref<3x10x80xi32, #tpu.memory_space<vmem>>) target_semaphore(%arg15 : memref<!tpu.dma_semaphore, #tpu.memory_space<semaphore_mem>>)
      } else {
      }
      %mul3A_124 = arith.constant 2 : i32
      %mul3A_125 = arith.muli %mul3A_124, %add3A_104 : i32
      %add3A_126 = arith.constant 1 : i32
      %add3A_127 = arith.addi %mul3A_125, %add3A_126 : i32
      %lt3A_128 = arith.constant 24 : i32
      %lt3A_129 = arith.cmpi slt, %add3A_127, %lt3A_128 : i32
      %convert_element_type3A_130 = arith.extui %lt3A_129 : i1 to i32
      %cond3A_131 = arith.constant 0 : i32
      %cond3A_132 = arith.cmpi ne, %convert_element_type3A_130, %cond3A_131 : i32
      scf.if %cond3A_132 {
        %dma_wait3A_145 = arith.constant 0 : i32
        %dma_wait3A_146 = arith.constant 0 : i32
        %dma_wait3A_147 = arith.constant 0 : i32
        %dma_wait3A_148 = arith.constant 0 : i32
        %dma_wait3A_149 = tpu.memref_slice %arg3[%arg0, %arg1, %dma_wait3A_145, %dma_wait3A_146, %dma_wait3A_147, %dma_wait3A_148] : memref<2x16x25x3x10x80xi32, #tpu.memory_space<hbm>> -> memref<1x1x1x3x10x80xi32, #tpu.memory_space<hbm>>
        %dma_wait3A_150 = tpu.memref_squeeze %dma_wait3A_149 : memref<1x1x1x3x10x80xi32, #tpu.memory_space<hbm>> -> memref<3x10x80xi32, #tpu.memory_space<hbm>>
        %dma_wait3A_151 = arith.constant 0 : i32
        %dma_wait3A_152 = arith.constant 0 : i32
        %dma_wait3A_153 = arith.constant 0 : i32
        %dma_wait3A_154 = tpu.memref_slice %arg3[%arg0, %arg1, %dma_wait3A_145, %dma_wait3A_151, %dma_wait3A_152, %dma_wait3A_153] : memref<2x16x25x3x10x80xi32, #tpu.memory_space<hbm>> -> memref<1x1x1x3x10x80xi32, #tpu.memory_space<hbm>>
        %dma_wait3A_155 = tpu.memref_squeeze %dma_wait3A_154 : memref<1x1x1x3x10x80xi32, #tpu.memory_space<hbm>> -> memref<3x10x80xi32, #tpu.memory_space<hbm>>
        tpu.wait_dma2 semaphore(%arg15 : memref<!tpu.dma_semaphore, #tpu.memory_space<semaphore_mem>>) src(%dma_wait3A_155 : memref<3x10x80xi32, #tpu.memory_space<hbm>>) dst(%arg5 : memref<3x10x80xi32, #tpu.memory_space<vmem>>)
      } else {
      }
      %scan3A_133 = arith.constant 0 : i32
      %scan3A_134 = arith.constant 5 : i32
      %scan3A_135 = arith.addi %scan3A_133, %scan3A_134 : i32
      %scan3A_136 = arith.constant 1 : i32
      scf.for %scan3A_145 = %scan3A_133 to %scan3A_135 step %scan3A_136  : i32 {
        %mul3A_146 = arith.constant 1 : i32
        %mul3A_147 = arith.muli %scan3A_145, %mul3A_146 : i32
        %add3A_148 = arith.constant 0 : i32
        %add3A_149 = arith.addi %add3A_148, %mul3A_147 : i32
        %dma_wait3A_150 = arith.constant 0 : i32
        %dma_wait3A_151 = arith.constant 0 : i32
        %dma_wait3A_152 = arith.constant 0 : i32
        %dma_wait3A_153 = tpu.memref_slice %arg5[%dma_wait3A_150, %dma_wait3A_151, %dma_wait3A_152] : memref<3x10x80xi32, #tpu.memory_space<vmem>> -> memref<1x1x80xi32, #tpu.memory_space<vmem>>
        %dma_wait3A_154 = tpu.memref_squeeze %dma_wait3A_153 : memref<1x1x80xi32, #tpu.memory_space<vmem>> -> memref<80xi32, #tpu.memory_space<vmem>>
        %dma_wait3A_155 = arith.constant 0 : i32
        %dma_wait3A_156 = arith.constant 0 : i32
        %dma_wait3A_157 = tpu.memref_slice %arg2[%dma_wait3A_155, %dma_wait3A_156] : memref<20000x128xbf16, #tpu.memory_space<hbm>> -> memref<20000x128xbf16, #tpu.memory_space<hbm>>
        tpu.wait_indirect_dma semaphore(%arg17 : memref<!tpu.dma_semaphore, #tpu.memory_space<semaphore_mem>>) src(%dma_wait3A_157 : memref<20000x128xbf16, #tpu.memory_space<hbm>>) dst(%arg7 : memref<80x128xbf16, #tpu.memory_space<vmem>>)
        %gt3A = arith.constant 0 : i32
        %gt3A_158 = arith.cmpi sgt, %add3A_149, %gt3A : i32
        %gt3A_159 = arith.constant 0 : i32
        %gt3A_160 = arith.cmpi sgt, %add3A_127, %gt3A_159 : i32
        %or3A = arith.ori %gt3A_158, %gt3A_160 : i1
        %convert_element_type3A_161 = arith.extui %or3A : i1 to i32
        %cond3A_162 = arith.constant 0 : i32
        %cond3A_163 = arith.cmpi ne, %convert_element_type3A_161, %cond3A_162 : i32
        scf.if %cond3A_163 {
          %dma_wait3A_243 = arith.constant 0 : i32
          %dma_wait3A_244 = arith.constant 0 : i32
          %dma_wait3A_245 = tpu.memref_slice %arg14[%dma_wait3A_243, %dma_wait3A_244] : memref<10000x144xf32, #tpu.memory_space<vmem_shared>> -> memref<10000x144xf32, #tpu.memory_space<vmem_shared>>
          tpu.wait_indirect_dma semaphore(%arg19 : memref<!tpu.dma_semaphore, #tpu.memory_space<semaphore_mem>>) src(%arg9 : memref<80x144xf32, #tpu.memory_space<vmem>>) dst(%dma_wait3A_245 : memref<10000x144xf32, #tpu.memory_space<vmem_shared>>)
        } else {
        }
        %mul3A_164 = arith.constant 2 : i32
        %mul3A_165 = arith.muli %mul3A_164, %add3A_149 : i32
        %scan3A_166 = arith.constant 0 : i32
        %scan3A_167 = arith.constant 5 : i32
        %scan3A_168 = arith.addi %scan3A_166, %scan3A_167 : i32
        %scan3A_169 = arith.constant 1 : i32
        scf.for %scan3A_243 = %scan3A_166 to %scan3A_168 step %scan3A_169  : i32 {
          %mul3A_244 = arith.constant 1 : i32
          %mul3A_245 = arith.muli %scan3A_243, %mul3A_244 : i32
          %add3A_246 = arith.constant 0 : i32
          %add3A_247 = arith.addi %add3A_246, %mul3A_245 : i32
          %mul3A_248 = arith.constant 16 : i32
          %mul3A_249 = arith.muli %add3A_247, %mul3A_248 : i32
          %get3A = arith.constant 2 : i32
          %get3A_250 = arith.index_cast %get3A : i32 to index
          %get3A_251 = arith.index_cast %mul3A_165 : i32 to index
          %get3A_252 = arith.index_cast %mul3A_249 : i32 to index
          %get3A_253 = tpu.vector_load %arg6[%get3A_250, %get3A_251, %get3A_252] {strides = array<i32>} : memref<3x10x80xi32, #tpu.memory_space<vmem>>, vector<16xi32>,
          %mul3A_254 = arith.constant 16 : i32
          %mul3A_255 = arith.muli %add3A_247, %mul3A_254 : i32
          %swap3A = arith.index_cast %mul3A_255 : i32 to index
          %swap3A_256 = tpu.vector_load %arg12[%swap3A] {strides = array<i32>} : memref<80xi32, #tpu.memory_space<vmem>>, vector<16xi32>,
          tpu.vector_store %arg12[%swap3A], %get3A_253 {strides = array<i32>} : memref<80xi32, #tpu.memory_space<vmem>>, vector<16xi32>,
        }
        %scan3A_170 = arith.constant 5 : i32
        %mul3A_171 = arith.constant 2 : i32
        %mul3A_172 = arith.muli %mul3A_171, %add3A_149 : i32
        %broadcast_in_dim3A_173 = arith.constant 1 : i32
        %broadcast_in_dim3A_174 = vector.broadcast %broadcast_in_dim3A_173 : i32 to vector<16xi32>
        %broadcast_in_dim3A_175 = vector.broadcast %mul3A_172 : i32 to vector<16xi32>
        %parallel_loop3A = arith.constant 0 : i32
        %parallel_loop3A_176 = arith.constant 80 : i32
        %parallel_loop3A_177 = arith.constant 1 : i32
        scf.for %parallel_loop3A_243 = %parallel_loop3A to %parallel_loop3A_176 step %parallel_loop3A_177  : i32 {
          %parallel_loop3A_244 = vector.broadcast %parallel_loop3A_243 : i32 to vector<16xi32>
          %parallel_loop3A_245 = tpu.vector_load_idx %arg6[%broadcast_in_dim3A_174, %broadcast_in_dim3A_175, %parallel_loop3A_244] : memref<3x10x80xi32, #tpu.memory_space<vmem>>[vector<16xi32>, vector<16xi32>, vector<16xi32>], vector<16xi32>,
          %parallel_loop3A_246 = vector.bitcast %parallel_loop3A_245 : vector<16xi32> to vector<16xf32>
          %parallel_loop3A_247 = arith.index_cast %parallel_loop3A_243 : i32 to index
          %parallel_loop3A_248 = arith.constant 128 : index
          %parallel_loop3A_249 = tpu.vector_load %arg9[%parallel_loop3A_247, %parallel_loop3A_248] {strides = array<i32>} : memref<80x144xf32, #tpu.memory_space<vmem>>, vector<16xf32>,
          tpu.vector_store %arg9[%parallel_loop3A_247, %parallel_loop3A_248], %parallel_loop3A_246 {strides = array<i32>} : memref<80x144xf32, #tpu.memory_space<vmem>>, vector<16xf32>,
          %parallel_loop3A_250 = arith.index_cast %parallel_loop3A_243 : i32 to index
          %parallel_loop3A_251 = arith.constant 0 : index
          %parallel_loop3A_252 = tpu.vector_load %arg7[%parallel_loop3A_250, %parallel_loop3A_251] {strides = array<i32>} : memref<80x128xbf16, #tpu.memory_space<vmem>>, vector<32xbf16>,
          %parallel_loop3A_253 = vector.bitcast %parallel_loop3A_252 : vector<32xbf16> to vector<16xi32>
          %parallel_loop3A_254 = arith.shli %parallel_loop3A_253, %broadcast_in_dim3A_4 : vector<16xi32>
          %parallel_loop3A_255 = vector.bitcast %parallel_loop3A_254 : vector<16xi32> to vector<16xf32>
          %parallel_loop3A_256 = arith.andi %parallel_loop3A_253, %broadcast_in_dim3A_2 : vector<16xi32>
          %parallel_loop3A_257 = vector.bitcast %parallel_loop3A_256 : vector<16xi32> to vector<16xf32>
          %parallel_loop3A_258 = arith.mulf %parallel_loop3A_255, %parallel_loop3A_246 : vector<16xf32>
          %parallel_loop3A_259 = arith.index_cast %parallel_loop3A_243 : i32 to index
          %parallel_loop3A_260 = arith.constant 0 : index
          %parallel_loop3A_261 = tpu.vector_load %arg9[%parallel_loop3A_259, %parallel_loop3A_260] {strides = array<i32>} : memref<80x144xf32, #tpu.memory_space<vmem>>, vector<16xf32>,
          tpu.vector_store %arg9[%parallel_loop3A_259, %parallel_loop3A_260], %parallel_loop3A_258 {strides = array<i32>} : memref<80x144xf32, #tpu.memory_space<vmem>>, vector<16xf32>,
          %parallel_loop3A_262 = arith.mulf %parallel_loop3A_257, %parallel_loop3A_246 : vector<16xf32>
          %parallel_loop3A_263 = arith.index_cast %parallel_loop3A_243 : i32 to index
          %parallel_loop3A_264 = arith.constant 16 : index
          %parallel_loop3A_265 = tpu.vector_load %arg9[%parallel_loop3A_263, %parallel_loop3A_264] {strides = array<i32>} : memref<80x144xf32, #tpu.memory_space<vmem>>, vector<16xf32>,
          tpu.vector_store %arg9[%parallel_loop3A_263, %parallel_loop3A_264], %parallel_loop3A_262 {strides = array<i32>} : memref<80x144xf32, #tpu.memory_space<vmem>>, vector<16xf32>,
          %parallel_loop3A_266 = arith.index_cast %parallel_loop3A_243 : i32 to index
          %parallel_loop3A_267 = arith.constant 32 : index
          %parallel_loop3A_268 = tpu.vector_load %arg7[%parallel_loop3A_266, %parallel_loop3A_267] {strides = array<i32>} : memref<80x128xbf16, #tpu.memory_space<vmem>>, vector<32xbf16>,
          %parallel_loop3A_269 = vector.bitcast %parallel_loop3A_268 : vector<32xbf16> to vector<16xi32>
          %parallel_loop3A_270 = arith.shli %parallel_loop3A_269, %broadcast_in_dim3A_4 : vector<16xi32>
          %parallel_loop3A_271 = vector.bitcast %parallel_loop3A_270 : vector<16xi32> to vector<16xf32>
          %parallel_loop3A_272 = arith.andi %parallel_loop3A_269, %broadcast_in_dim3A_2 : vector<16xi32>
          %parallel_loop3A_273 = vector.bitcast %parallel_loop3A_272 : vector<16xi32> to vector<16xf32>
          %parallel_loop3A_274 = arith.mulf %parallel_loop3A_271, %parallel_loop3A_246 : vector<16xf32>
          %parallel_loop3A_275 = arith.index_cast %parallel_loop3A_243 : i32 to index
          %parallel_loop3A_276 = arith.constant 32 : index
          %parallel_loop3A_277 = tpu.vector_load %arg9[%parallel_loop3A_275, %parallel_loop3A_276] {strides = array<i32>} : memref<80x144xf32, #tpu.memory_space<vmem>>, vector<16xf32>,
          tpu.vector_store %arg9[%parallel_loop3A_275, %parallel_loop3A_276], %parallel_loop3A_274 {strides = array<i32>} : memref<80x144xf32, #tpu.memory_space<vmem>>, vector<16xf32>,
          %parallel_loop3A_278 = arith.mulf %parallel_loop3A_273, %parallel_loop3A_246 : vector<16xf32>
          %parallel_loop3A_279 = arith.index_cast %parallel_loop3A_243 : i32 to index
          %parallel_loop3A_280 = arith.constant 48 : index
          %parallel_loop3A_281 = tpu.vector_load %arg9[%parallel_loop3A_279, %parallel_loop3A_280] {strides = array<i32>} : memref<80x144xf32, #tpu.memory_space<vmem>>, vector<16xf32>,
          tpu.vector_store %arg9[%parallel_loop3A_279, %parallel_loop3A_280], %parallel_loop3A_278 {strides = array<i32>} : memref<80x144xf32, #tpu.memory_space<vmem>>, vector<16xf32>,
          %parallel_loop3A_282 = arith.index_cast %parallel_loop3A_243 : i32 to index
          %parallel_loop3A_283 = arith.constant 64 : index
          %parallel_loop3A_284 = tpu.vector_load %arg7[%parallel_loop3A_282, %parallel_loop3A_283] {strides = array<i32>} : memref<80x128xbf16, #tpu.memory_space<vmem>>, vector<32xbf16>,
          %parallel_loop3A_285 = vector.bitcast %parallel_loop3A_284 : vector<32xbf16> to vector<16xi32>
          %parallel_loop3A_286 = arith.shli %parallel_loop3A_285, %broadcast_in_dim3A_4 : vector<16xi32>
          %parallel_loop3A_287 = vector.bitcast %parallel_loop3A_286 : vector<16xi32> to vector<16xf32>
          %parallel_loop3A_288 = arith.andi %parallel_loop3A_285, %broadcast_in_dim3A_2 : vector<16xi32>
          %parallel_loop3A_289 = vector.bitcast %parallel_loop3A_288 : vector<16xi32> to vector<16xf32>
          %parallel_loop3A_290 = arith.mulf %parallel_loop3A_287, %parallel_loop3A_246 : vector<16xf32>
          %parallel_loop3A_291 = arith.index_cast %parallel_loop3A_243 : i32 to index
          %parallel_loop3A_292 = arith.constant 64 : index
          %parallel_loop3A_293 = tpu.vector_load %arg9[%parallel_loop3A_291, %parallel_loop3A_292] {strides = array<i32>} : memref<80x144xf32, #tpu.memory_space<vmem>>, vector<16xf32>,
          tpu.vector_store %arg9[%parallel_loop3A_291, %parallel_loop3A_292], %parallel_loop3A_290 {strides = array<i32>} : memref<80x144xf32, #tpu.memory_space<vmem>>, vector<16xf32>,
          %parallel_loop3A_294 = arith.mulf %parallel_loop3A_289, %parallel_loop3A_246 : vector<16xf32>
          %parallel_loop3A_295 = arith.index_cast %parallel_loop3A_243 : i32 to index
          %parallel_loop3A_296 = arith.constant 80 : index
          %parallel_loop3A_297 = tpu.vector_load %arg9[%parallel_loop3A_295, %parallel_loop3A_296] {strides = array<i32>} : memref<80x144xf32, #tpu.memory_space<vmem>>, vector<16xf32>,
          tpu.vector_store %arg9[%parallel_loop3A_295, %parallel_loop3A_296], %parallel_loop3A_294 {strides = array<i32>} : memref<80x144xf32, #tpu.memory_space<vmem>>, vector<16xf32>,
          %parallel_loop3A_298 = arith.index_cast %parallel_loop3A_243 : i32 to index
          %parallel_loop3A_299 = arith.constant 96 : index
          %parallel_loop3A_300 = tpu.vector_load %arg7[%parallel_loop3A_298, %parallel_loop3A_299] {strides = array<i32>} : memref<80x128xbf16, #tpu.memory_space<vmem>>, vector<32xbf16>,
          %parallel_loop3A_301 = vector.bitcast %parallel_loop3A_300 : vector<32xbf16> to vector<16xi32>
          %parallel_loop3A_302 = arith.shli %parallel_loop3A_301, %broadcast_in_dim3A_4 : vector<16xi32>
          %parallel_loop3A_303 = vector.bitcast %parallel_loop3A_302 : vector<16xi32> to vector<16xf32>
          %parallel_loop3A_304 = arith.andi %parallel_loop3A_301, %broadcast_in_dim3A_2 : vector<16xi32>
          %parallel_loop3A_305 = vector.bitcast %parallel_loop3A_304 : vector<16xi32> to vector<16xf32>
          %parallel_loop3A_306 = arith.mulf %parallel_loop3A_303, %parallel_loop3A_246 : vector<16xf32>
          %parallel_loop3A_307 = arith.index_cast %parallel_loop3A_243 : i32 to index
          %parallel_loop3A_308 = arith.constant 96 : index
          %parallel_loop3A_309 = tpu.vector_load %arg9[%parallel_loop3A_307, %parallel_loop3A_308] {strides = array<i32>} : memref<80x144xf32, #tpu.memory_space<vmem>>, vector<16xf32>,
          tpu.vector_store %arg9[%parallel_loop3A_307, %parallel_loop3A_308], %parallel_loop3A_306 {strides = array<i32>} : memref<80x144xf32, #tpu.memory_space<vmem>>, vector<16xf32>,
          %parallel_loop3A_310 = arith.mulf %parallel_loop3A_305, %parallel_loop3A_246 : vector<16xf32>
          %parallel_loop3A_311 = arith.index_cast %parallel_loop3A_243 : i32 to index
          %parallel_loop3A_312 = arith.constant 112 : index
          %parallel_loop3A_313 = tpu.vector_load %arg9[%parallel_loop3A_311, %parallel_loop3A_312] {strides = array<i32>} : memref<80x144xf32, #tpu.memory_space<vmem>>, vector<16xf32>,
          tpu.vector_store %arg9[%parallel_loop3A_311, %parallel_loop3A_312], %parallel_loop3A_310 {strides = array<i32>} : memref<80x144xf32, #tpu.memory_space<vmem>>, vector<16xf32>,
        } {sc.loop_unroll_factor = 1 : i64, sc.parallel_access}
        %lt3A_178 = arith.constant 4 : i32
        %lt3A_179 = arith.cmpi slt, %add3A_149, %lt3A_178 : i32
        %convert_element_type3A_180 = arith.extui %lt3A_179 : i1 to i32
        %cond3A_181 = arith.constant 0 : i32
        %cond3A_182 = arith.cmpi ne, %convert_element_type3A_180, %cond3A_181 : i32
        scf.if %cond3A_182 {
          %mul3A_243 = arith.constant 2 : i32
          %mul3A_244 = arith.muli %mul3A_243, %add3A_149 : i32
          %add3A_245 = arith.constant 2 : i32
          %add3A_246 = arith.addi %mul3A_244, %add3A_245 : i32
          %dma_start3A_247 = arith.constant 0 : i32
          %dma_start3A_248 = arith.constant 0 : i32
          %dma_start3A_249 = tpu.memref_slice %arg6[%dma_start3A_247, %add3A_246, %dma_start3A_248] : memref<3x10x80xi32, #tpu.memory_space<vmem>> -> memref<1x1x80xi32, #tpu.memory_space<vmem>>
          %dma_start3A_250 = tpu.memref_squeeze %dma_start3A_249 : memref<1x1x80xi32, #tpu.memory_space<vmem>> -> memref<80xi32, #tpu.memory_space<vmem>>
          %dma_start3A_251 = arith.constant 0 : i32
          %dma_start3A_252 = arith.constant 0 : i32
          %dma_start3A_253 = tpu.memref_slice %arg2[%dma_start3A_251, %dma_start3A_252] : memref<20000x128xbf16, #tpu.memory_space<hbm>> -> memref<20000x128xbf16, #tpu.memory_space<hbm>>
          tpu.enqueue_indirect_dma source(%dma_start3A_253 : memref<20000x128xbf16, #tpu.memory_space<hbm>>) target(%arg7 : memref<80x128xbf16, #tpu.memory_space<vmem>>) offsets(%dma_start3A_250 : memref<80xi32, #tpu.memory_space<vmem>>) semaphore(%arg17 : memref<!tpu.dma_semaphore, #tpu.memory_space<semaphore_mem>>)
        } else {
        }
        %eq3A = arith.constant 4 : i32
        %eq3A_183 = arith.cmpi eq, %add3A_149, %eq3A : i32
        %lt3A_184 = arith.constant 24 : i32
        %lt3A_185 = arith.cmpi slt, %add3A_127, %lt3A_184 : i32
        %and3A = arith.andi %eq3A_183, %lt3A_185 : i1
        %convert_element_type3A_186 = arith.extui %and3A : i1 to i32
        %cond3A_187 = arith.constant 0 : i32
        %cond3A_188 = arith.cmpi ne, %convert_element_type3A_186, %cond3A_187 : i32
        scf.if %cond3A_188 {
          %dma_start3A_243 = arith.constant 0 : i32
          %dma_start3A_244 = arith.constant 0 : i32
          %dma_start3A_245 = arith.constant 0 : i32
          %dma_start3A_246 = tpu.memref_slice %arg5[%dma_start3A_243, %dma_start3A_244, %dma_start3A_245] : memref<3x10x80xi32, #tpu.memory_space<vmem>> -> memref<1x1x80xi32, #tpu.memory_space<vmem>>
          %dma_start3A_247 = tpu.memref_squeeze %dma_start3A_246 : memref<1x1x80xi32, #tpu.memory_space<vmem>> -> memref<80xi32, #tpu.memory_space<vmem>>
          %dma_start3A_248 = arith.constant 0 : i32
          %dma_start3A_249 = arith.constant 0 : i32
          %dma_start3A_250 = tpu.memref_slice %arg2[%dma_start3A_248, %dma_start3A_249] : memref<20000x128xbf16, #tpu.memory_space<hbm>> -> memref<20000x128xbf16, #tpu.memory_space<hbm>>
          tpu.enqueue_indirect_dma source(%dma_start3A_250 : memref<20000x128xbf16, #tpu.memory_space<hbm>>) target(%arg7 : memref<80x128xbf16, #tpu.memory_space<vmem>>) offsets(%dma_start3A_247 : memref<80xi32, #tpu.memory_space<vmem>>) semaphore(%arg17 : memref<!tpu.dma_semaphore, #tpu.memory_space<semaphore_mem>>)
        } else {
        }
        %dma_start3A_189 = arith.constant 0 : i32
        %dma_start3A_190 = arith.constant 0 : i32
        %dma_start3A_191 = tpu.memref_slice %arg14[%dma_start3A_189, %dma_start3A_190] : memref<10000x144xf32, #tpu.memory_space<vmem_shared>> -> memref<10000x144xf32, #tpu.memory_space<vmem_shared>>
        tpu.enqueue_indirect_dma source(%arg9 : memref<80x144xf32, #tpu.memory_space<vmem>>) target(%dma_start3A_191 : memref<10000x144xf32, #tpu.memory_space<vmem_shared>>) offsets(%arg12 : memref<80xi32, #tpu.memory_space<vmem>>) semaphore(%arg19 : memref<!tpu.dma_semaphore, #tpu.memory_space<semaphore_mem>>) {add = true}
        %dma_wait3A_192 = arith.constant 0 : i32
        %dma_wait3A_193 = arith.constant 0 : i32
        %dma_wait3A_194 = arith.constant 0 : i32
        %dma_wait3A_195 = tpu.memref_slice %arg5[%dma_wait3A_192, %dma_wait3A_193, %dma_wait3A_194] : memref<3x10x80xi32, #tpu.memory_space<vmem>> -> memref<1x1x80xi32, #tpu.memory_space<vmem>>
        %dma_wait3A_196 = tpu.memref_squeeze %dma_wait3A_195 : memref<1x1x80xi32, #tpu.memory_space<vmem>> -> memref<80xi32, #tpu.memory_space<vmem>>
        %dma_wait3A_197 = arith.constant 0 : i32
        %dma_wait3A_198 = arith.constant 0 : i32
        %dma_wait3A_199 = tpu.memref_slice %arg2[%dma_wait3A_197, %dma_wait3A_198] : memref<20000x128xbf16, #tpu.memory_space<hbm>> -> memref<20000x128xbf16, #tpu.memory_space<hbm>>
        tpu.wait_indirect_dma semaphore(%arg18 : memref<!tpu.dma_semaphore, #tpu.memory_space<semaphore_mem>>) src(%dma_wait3A_199 : memref<20000x128xbf16, #tpu.memory_space<hbm>>) dst(%arg8 : memref<80x128xbf16, #tpu.memory_space<vmem>>)
        %gt3A_200 = arith.constant 0 : i32
        %gt3A_201 = arith.cmpi sgt, %add3A_149, %gt3A_200 : i32
        %gt3A_202 = arith.constant 0 : i32
        %gt3A_203 = arith.cmpi sgt, %add3A_127, %gt3A_202 : i32
        %or3A_204 = arith.ori %gt3A_201, %gt3A_203 : i1
        %convert_element_type3A_205 = arith.extui %or3A_204 : i1 to i32
        %cond3A_206 = arith.constant 0 : i32
        %cond3A_207 = arith.cmpi ne, %convert_element_type3A_205, %cond3A_206 : i32
        scf.if %cond3A_207 {
          %dma_wait3A_243 = arith.constant 0 : i32
          %dma_wait3A_244 = arith.constant 0 : i32
          %dma_wait3A_245 = tpu.memref_slice %arg14[%dma_wait3A_243, %dma_wait3A_244] : memref<10000x144xf32, #tpu.memory_space<vmem_shared>> -> memref<10000x144xf32, #tpu.memory_space<vmem_shared>>
          tpu.wait_indirect_dma semaphore(%arg20 : memref<!tpu.dma_semaphore, #tpu.memory_space<semaphore_mem>>) src(%arg10 : memref<80x144xf32, #tpu.memory_space<vmem>>) dst(%dma_wait3A_245 : memref<10000x144xf32, #tpu.memory_space<vmem_shared>>)
        } else {
        }
        %mul3A_208 = arith.constant 2 : i32
        %mul3A_209 = arith.muli %mul3A_208, %add3A_149 : i32
        %add3A_210 = arith.constant 1 : i32
        %add3A_211 = arith.addi %mul3A_209, %add3A_210 : i32
        %scan3A_212 = arith.constant 0 : i32
        %scan3A_213 = arith.constant 5 : i32
        %scan3A_214 = arith.addi %scan3A_212, %scan3A_213 : i32
        %scan3A_215 = arith.constant 1 : i32
        scf.for %scan3A_243 = %scan3A_212 to %scan3A_214 step %scan3A_215  : i32 {
          %mul3A_244 = arith.constant 1 : i32
          %mul3A_245 = arith.muli %scan3A_243, %mul3A_244 : i32
          %add3A_246 = arith.constant 0 : i32
          %add3A_247 = arith.addi %add3A_246, %mul3A_245 : i32
          %mul3A_248 = arith.constant 16 : i32
          %mul3A_249 = arith.muli %add3A_247, %mul3A_248 : i32
          %get3A = arith.constant 2 : i32
          %get3A_250 = arith.index_cast %get3A : i32 to index
          %get3A_251 = arith.index_cast %add3A_211 : i32 to index
          %get3A_252 = arith.index_cast %mul3A_249 : i32 to index
          %get3A_253 = tpu.vector_load %arg6[%get3A_250, %get3A_251, %get3A_252] {strides = array<i32>} : memref<3x10x80xi32, #tpu.memory_space<vmem>>, vector<16xi32>,
          %mul3A_254 = arith.constant 16 : i32
          %mul3A_255 = arith.muli %add3A_247, %mul3A_254 : i32
          %swap3A = arith.index_cast %mul3A_255 : i32 to index
          %swap3A_256 = tpu.vector_load %arg13[%swap3A] {strides = array<i32>} : memref<80xi32, #tpu.memory_space<vmem>>, vector<16xi32>,
          tpu.vector_store %arg13[%swap3A], %get3A_253 {strides = array<i32>} : memref<80xi32, #tpu.memory_space<vmem>>, vector<16xi32>,
        }
        %scan3A_216 = arith.constant 5 : i32
        %mul3A_217 = arith.constant 2 : i32
        %mul3A_218 = arith.muli %mul3A_217, %add3A_149 : i32
        %add3A_219 = arith.constant 1 : i32
        %add3A_220 = arith.addi %mul3A_218, %add3A_219 : i32
        %broadcast_in_dim3A_221 = arith.constant 1 : i32
        %broadcast_in_dim3A_222 = vector.broadcast %broadcast_in_dim3A_221 : i32 to vector<16xi32>
        %broadcast_in_dim3A_223 = vector.broadcast %add3A_220 : i32 to vector<16xi32>
        %parallel_loop3A_224 = arith.constant 0 : i32
        %parallel_loop3A_225 = arith.constant 80 : i32
        %parallel_loop3A_226 = arith.constant 1 : i32
        scf.for %parallel_loop3A_243 = %parallel_loop3A_224 to %parallel_loop3A_225 step %parallel_loop3A_226  : i32 {
          %parallel_loop3A_244 = vector.broadcast %parallel_loop3A_243 : i32 to vector<16xi32>
          %parallel_loop3A_245 = tpu.vector_load_idx %arg6[%broadcast_in_dim3A_222, %broadcast_in_dim3A_223, %parallel_loop3A_244] : memref<3x10x80xi32, #tpu.memory_space<vmem>>[vector<16xi32>, vector<16xi32>, vector<16xi32>], vector<16xi32>,
          %parallel_loop3A_246 = vector.bitcast %parallel_loop3A_245 : vector<16xi32> to vector<16xf32>
          %parallel_loop3A_247 = arith.index_cast %parallel_loop3A_243 : i32 to index
          %parallel_loop3A_248 = arith.constant 128 : index
          %parallel_loop3A_249 = tpu.vector_load %arg10[%parallel_loop3A_247, %parallel_loop3A_248] {strides = array<i32>} : memref<80x144xf32, #tpu.memory_space<vmem>>, vector<16xf32>,
          tpu.vector_store %arg10[%parallel_loop3A_247, %parallel_loop3A_248], %parallel_loop3A_246 {strides = array<i32>} : memref<80x144xf32, #tpu.memory_space<vmem>>, vector<16xf32>,
          %parallel_loop3A_250 = arith.index_cast %parallel_loop3A_243 : i32 to index
          %parallel_loop3A_251 = arith.constant 0 : index
          %parallel_loop3A_252 = tpu.vector_load %arg8[%parallel_loop3A_250, %parallel_loop3A_251] {strides = array<i32>} : memref<80x128xbf16, #tpu.memory_space<vmem>>, vector<32xbf16>,
          %parallel_loop3A_253 = vector.bitcast %parallel_loop3A_252 : vector<32xbf16> to vector<16xi32>
          %parallel_loop3A_254 = arith.shli %parallel_loop3A_253, %broadcast_in_dim3A_4 : vector<16xi32>
          %parallel_loop3A_255 = vector.bitcast %parallel_loop3A_254 : vector<16xi32> to vector<16xf32>
          %parallel_loop3A_256 = arith.andi %parallel_loop3A_253, %broadcast_in_dim3A_2 : vector<16xi32>
          %parallel_loop3A_257 = vector.bitcast %parallel_loop3A_256 : vector<16xi32> to vector<16xf32>
          %parallel_loop3A_258 = arith.mulf %parallel_loop3A_255, %parallel_loop3A_246 : vector<16xf32>
          %parallel_loop3A_259 = arith.index_cast %parallel_loop3A_243 : i32 to index
          %parallel_loop3A_260 = arith.constant 0 : index
          %parallel_loop3A_261 = tpu.vector_load %arg10[%parallel_loop3A_259, %parallel_loop3A_260] {strides = array<i32>} : memref<80x144xf32, #tpu.memory_space<vmem>>, vector<16xf32>,
          tpu.vector_store %arg10[%parallel_loop3A_259, %parallel_loop3A_260], %parallel_loop3A_258 {strides = array<i32>} : memref<80x144xf32, #tpu.memory_space<vmem>>, vector<16xf32>,
          %parallel_loop3A_262 = arith.mulf %parallel_loop3A_257, %parallel_loop3A_246 : vector<16xf32>
          %parallel_loop3A_263 = arith.index_cast %parallel_loop3A_243 : i32 to index
          %parallel_loop3A_264 = arith.constant 16 : index
          %parallel_loop3A_265 = tpu.vector_load %arg10[%parallel_loop3A_263, %parallel_loop3A_264] {strides = array<i32>} : memref<80x144xf32, #tpu.memory_space<vmem>>, vector<16xf32>,
          tpu.vector_store %arg10[%parallel_loop3A_263, %parallel_loop3A_264], %parallel_loop3A_262 {strides = array<i32>} : memref<80x144xf32, #tpu.memory_space<vmem>>, vector<16xf32>,
          %parallel_loop3A_266 = arith.index_cast %parallel_loop3A_243 : i32 to index
          %parallel_loop3A_267 = arith.constant 32 : index
          %parallel_loop3A_268 = tpu.vector_load %arg8[%parallel_loop3A_266, %parallel_loop3A_267] {strides = array<i32>} : memref<80x128xbf16, #tpu.memory_space<vmem>>, vector<32xbf16>,
          %parallel_loop3A_269 = vector.bitcast %parallel_loop3A_268 : vector<32xbf16> to vector<16xi32>
          %parallel_loop3A_270 = arith.shli %parallel_loop3A_269, %broadcast_in_dim3A_4 : vector<16xi32>
          %parallel_loop3A_271 = vector.bitcast %parallel_loop3A_270 : vector<16xi32> to vector<16xf32>
          %parallel_loop3A_272 = arith.andi %parallel_loop3A_269, %broadcast_in_dim3A_2 : vector<16xi32>
          %parallel_loop3A_273 = vector.bitcast %parallel_loop3A_272 : vector<16xi32> to vector<16xf32>
          %parallel_loop3A_274 = arith.mulf %parallel_loop3A_271, %parallel_loop3A_246 : vector<16xf32>
          %parallel_loop3A_275 = arith.index_cast %parallel_loop3A_243 : i32 to index
          %parallel_loop3A_276 = arith.constant 32 : index
          %parallel_loop3A_277 = tpu.vector_load %arg10[%parallel_loop3A_275, %parallel_loop3A_276] {strides = array<i32>} : memref<80x144xf32, #tpu.memory_space<vmem>>, vector<16xf32>,
          tpu.vector_store %arg10[%parallel_loop3A_275, %parallel_loop3A_276], %parallel_loop3A_274 {strides = array<i32>} : memref<80x144xf32, #tpu.memory_space<vmem>>, vector<16xf32>,
          %parallel_loop3A_278 = arith.mulf %parallel_loop3A_273, %parallel_loop3A_246 : vector<16xf32>
          %parallel_loop3A_279 = arith.index_cast %parallel_loop3A_243 : i32 to index
          %parallel_loop3A_280 = arith.constant 48 : index
          %parallel_loop3A_281 = tpu.vector_load %arg10[%parallel_loop3A_279, %parallel_loop3A_280] {strides = array<i32>} : memref<80x144xf32, #tpu.memory_space<vmem>>, vector<16xf32>,
          tpu.vector_store %arg10[%parallel_loop3A_279, %parallel_loop3A_280], %parallel_loop3A_278 {strides = array<i32>} : memref<80x144xf32, #tpu.memory_space<vmem>>, vector<16xf32>,
          %parallel_loop3A_282 = arith.index_cast %parallel_loop3A_243 : i32 to index
          %parallel_loop3A_283 = arith.constant 64 : index
          %parallel_loop3A_284 = tpu.vector_load %arg8[%parallel_loop3A_282, %parallel_loop3A_283] {strides = array<i32>} : memref<80x128xbf16, #tpu.memory_space<vmem>>, vector<32xbf16>,
          %parallel_loop3A_285 = vector.bitcast %parallel_loop3A_284 : vector<32xbf16> to vector<16xi32>
          %parallel_loop3A_286 = arith.shli %parallel_loop3A_285, %broadcast_in_dim3A_4 : vector<16xi32>
          %parallel_loop3A_287 = vector.bitcast %parallel_loop3A_286 : vector<16xi32> to vector<16xf32>
          %parallel_loop3A_288 = arith.andi %parallel_loop3A_285, %broadcast_in_dim3A_2 : vector<16xi32>
          %parallel_loop3A_289 = vector.bitcast %parallel_loop3A_288 : vector<16xi32> to vector<16xf32>
          %parallel_loop3A_290 = arith.mulf %parallel_loop3A_287, %parallel_loop3A_246 : vector<16xf32>
          %parallel_loop3A_291 = arith.index_cast %parallel_loop3A_243 : i32 to index
          %parallel_loop3A_292 = arith.constant 64 : index
          %parallel_loop3A_293 = tpu.vector_load %arg10[%parallel_loop3A_291, %parallel_loop3A_292] {strides = array<i32>} : memref<80x144xf32, #tpu.memory_space<vmem>>, vector<16xf32>,
          tpu.vector_store %arg10[%parallel_loop3A_291, %parallel_loop3A_292], %parallel_loop3A_290 {strides = array<i32>} : memref<80x144xf32, #tpu.memory_space<vmem>>, vector<16xf32>,
          %parallel_loop3A_294 = arith.mulf %parallel_loop3A_289, %parallel_loop3A_246 : vector<16xf32>
          %parallel_loop3A_295 = arith.index_cast %parallel_loop3A_243 : i32 to index
          %parallel_loop3A_296 = arith.constant 80 : index
          %parallel_loop3A_297 = tpu.vector_load %arg10[%parallel_loop3A_295, %parallel_loop3A_296] {strides = array<i32>} : memref<80x144xf32, #tpu.memory_space<vmem>>, vector<16xf32>,
          tpu.vector_store %arg10[%parallel_loop3A_295, %parallel_loop3A_296], %parallel_loop3A_294 {strides = array<i32>} : memref<80x144xf32, #tpu.memory_space<vmem>>, vector<16xf32>,
          %parallel_loop3A_298 = arith.index_cast %parallel_loop3A_243 : i32 to index
          %parallel_loop3A_299 = arith.constant 96 : index
          %parallel_loop3A_300 = tpu.vector_load %arg8[%parallel_loop3A_298, %parallel_loop3A_299] {strides = array<i32>} : memref<80x128xbf16, #tpu.memory_space<vmem>>, vector<32xbf16>,
          %parallel_loop3A_301 = vector.bitcast %parallel_loop3A_300 : vector<32xbf16> to vector<16xi32>
          %parallel_loop3A_302 = arith.shli %parallel_loop3A_301, %broadcast_in_dim3A_4 : vector<16xi32>
          %parallel_loop3A_303 = vector.bitcast %parallel_loop3A_302 : vector<16xi32> to vector<16xf32>
          %parallel_loop3A_304 = arith.andi %parallel_loop3A_301, %broadcast_in_dim3A_2 : vector<16xi32>
          %parallel_loop3A_305 = vector.bitcast %parallel_loop3A_304 : vector<16xi32> to vector<16xf32>
          %parallel_loop3A_306 = arith.mulf %parallel_loop3A_303, %parallel_loop3A_246 : vector<16xf32>
          %parallel_loop3A_307 = arith.index_cast %parallel_loop3A_243 : i32 to index
          %parallel_loop3A_308 = arith.constant 96 : index
          %parallel_loop3A_309 = tpu.vector_load %arg10[%parallel_loop3A_307, %parallel_loop3A_308] {strides = array<i32>} : memref<80x144xf32, #tpu.memory_space<vmem>>, vector<16xf32>,
          tpu.vector_store %arg10[%parallel_loop3A_307, %parallel_loop3A_308], %parallel_loop3A_306 {strides = array<i32>} : memref<80x144xf32, #tpu.memory_space<vmem>>, vector<16xf32>,
          %parallel_loop3A_310 = arith.mulf %parallel_loop3A_305, %parallel_loop3A_246 : vector<16xf32>
          %parallel_loop3A_311 = arith.index_cast %parallel_loop3A_243 : i32 to index
          %parallel_loop3A_312 = arith.constant 112 : index
          %parallel_loop3A_313 = tpu.vector_load %arg10[%parallel_loop3A_311, %parallel_loop3A_312] {strides = array<i32>} : memref<80x144xf32, #tpu.memory_space<vmem>>, vector<16xf32>,
          tpu.vector_store %arg10[%parallel_loop3A_311, %parallel_loop3A_312], %parallel_loop3A_310 {strides = array<i32>} : memref<80x144xf32, #tpu.memory_space<vmem>>, vector<16xf32>,
        } {sc.loop_unroll_factor = 1 : i64, sc.parallel_access}
        %lt3A_227 = arith.constant 4 : i32
        %lt3A_228 = arith.cmpi slt, %add3A_149, %lt3A_227 : i32
        %convert_element_type3A_229 = arith.extui %lt3A_228 : i1 to i32
        %cond3A_230 = arith.constant 0 : i32
        %cond3A_231 = arith.cmpi ne, %convert_element_type3A_229, %cond3A_230 : i32
        scf.if %cond3A_231 {
          %mul3A_243 = arith.constant 2 : i32
          %mul3A_244 = arith.muli %mul3A_243, %add3A_149 : i32
          %add3A_245 = arith.constant 3 : i32
          %add3A_246 = arith.addi %mul3A_244, %add3A_245 : i32
          %dma_start3A_247 = arith.constant 0 : i32
          %dma_start3A_248 = arith.constant 0 : i32
          %dma_start3A_249 = tpu.memref_slice %arg6[%dma_start3A_247, %add3A_246, %dma_start3A_248] : memref<3x10x80xi32, #tpu.memory_space<vmem>> -> memref<1x1x80xi32, #tpu.memory_space<vmem>>
          %dma_start3A_250 = tpu.memref_squeeze %dma_start3A_249 : memref<1x1x80xi32, #tpu.memory_space<vmem>> -> memref<80xi32, #tpu.memory_space<vmem>>
          %dma_start3A_251 = arith.constant 0 : i32
          %dma_start3A_252 = arith.constant 0 : i32
          %dma_start3A_253 = tpu.memref_slice %arg2[%dma_start3A_251, %dma_start3A_252] : memref<20000x128xbf16, #tpu.memory_space<hbm>> -> memref<20000x128xbf16, #tpu.memory_space<hbm>>
          tpu.enqueue_indirect_dma source(%dma_start3A_253 : memref<20000x128xbf16, #tpu.memory_space<hbm>>) target(%arg8 : memref<80x128xbf16, #tpu.memory_space<vmem>>) offsets(%dma_start3A_250 : memref<80xi32, #tpu.memory_space<vmem>>) semaphore(%arg18 : memref<!tpu.dma_semaphore, #tpu.memory_space<semaphore_mem>>)
        } else {
        }
        %eq3A_232 = arith.constant 4 : i32
        %eq3A_233 = arith.cmpi eq, %add3A_149, %eq3A_232 : i32
        %lt3A_234 = arith.constant 24 : i32
        %lt3A_235 = arith.cmpi slt, %add3A_127, %lt3A_234 : i32
        %and3A_236 = arith.andi %eq3A_233, %lt3A_235 : i1
        %convert_element_type3A_237 = arith.extui %and3A_236 : i1 to i32
        %cond3A_238 = arith.constant 0 : i32
        %cond3A_239 = arith.cmpi ne, %convert_element_type3A_237, %cond3A_238 : i32
        scf.if %cond3A_239 {
          %dma_start3A_243 = arith.constant 0 : i32
          %dma_start3A_244 = arith.constant 1 : i32
          %dma_start3A_245 = arith.constant 0 : i32
          %dma_start3A_246 = tpu.memref_slice %arg5[%dma_start3A_243, %dma_start3A_244, %dma_start3A_245] : memref<3x10x80xi32, #tpu.memory_space<vmem>> -> memref<1x1x80xi32, #tpu.memory_space<vmem>>
          %dma_start3A_247 = tpu.memref_squeeze %dma_start3A_246 : memref<1x1x80xi32, #tpu.memory_space<vmem>> -> memref<80xi32, #tpu.memory_space<vmem>>
          %dma_start3A_248 = arith.constant 0 : i32
          %dma_start3A_249 = arith.constant 0 : i32
          %dma_start3A_250 = tpu.memref_slice %arg2[%dma_start3A_248, %dma_start3A_249] : memref<20000x128xbf16, #tpu.memory_space<hbm>> -> memref<20000x128xbf16, #tpu.memory_space<hbm>>
          tpu.enqueue_indirect_dma source(%dma_start3A_250 : memref<20000x128xbf16, #tpu.memory_space<hbm>>) target(%arg8 : memref<80x128xbf16, #tpu.memory_space<vmem>>) offsets(%dma_start3A_247 : memref<80xi32, #tpu.memory_space<vmem>>) semaphore(%arg18 : memref<!tpu.dma_semaphore, #tpu.memory_space<semaphore_mem>>)
        } else {
        }
        %dma_start3A_240 = arith.constant 0 : i32
        %dma_start3A_241 = arith.constant 0 : i32
        %dma_start3A_242 = tpu.memref_slice %arg14[%dma_start3A_240, %dma_start3A_241] : memref<10000x144xf32, #tpu.memory_space<vmem_shared>> -> memref<10000x144xf32, #tpu.memory_space<vmem_shared>>
        tpu.enqueue_indirect_dma source(%arg10 : memref<80x144xf32, #tpu.memory_space<vmem>>) target(%dma_start3A_242 : memref<10000x144xf32, #tpu.memory_space<vmem_shared>>) offsets(%arg13 : memref<80xi32, #tpu.memory_space<vmem>>) semaphore(%arg20 : memref<!tpu.dma_semaphore, #tpu.memory_space<semaphore_mem>>) {add = true}
      }
      %scan3A_137 = arith.constant 5 : i32
      %add3A_138 = arith.constant 2 : i32
      %add3A_139 = arith.addi %add3A_127, %add3A_138 : i32
      %lt3A_140 = arith.constant 25 : i32
      %lt3A_141 = arith.cmpi slt, %add3A_139, %lt3A_140 : i32
      %convert_element_type3A_142 = arith.extui %lt3A_141 : i1 to i32
      %cond3A_143 = arith.constant 0 : i32
      %cond3A_144 = arith.cmpi ne, %convert_element_type3A_142, %cond3A_143 : i32
      scf.if %cond3A_144 {
        %add3A_145 = arith.constant 2 : i32
        %add3A_146 = arith.addi %add3A_127, %add3A_145 : i32
        %dma_start3A_147 = arith.constant 0 : i32
        %dma_start3A_148 = arith.constant 0 : i32
        %dma_start3A_149 = arith.constant 0 : i32
        %dma_start3A_150 = tpu.memref_slice %arg3[%arg0, %arg1, %add3A_146, %dma_start3A_147, %dma_start3A_148, %dma_start3A_149] : memref<2x16x25x3x10x80xi32, #tpu.memory_space<hbm>> -> memref<1x1x1x3x10x80xi32, #tpu.memory_space<hbm>>
        %dma_start3A_151 = tpu.memref_squeeze %dma_start3A_150 : memref<1x1x1x3x10x80xi32, #tpu.memory_space<hbm>> -> memref<3x10x80xi32, #tpu.memory_space<hbm>>
        %dma_start3A_152 = arith.constant 0 : i32
        %dma_start3A_153 = arith.constant 0 : i32
        %dma_start3A_154 = arith.constant 0 : i32
        %dma_start3A_155 = tpu.memref_slice %arg3[%arg0, %arg1, %add3A_146, %dma_start3A_152, %dma_start3A_153, %dma_start3A_154] : memref<2x16x25x3x10x80xi32, #tpu.memory_space<hbm>> -> memref<1x1x1x3x10x80xi32, #tpu.memory_space<hbm>>
        %dma_start3A_156 = tpu.memref_squeeze %dma_start3A_155 : memref<1x1x1x3x10x80xi32, #tpu.memory_space<hbm>> -> memref<3x10x80xi32, #tpu.memory_space<hbm>>
        tpu.enqueue_dma source(%dma_start3A_156 : memref<3x10x80xi32, #tpu.memory_space<hbm>>) target(%arg6 : memref<3x10x80xi32, #tpu.memory_space<vmem>>) target_semaphore(%arg16 : memref<!tpu.dma_semaphore, #tpu.memory_space<semaphore_mem>>)
      } else {
      }
    }
    %scan3A_74 = arith.constant 12 : i32
    %scan3A_75 = arith.constant 0 : i32
    %scan3A_76 = arith.constant 5 : i32
    %scan3A_77 = arith.addi %scan3A_75, %scan3A_76 : i32
    %scan3A_78 = arith.constant 1 : i32
    scf.for %scan3A_101 = %scan3A_75 to %scan3A_77 step %scan3A_78  : i32 {
      %mul3A = arith.constant 1 : i32
      %mul3A_102 = arith.muli %scan3A_101, %mul3A : i32
      %add3A_103 = arith.constant 0 : i32
      %add3A_104 = arith.addi %add3A_103, %mul3A_102 : i32
      %dma_wait3A_105 = arith.constant 0 : i32
      %dma_wait3A_106 = arith.constant 0 : i32
      %dma_wait3A_107 = arith.constant 0 : i32
      %dma_wait3A_108 = tpu.memref_slice %arg5[%dma_wait3A_105, %dma_wait3A_106, %dma_wait3A_107] : memref<3x10x80xi32, #tpu.memory_space<vmem>> -> memref<1x1x80xi32, #tpu.memory_space<vmem>>
      %dma_wait3A_109 = tpu.memref_squeeze %dma_wait3A_108 : memref<1x1x80xi32, #tpu.memory_space<vmem>> -> memref<80xi32, #tpu.memory_space<vmem>>
      %dma_wait3A_110 = arith.constant 0 : i32
      %dma_wait3A_111 = arith.constant 0 : i32
      %dma_wait3A_112 = tpu.memref_slice %arg2[%dma_wait3A_110, %dma_wait3A_111] : memref<20000x128xbf16, #tpu.memory_space<hbm>> -> memref<20000x128xbf16, #tpu.memory_space<hbm>>
      tpu.wait_indirect_dma semaphore(%arg17 : memref<!tpu.dma_semaphore, #tpu.memory_space<semaphore_mem>>) src(%dma_wait3A_112 : memref<20000x128xbf16, #tpu.memory_space<hbm>>) dst(%arg7 : memref<80x128xbf16, #tpu.memory_space<vmem>>)
      %gt3A = arith.constant 0 : i32
      %gt3A_113 = arith.cmpi sgt, %add3A_104, %gt3A : i32
      %or3A = arith.constant true
      %or3A_114 = arith.ori %gt3A_113, %or3A : i1
      %convert_element_type3A_115 = arith.extui %or3A_114 : i1 to i32
      %cond3A_116 = arith.constant 0 : i32
      %cond3A_117 = arith.cmpi ne, %convert_element_type3A_115, %cond3A_116 : i32
      scf.if %cond3A_117 {
        %dma_wait3A_194 = arith.constant 0 : i32
        %dma_wait3A_195 = arith.constant 0 : i32
        %dma_wait3A_196 = tpu.memref_slice %arg14[%dma_wait3A_194, %dma_wait3A_195] : memref<10000x144xf32, #tpu.memory_space<vmem_shared>> -> memref<10000x144xf32, #tpu.memory_space<vmem_shared>>
        tpu.wait_indirect_dma semaphore(%arg19 : memref<!tpu.dma_semaphore, #tpu.memory_space<semaphore_mem>>) src(%arg9 : memref<80x144xf32, #tpu.memory_space<vmem>>) dst(%dma_wait3A_196 : memref<10000x144xf32, #tpu.memory_space<vmem_shared>>)
      } else {
      }
      %mul3A_118 = arith.constant 2 : i32
      %mul3A_119 = arith.muli %mul3A_118, %add3A_104 : i32
      %scan3A_120 = arith.constant 0 : i32
      %scan3A_121 = arith.constant 5 : i32
      %scan3A_122 = arith.addi %scan3A_120, %scan3A_121 : i32
      %scan3A_123 = arith.constant 1 : i32
      scf.for %scan3A_194 = %scan3A_120 to %scan3A_122 step %scan3A_123  : i32 {
        %mul3A_195 = arith.constant 1 : i32
        %mul3A_196 = arith.muli %scan3A_194, %mul3A_195 : i32
        %add3A_197 = arith.constant 0 : i32
        %add3A_198 = arith.addi %add3A_197, %mul3A_196 : i32
        %mul3A_199 = arith.constant 16 : i32
        %mul3A_200 = arith.muli %add3A_198, %mul3A_199 : i32
        %get3A = arith.constant 2 : i32
        %get3A_201 = arith.index_cast %get3A : i32 to index
        %get3A_202 = arith.index_cast %mul3A_119 : i32 to index
        %get3A_203 = arith.index_cast %mul3A_200 : i32 to index
        %get3A_204 = tpu.vector_load %arg5[%get3A_201, %get3A_202, %get3A_203] {strides = array<i32>} : memref<3x10x80xi32, #tpu.memory_space<vmem>>, vector<16xi32>,
        %mul3A_205 = arith.constant 16 : i32
        %mul3A_206 = arith.muli %add3A_198, %mul3A_205 : i32
        %swap3A = arith.index_cast %mul3A_206 : i32 to index
        %swap3A_207 = tpu.vector_load %arg12[%swap3A] {strides = array<i32>} : memref<80xi32, #tpu.memory_space<vmem>>, vector<16xi32>,
        tpu.vector_store %arg12[%swap3A], %get3A_204 {strides = array<i32>} : memref<80xi32, #tpu.memory_space<vmem>>, vector<16xi32>,
      }
      %scan3A_124 = arith.constant 5 : i32
      %mul3A_125 = arith.constant 2 : i32
      %mul3A_126 = arith.muli %mul3A_125, %add3A_104 : i32
      %broadcast_in_dim3A_127 = arith.constant 1 : i32
      %broadcast_in_dim3A_128 = vector.broadcast %broadcast_in_dim3A_127 : i32 to vector<16xi32>
      %broadcast_in_dim3A_129 = vector.broadcast %mul3A_126 : i32 to vector<16xi32>
      %parallel_loop3A = arith.constant 0 : i32
      %parallel_loop3A_130 = arith.constant 80 : i32
      %parallel_loop3A_131 = arith.constant 1 : i32
      scf.for %parallel_loop3A_194 = %parallel_loop3A to %parallel_loop3A_130 step %parallel_loop3A_131  : i32 {
        %parallel_loop3A_195 = vector.broadcast %parallel_loop3A_194 : i32 to vector<16xi32>
        %parallel_loop3A_196 = tpu.vector_load_idx %arg5[%broadcast_in_dim3A_128, %broadcast_in_dim3A_129, %parallel_loop3A_195] : memref<3x10x80xi32, #tpu.memory_space<vmem>>[vector<16xi32>, vector<16xi32>, vector<16xi32>], vector<16xi32>,
        %parallel_loop3A_197 = vector.bitcast %parallel_loop3A_196 : vector<16xi32> to vector<16xf32>
        %parallel_loop3A_198 = arith.index_cast %parallel_loop3A_194 : i32 to index
        %parallel_loop3A_199 = arith.constant 128 : index
        %parallel_loop3A_200 = tpu.vector_load %arg9[%parallel_loop3A_198, %parallel_loop3A_199] {strides = array<i32>} : memref<80x144xf32, #tpu.memory_space<vmem>>, vector<16xf32>,
        tpu.vector_store %arg9[%parallel_loop3A_198, %parallel_loop3A_199], %parallel_loop3A_197 {strides = array<i32>} : memref<80x144xf32, #tpu.memory_space<vmem>>, vector<16xf32>,
        %parallel_loop3A_201 = arith.index_cast %parallel_loop3A_194 : i32 to index
        %parallel_loop3A_202 = arith.constant 0 : index
        %parallel_loop3A_203 = tpu.vector_load %arg7[%parallel_loop3A_201, %parallel_loop3A_202] {strides = array<i32>} : memref<80x128xbf16, #tpu.memory_space<vmem>>, vector<32xbf16>,
        %parallel_loop3A_204 = vector.bitcast %parallel_loop3A_203 : vector<32xbf16> to vector<16xi32>
        %parallel_loop3A_205 = arith.shli %parallel_loop3A_204, %broadcast_in_dim3A_4 : vector<16xi32>
        %parallel_loop3A_206 = vector.bitcast %parallel_loop3A_205 : vector<16xi32> to vector<16xf32>
        %parallel_loop3A_207 = arith.andi %parallel_loop3A_204, %broadcast_in_dim3A_2 : vector<16xi32>
        %parallel_loop3A_208 = vector.bitcast %parallel_loop3A_207 : vector<16xi32> to vector<16xf32>
        %parallel_loop3A_209 = arith.mulf %parallel_loop3A_206, %parallel_loop3A_197 : vector<16xf32>
        %parallel_loop3A_210 = arith.index_cast %parallel_loop3A_194 : i32 to index
        %parallel_loop3A_211 = arith.constant 0 : index
        %parallel_loop3A_212 = tpu.vector_load %arg9[%parallel_loop3A_210, %parallel_loop3A_211] {strides = array<i32>} : memref<80x144xf32, #tpu.memory_space<vmem>>, vector<16xf32>,
        tpu.vector_store %arg9[%parallel_loop3A_210, %parallel_loop3A_211], %parallel_loop3A_209 {strides = array<i32>} : memref<80x144xf32, #tpu.memory_space<vmem>>, vector<16xf32>,
        %parallel_loop3A_213 = arith.mulf %parallel_loop3A_208, %parallel_loop3A_197 : vector<16xf32>
        %parallel_loop3A_214 = arith.index_cast %parallel_loop3A_194 : i32 to index
        %parallel_loop3A_215 = arith.constant 16 : index
        %parallel_loop3A_216 = tpu.vector_load %arg9[%parallel_loop3A_214, %parallel_loop3A_215] {strides = array<i32>} : memref<80x144xf32, #tpu.memory_space<vmem>>, vector<16xf32>,
        tpu.vector_store %arg9[%parallel_loop3A_214, %parallel_loop3A_215], %parallel_loop3A_213 {strides = array<i32>} : memref<80x144xf32, #tpu.memory_space<vmem>>, vector<16xf32>,
        %parallel_loop3A_217 = arith.index_cast %parallel_loop3A_194 : i32 to index
        %parallel_loop3A_218 = arith.constant 32 : index
        %parallel_loop3A_219 = tpu.vector_load %arg7[%parallel_loop3A_217, %parallel_loop3A_218] {strides = array<i32>} : memref<80x128xbf16, #tpu.memory_space<vmem>>, vector<32xbf16>,
        %parallel_loop3A_220 = vector.bitcast %parallel_loop3A_219 : vector<32xbf16> to vector<16xi32>
        %parallel_loop3A_221 = arith.shli %parallel_loop3A_220, %broadcast_in_dim3A_4 : vector<16xi32>
        %parallel_loop3A_222 = vector.bitcast %parallel_loop3A_221 : vector<16xi32> to vector<16xf32>
        %parallel_loop3A_223 = arith.andi %parallel_loop3A_220, %broadcast_in_dim3A_2 : vector<16xi32>
        %parallel_loop3A_224 = vector.bitcast %parallel_loop3A_223 : vector<16xi32> to vector<16xf32>
        %parallel_loop3A_225 = arith.mulf %parallel_loop3A_222, %parallel_loop3A_197 : vector<16xf32>
        %parallel_loop3A_226 = arith.index_cast %parallel_loop3A_194 : i32 to index
        %parallel_loop3A_227 = arith.constant 32 : index
        %parallel_loop3A_228 = tpu.vector_load %arg9[%parallel_loop3A_226, %parallel_loop3A_227] {strides = array<i32>} : memref<80x144xf32, #tpu.memory_space<vmem>>, vector<16xf32>,
        tpu.vector_store %arg9[%parallel_loop3A_226, %parallel_loop3A_227], %parallel_loop3A_225 {strides = array<i32>} : memref<80x144xf32, #tpu.memory_space<vmem>>, vector<16xf32>,
        %parallel_loop3A_229 = arith.mulf %parallel_loop3A_224, %parallel_loop3A_197 : vector<16xf32>
        %parallel_loop3A_230 = arith.index_cast %parallel_loop3A_194 : i32 to index
        %parallel_loop3A_231 = arith.constant 48 : index
        %parallel_loop3A_232 = tpu.vector_load %arg9[%parallel_loop3A_230, %parallel_loop3A_231] {strides = array<i32>} : memref<80x144xf32, #tpu.memory_space<vmem>>, vector<16xf32>,
        tpu.vector_store %arg9[%parallel_loop3A_230, %parallel_loop3A_231], %parallel_loop3A_229 {strides = array<i32>} : memref<80x144xf32, #tpu.memory_space<vmem>>, vector<16xf32>,
        %parallel_loop3A_233 = arith.index_cast %parallel_loop3A_194 : i32 to index
        %parallel_loop3A_234 = arith.constant 64 : index
        %parallel_loop3A_235 = tpu.vector_load %arg7[%parallel_loop3A_233, %parallel_loop3A_234] {strides = array<i32>} : memref<80x128xbf16, #tpu.memory_space<vmem>>, vector<32xbf16>,
        %parallel_loop3A_236 = vector.bitcast %parallel_loop3A_235 : vector<32xbf16> to vector<16xi32>
        %parallel_loop3A_237 = arith.shli %parallel_loop3A_236, %broadcast_in_dim3A_4 : vector<16xi32>
        %parallel_loop3A_238 = vector.bitcast %parallel_loop3A_237 : vector<16xi32> to vector<16xf32>
        %parallel_loop3A_239 = arith.andi %parallel_loop3A_236, %broadcast_in_dim3A_2 : vector<16xi32>
        %parallel_loop3A_240 = vector.bitcast %parallel_loop3A_239 : vector<16xi32> to vector<16xf32>
        %parallel_loop3A_241 = arith.mulf %parallel_loop3A_238, %parallel_loop3A_197 : vector<16xf32>
        %parallel_loop3A_242 = arith.index_cast %parallel_loop3A_194 : i32 to index
        %parallel_loop3A_243 = arith.constant 64 : index
        %parallel_loop3A_244 = tpu.vector_load %arg9[%parallel_loop3A_242, %parallel_loop3A_243] {strides = array<i32>} : memref<80x144xf32, #tpu.memory_space<vmem>>, vector<16xf32>,
        tpu.vector_store %arg9[%parallel_loop3A_242, %parallel_loop3A_243], %parallel_loop3A_241 {strides = array<i32>} : memref<80x144xf32, #tpu.memory_space<vmem>>, vector<16xf32>,
        %parallel_loop3A_245 = arith.mulf %parallel_loop3A_240, %parallel_loop3A_197 : vector<16xf32>
        %parallel_loop3A_246 = arith.index_cast %parallel_loop3A_194 : i32 to index
        %parallel_loop3A_247 = arith.constant 80 : index
        %parallel_loop3A_248 = tpu.vector_load %arg9[%parallel_loop3A_246, %parallel_loop3A_247] {strides = array<i32>} : memref<80x144xf32, #tpu.memory_space<vmem>>, vector<16xf32>,
        tpu.vector_store %arg9[%parallel_loop3A_246, %parallel_loop3A_247], %parallel_loop3A_245 {strides = array<i32>} : memref<80x144xf32, #tpu.memory_space<vmem>>, vector<16xf32>,
        %parallel_loop3A_249 = arith.index_cast %parallel_loop3A_194 : i32 to index
        %parallel_loop3A_250 = arith.constant 96 : index
        %parallel_loop3A_251 = tpu.vector_load %arg7[%parallel_loop3A_249, %parallel_loop3A_250] {strides = array<i32>} : memref<80x128xbf16, #tpu.memory_space<vmem>>, vector<32xbf16>,
        %parallel_loop3A_252 = vector.bitcast %parallel_loop3A_251 : vector<32xbf16> to vector<16xi32>
        %parallel_loop3A_253 = arith.shli %parallel_loop3A_252, %broadcast_in_dim3A_4 : vector<16xi32>
        %parallel_loop3A_254 = vector.bitcast %parallel_loop3A_253 : vector<16xi32> to vector<16xf32>
        %parallel_loop3A_255 = arith.andi %parallel_loop3A_252, %broadcast_in_dim3A_2 : vector<16xi32>
        %parallel_loop3A_256 = vector.bitcast %parallel_loop3A_255 : vector<16xi32> to vector<16xf32>
        %parallel_loop3A_257 = arith.mulf %parallel_loop3A_254, %parallel_loop3A_197 : vector<16xf32>
        %parallel_loop3A_258 = arith.index_cast %parallel_loop3A_194 : i32 to index
        %parallel_loop3A_259 = arith.constant 96 : index
        %parallel_loop3A_260 = tpu.vector_load %arg9[%parallel_loop3A_258, %parallel_loop3A_259] {strides = array<i32>} : memref<80x144xf32, #tpu.memory_space<vmem>>, vector<16xf32>,
        tpu.vector_store %arg9[%parallel_loop3A_258, %parallel_loop3A_259], %parallel_loop3A_257 {strides = array<i32>} : memref<80x144xf32, #tpu.memory_space<vmem>>, vector<16xf32>,
        %parallel_loop3A_261 = arith.mulf %parallel_loop3A_256, %parallel_loop3A_197 : vector<16xf32>
        %parallel_loop3A_262 = arith.index_cast %parallel_loop3A_194 : i32 to index
        %parallel_loop3A_263 = arith.constant 112 : index
        %parallel_loop3A_264 = tpu.vector_load %arg9[%parallel_loop3A_262, %parallel_loop3A_263] {strides = array<i32>} : memref<80x144xf32, #tpu.memory_space<vmem>>, vector<16xf32>,
        tpu.vector_store %arg9[%parallel_loop3A_262, %parallel_loop3A_263], %parallel_loop3A_261 {strides = array<i32>} : memref<80x144xf32, #tpu.memory_space<vmem>>, vector<16xf32>,
      } {sc.loop_unroll_factor = 1 : i64, sc.parallel_access}
      %lt3A_132 = arith.constant 4 : i32
      %lt3A_133 = arith.cmpi slt, %add3A_104, %lt3A_132 : i32
      %convert_element_type3A_134 = arith.extui %lt3A_133 : i1 to i32
      %cond3A_135 = arith.constant 0 : i32
      %cond3A_136 = arith.cmpi ne, %convert_element_type3A_134, %cond3A_135 : i32
      scf.if %cond3A_136 {
        %mul3A_194 = arith.constant 2 : i32
        %mul3A_195 = arith.muli %mul3A_194, %add3A_104 : i32
        %add3A_196 = arith.constant 2 : i32
        %add3A_197 = arith.addi %mul3A_195, %add3A_196 : i32
        %dma_start3A_198 = arith.constant 0 : i32
        %dma_start3A_199 = arith.constant 0 : i32
        %dma_start3A_200 = tpu.memref_slice %arg5[%dma_start3A_198, %add3A_197, %dma_start3A_199] : memref<3x10x80xi32, #tpu.memory_space<vmem>> -> memref<1x1x80xi32, #tpu.memory_space<vmem>>
        %dma_start3A_201 = tpu.memref_squeeze %dma_start3A_200 : memref<1x1x80xi32, #tpu.memory_space<vmem>> -> memref<80xi32, #tpu.memory_space<vmem>>
        %dma_start3A_202 = arith.constant 0 : i32
        %dma_start3A_203 = arith.constant 0 : i32
        %dma_start3A_204 = tpu.memref_slice %arg2[%dma_start3A_202, %dma_start3A_203] : memref<20000x128xbf16, #tpu.memory_space<hbm>> -> memref<20000x128xbf16, #tpu.memory_space<hbm>>
        tpu.enqueue_indirect_dma source(%dma_start3A_204 : memref<20000x128xbf16, #tpu.memory_space<hbm>>) target(%arg7 : memref<80x128xbf16, #tpu.memory_space<vmem>>) offsets(%dma_start3A_201 : memref<80xi32, #tpu.memory_space<vmem>>) semaphore(%arg17 : memref<!tpu.dma_semaphore, #tpu.memory_space<semaphore_mem>>)
      } else {
      }
      %eq3A = arith.constant 4 : i32
      %eq3A_137 = arith.cmpi eq, %add3A_104, %eq3A : i32
      %and3A = arith.constant false
      %and3A_138 = arith.andi %eq3A_137, %and3A : i1
      %convert_element_type3A_139 = arith.extui %and3A_138 : i1 to i32
      %cond3A_140 = arith.constant 0 : i32
      %cond3A_141 = arith.cmpi ne, %convert_element_type3A_139, %cond3A_140 : i32
      scf.if %cond3A_141 {
        %dma_start3A_194 = arith.constant 0 : i32
        %dma_start3A_195 = arith.constant 0 : i32
        %dma_start3A_196 = arith.constant 0 : i32
        %dma_start3A_197 = tpu.memref_slice %arg6[%dma_start3A_194, %dma_start3A_195, %dma_start3A_196] : memref<3x10x80xi32, #tpu.memory_space<vmem>> -> memref<1x1x80xi32, #tpu.memory_space<vmem>>
        %dma_start3A_198 = tpu.memref_squeeze %dma_start3A_197 : memref<1x1x80xi32, #tpu.memory_space<vmem>> -> memref<80xi32, #tpu.memory_space<vmem>>
        %dma_start3A_199 = arith.constant 0 : i32
        %dma_start3A_200 = arith.constant 0 : i32
        %dma_start3A_201 = tpu.memref_slice %arg2[%dma_start3A_199, %dma_start3A_200] : memref<20000x128xbf16, #tpu.memory_space<hbm>> -> memref<20000x128xbf16, #tpu.memory_space<hbm>>
        tpu.enqueue_indirect_dma source(%dma_start3A_201 : memref<20000x128xbf16, #tpu.memory_space<hbm>>) target(%arg7 : memref<80x128xbf16, #tpu.memory_space<vmem>>) offsets(%dma_start3A_198 : memref<80xi32, #tpu.memory_space<vmem>>) semaphore(%arg17 : memref<!tpu.dma_semaphore, #tpu.memory_space<semaphore_mem>>)
      } else {
      }
      %dma_start3A_142 = arith.constant 0 : i32
      %dma_start3A_143 = arith.constant 0 : i32
      %dma_start3A_144 = tpu.memref_slice %arg14[%dma_start3A_142, %dma_start3A_143] : memref<10000x144xf32, #tpu.memory_space<vmem_shared>> -> memref<10000x144xf32, #tpu.memory_space<vmem_shared>>
      tpu.enqueue_indirect_dma source(%arg9 : memref<80x144xf32, #tpu.memory_space<vmem>>) target(%dma_start3A_144 : memref<10000x144xf32, #tpu.memory_space<vmem_shared>>) offsets(%arg12 : memref<80xi32, #tpu.memory_space<vmem>>) semaphore(%arg19 : memref<!tpu.dma_semaphore, #tpu.memory_space<semaphore_mem>>) {add = true}
      %dma_wait3A_145 = arith.constant 0 : i32
      %dma_wait3A_146 = arith.constant 0 : i32
      %dma_wait3A_147 = arith.constant 0 : i32
      %dma_wait3A_148 = tpu.memref_slice %arg5[%dma_wait3A_145, %dma_wait3A_146, %dma_wait3A_147] : memref<3x10x80xi32, #tpu.memory_space<vmem>> -> memref<1x1x80xi32, #tpu.memory_space<vmem>>
      %dma_wait3A_149 = tpu.memref_squeeze %dma_wait3A_148 : memref<1x1x80xi32, #tpu.memory_space<vmem>> -> memref<80xi32, #tpu.memory_space<vmem>>
      %dma_wait3A_150 = arith.constant 0 : i32
      %dma_wait3A_151 = arith.constant 0 : i32
      %dma_wait3A_152 = tpu.memref_slice %arg2[%dma_wait3A_150, %dma_wait3A_151] : memref<20000x128xbf16, #tpu.memory_space<hbm>> -> memref<20000x128xbf16, #tpu.memory_space<hbm>>
      tpu.wait_indirect_dma semaphore(%arg18 : memref<!tpu.dma_semaphore, #tpu.memory_space<semaphore_mem>>) src(%dma_wait3A_152 : memref<20000x128xbf16, #tpu.memory_space<hbm>>) dst(%arg8 : memref<80x128xbf16, #tpu.memory_space<vmem>>)
      %gt3A_153 = arith.constant 0 : i32
      %gt3A_154 = arith.cmpi sgt, %add3A_104, %gt3A_153 : i32
      %or3A_155 = arith.constant true
      %or3A_156 = arith.ori %gt3A_154, %or3A_155 : i1
      %convert_element_type3A_157 = arith.extui %or3A_156 : i1 to i32
      %cond3A_158 = arith.constant 0 : i32
      %cond3A_159 = arith.cmpi ne, %convert_element_type3A_157, %cond3A_158 : i32
      scf.if %cond3A_159 {
        %dma_wait3A_194 = arith.constant 0 : i32
        %dma_wait3A_195 = arith.constant 0 : i32
        %dma_wait3A_196 = tpu.memref_slice %arg14[%dma_wait3A_194, %dma_wait3A_195] : memref<10000x144xf32, #tpu.memory_space<vmem_shared>> -> memref<10000x144xf32, #tpu.memory_space<vmem_shared>>
        tpu.wait_indirect_dma semaphore(%arg20 : memref<!tpu.dma_semaphore, #tpu.memory_space<semaphore_mem>>) src(%arg10 : memref<80x144xf32, #tpu.memory_space<vmem>>) dst(%dma_wait3A_196 : memref<10000x144xf32, #tpu.memory_space<vmem_shared>>)
      } else {
      }
      %mul3A_160 = arith.constant 2 : i32
      %mul3A_161 = arith.muli %mul3A_160, %add3A_104 : i32
      %add3A_162 = arith.constant 1 : i32
      %add3A_163 = arith.addi %mul3A_161, %add3A_162 : i32
      %scan3A_164 = arith.constant 0 : i32
      %scan3A_165 = arith.constant 5 : i32
      %scan3A_166 = arith.addi %scan3A_164, %scan3A_165 : i32
      %scan3A_167 = arith.constant 1 : i32
      scf.for %scan3A_194 = %scan3A_164 to %scan3A_166 step %scan3A_167  : i32 {
        %mul3A_195 = arith.constant 1 : i32
        %mul3A_196 = arith.muli %scan3A_194, %mul3A_195 : i32
        %add3A_197 = arith.constant 0 : i32
        %add3A_198 = arith.addi %add3A_197, %mul3A_196 : i32
        %mul3A_199 = arith.constant 16 : i32
        %mul3A_200 = arith.muli %add3A_198, %mul3A_199 : i32
        %get3A = arith.constant 2 : i32
        %get3A_201 = arith.index_cast %get3A : i32 to index
        %get3A_202 = arith.index_cast %add3A_163 : i32 to index
        %get3A_203 = arith.index_cast %mul3A_200 : i32 to index
        %get3A_204 = tpu.vector_load %arg5[%get3A_201, %get3A_202, %get3A_203] {strides = array<i32>} : memref<3x10x80xi32, #tpu.memory_space<vmem>>, vector<16xi32>,
        %mul3A_205 = arith.constant 16 : i32
        %mul3A_206 = arith.muli %add3A_198, %mul3A_205 : i32
        %swap3A = arith.index_cast %mul3A_206 : i32 to index
        %swap3A_207 = tpu.vector_load %arg13[%swap3A] {strides = array<i32>} : memref<80xi32, #tpu.memory_space<vmem>>, vector<16xi32>,
        tpu.vector_store %arg13[%swap3A], %get3A_204 {strides = array<i32>} : memref<80xi32, #tpu.memory_space<vmem>>, vector<16xi32>,
      }
      %scan3A_168 = arith.constant 5 : i32
      %mul3A_169 = arith.constant 2 : i32
      %mul3A_170 = arith.muli %mul3A_169, %add3A_104 : i32
      %add3A_171 = arith.constant 1 : i32
      %add3A_172 = arith.addi %mul3A_170, %add3A_171 : i32
      %broadcast_in_dim3A_173 = arith.constant 1 : i32
      %broadcast_in_dim3A_174 = vector.broadcast %broadcast_in_dim3A_173 : i32 to vector<16xi32>
      %broadcast_in_dim3A_175 = vector.broadcast %add3A_172 : i32 to vector<16xi32>
      %parallel_loop3A_176 = arith.constant 0 : i32
      %parallel_loop3A_177 = arith.constant 80 : i32
      %parallel_loop3A_178 = arith.constant 1 : i32
      scf.for %parallel_loop3A_194 = %parallel_loop3A_176 to %parallel_loop3A_177 step %parallel_loop3A_178  : i32 {
        %parallel_loop3A_195 = vector.broadcast %parallel_loop3A_194 : i32 to vector<16xi32>
        %parallel_loop3A_196 = tpu.vector_load_idx %arg5[%broadcast_in_dim3A_174, %broadcast_in_dim3A_175, %parallel_loop3A_195] : memref<3x10x80xi32, #tpu.memory_space<vmem>>[vector<16xi32>, vector<16xi32>, vector<16xi32>], vector<16xi32>,
        %parallel_loop3A_197 = vector.bitcast %parallel_loop3A_196 : vector<16xi32> to vector<16xf32>
        %parallel_loop3A_198 = arith.index_cast %parallel_loop3A_194 : i32 to index
        %parallel_loop3A_199 = arith.constant 128 : index
        %parallel_loop3A_200 = tpu.vector_load %arg10[%parallel_loop3A_198, %parallel_loop3A_199] {strides = array<i32>} : memref<80x144xf32, #tpu.memory_space<vmem>>, vector<16xf32>,
        tpu.vector_store %arg10[%parallel_loop3A_198, %parallel_loop3A_199], %parallel_loop3A_197 {strides = array<i32>} : memref<80x144xf32, #tpu.memory_space<vmem>>, vector<16xf32>,
        %parallel_loop3A_201 = arith.index_cast %parallel_loop3A_194 : i32 to index
        %parallel_loop3A_202 = arith.constant 0 : index
        %parallel_loop3A_203 = tpu.vector_load %arg8[%parallel_loop3A_201, %parallel_loop3A_202] {strides = array<i32>} : memref<80x128xbf16, #tpu.memory_space<vmem>>, vector<32xbf16>,
        %parallel_loop3A_204 = vector.bitcast %parallel_loop3A_203 : vector<32xbf16> to vector<16xi32>
        %parallel_loop3A_205 = arith.shli %parallel_loop3A_204, %broadcast_in_dim3A_4 : vector<16xi32>
        %parallel_loop3A_206 = vector.bitcast %parallel_loop3A_205 : vector<16xi32> to vector<16xf32>
        %parallel_loop3A_207 = arith.andi %parallel_loop3A_204, %broadcast_in_dim3A_2 : vector<16xi32>
        %parallel_loop3A_208 = vector.bitcast %parallel_loop3A_207 : vector<16xi32> to vector<16xf32>
        %parallel_loop3A_209 = arith.mulf %parallel_loop3A_206, %parallel_loop3A_197 : vector<16xf32>
        %parallel_loop3A_210 = arith.index_cast %parallel_loop3A_194 : i32 to index
        %parallel_loop3A_211 = arith.constant 0 : index
        %parallel_loop3A_212 = tpu.vector_load %arg10[%parallel_loop3A_210, %parallel_loop3A_211] {strides = array<i32>} : memref<80x144xf32, #tpu.memory_space<vmem>>, vector<16xf32>,
        tpu.vector_store %arg10[%parallel_loop3A_210, %parallel_loop3A_211], %parallel_loop3A_209 {strides = array<i32>} : memref<80x144xf32, #tpu.memory_space<vmem>>, vector<16xf32>,
        %parallel_loop3A_213 = arith.mulf %parallel_loop3A_208, %parallel_loop3A_197 : vector<16xf32>
        %parallel_loop3A_214 = arith.index_cast %parallel_loop3A_194 : i32 to index
        %parallel_loop3A_215 = arith.constant 16 : index
        %parallel_loop3A_216 = tpu.vector_load %arg10[%parallel_loop3A_214, %parallel_loop3A_215] {strides = array<i32>} : memref<80x144xf32, #tpu.memory_space<vmem>>, vector<16xf32>,
        tpu.vector_store %arg10[%parallel_loop3A_214, %parallel_loop3A_215], %parallel_loop3A_213 {strides = array<i32>} : memref<80x144xf32, #tpu.memory_space<vmem>>, vector<16xf32>,
        %parallel_loop3A_217 = arith.index_cast %parallel_loop3A_194 : i32 to index
        %parallel_loop3A_218 = arith.constant 32 : index
        %parallel_loop3A_219 = tpu.vector_load %arg8[%parallel_loop3A_217, %parallel_loop3A_218] {strides = array<i32>} : memref<80x128xbf16, #tpu.memory_space<vmem>>, vector<32xbf16>,
        %parallel_loop3A_220 = vector.bitcast %parallel_loop3A_219 : vector<32xbf16> to vector<16xi32>
        %parallel_loop3A_221 = arith.shli %parallel_loop3A_220, %broadcast_in_dim3A_4 : vector<16xi32>
        %parallel_loop3A_222 = vector.bitcast %parallel_loop3A_221 : vector<16xi32> to vector<16xf32>
        %parallel_loop3A_223 = arith.andi %parallel_loop3A_220, %broadcast_in_dim3A_2 : vector<16xi32>
        %parallel_loop3A_224 = vector.bitcast %parallel_loop3A_223 : vector<16xi32> to vector<16xf32>
        %parallel_loop3A_225 = arith.mulf %parallel_loop3A_222, %parallel_loop3A_197 : vector<16xf32>
        %parallel_loop3A_226 = arith.index_cast %parallel_loop3A_194 : i32 to index
        %parallel_loop3A_227 = arith.constant 32 : index
        %parallel_loop3A_228 = tpu.vector_load %arg10[%parallel_loop3A_226, %parallel_loop3A_227] {strides = array<i32>} : memref<80x144xf32, #tpu.memory_space<vmem>>, vector<16xf32>,
        tpu.vector_store %arg10[%parallel_loop3A_226, %parallel_loop3A_227], %parallel_loop3A_225 {strides = array<i32>} : memref<80x144xf32, #tpu.memory_space<vmem>>, vector<16xf32>,
        %parallel_loop3A_229 = arith.mulf %parallel_loop3A_224, %parallel_loop3A_197 : vector<16xf32>
        %parallel_loop3A_230 = arith.index_cast %parallel_loop3A_194 : i32 to index
        %parallel_loop3A_231 = arith.constant 48 : index
        %parallel_loop3A_232 = tpu.vector_load %arg10[%parallel_loop3A_230, %parallel_loop3A_231] {strides = array<i32>} : memref<80x144xf32, #tpu.memory_space<vmem>>, vector<16xf32>,
        tpu.vector_store %arg10[%parallel_loop3A_230, %parallel_loop3A_231], %parallel_loop3A_229 {strides = array<i32>} : memref<80x144xf32, #tpu.memory_space<vmem>>, vector<16xf32>,
        %parallel_loop3A_233 = arith.index_cast %parallel_loop3A_194 : i32 to index
        %parallel_loop3A_234 = arith.constant 64 : index
        %parallel_loop3A_235 = tpu.vector_load %arg8[%parallel_loop3A_233, %parallel_loop3A_234] {strides = array<i32>} : memref<80x128xbf16, #tpu.memory_space<vmem>>, vector<32xbf16>,
        %parallel_loop3A_236 = vector.bitcast %parallel_loop3A_235 : vector<32xbf16> to vector<16xi32>
        %parallel_loop3A_237 = arith.shli %parallel_loop3A_236, %broadcast_in_dim3A_4 : vector<16xi32>
        %parallel_loop3A_238 = vector.bitcast %parallel_loop3A_237 : vector<16xi32> to vector<16xf32>
        %parallel_loop3A_239 = arith.andi %parallel_loop3A_236, %broadcast_in_dim3A_2 : vector<16xi32>
        %parallel_loop3A_240 = vector.bitcast %parallel_loop3A_239 : vector<16xi32> to vector<16xf32>
        %parallel_loop3A_241 = arith.mulf %parallel_loop3A_238, %parallel_loop3A_197 : vector<16xf32>
        %parallel_loop3A_242 = arith.index_cast %parallel_loop3A_194 : i32 to index
        %parallel_loop3A_243 = arith.constant 64 : index
        %parallel_loop3A_244 = tpu.vector_load %arg10[%parallel_loop3A_242, %parallel_loop3A_243] {strides = array<i32>} : memref<80x144xf32, #tpu.memory_space<vmem>>, vector<16xf32>,
        tpu.vector_store %arg10[%parallel_loop3A_242, %parallel_loop3A_243], %parallel_loop3A_241 {strides = array<i32>} : memref<80x144xf32, #tpu.memory_space<vmem>>, vector<16xf32>,
        %parallel_loop3A_245 = arith.mulf %parallel_loop3A_240, %parallel_loop3A_197 : vector<16xf32>
        %parallel_loop3A_246 = arith.index_cast %parallel_loop3A_194 : i32 to index
        %parallel_loop3A_247 = arith.constant 80 : index
        %parallel_loop3A_248 = tpu.vector_load %arg10[%parallel_loop3A_246, %parallel_loop3A_247] {strides = array<i32>} : memref<80x144xf32, #tpu.memory_space<vmem>>, vector<16xf32>,
        tpu.vector_store %arg10[%parallel_loop3A_246, %parallel_loop3A_247], %parallel_loop3A_245 {strides = array<i32>} : memref<80x144xf32, #tpu.memory_space<vmem>>, vector<16xf32>,
        %parallel_loop3A_249 = arith.index_cast %parallel_loop3A_194 : i32 to index
        %parallel_loop3A_250 = arith.constant 96 : index
        %parallel_loop3A_251 = tpu.vector_load %arg8[%parallel_loop3A_249, %parallel_loop3A_250] {strides = array<i32>} : memref<80x128xbf16, #tpu.memory_space<vmem>>, vector<32xbf16>,
        %parallel_loop3A_252 = vector.bitcast %parallel_loop3A_251 : vector<32xbf16> to vector<16xi32>
        %parallel_loop3A_253 = arith.shli %parallel_loop3A_252, %broadcast_in_dim3A_4 : vector<16xi32>
        %parallel_loop3A_254 = vector.bitcast %parallel_loop3A_253 : vector<16xi32> to vector<16xf32>
        %parallel_loop3A_255 = arith.andi %parallel_loop3A_252, %broadcast_in_dim3A_2 : vector<16xi32>
        %parallel_loop3A_256 = vector.bitcast %parallel_loop3A_255 : vector<16xi32> to vector<16xf32>
        %parallel_loop3A_257 = arith.mulf %parallel_loop3A_254, %parallel_loop3A_197 : vector<16xf32>
        %parallel_loop3A_258 = arith.index_cast %parallel_loop3A_194 : i32 to index
        %parallel_loop3A_259 = arith.constant 96 : index
        %parallel_loop3A_260 = tpu.vector_load %arg10[%parallel_loop3A_258, %parallel_loop3A_259] {strides = array<i32>} : memref<80x144xf32, #tpu.memory_space<vmem>>, vector<16xf32>,
        tpu.vector_store %arg10[%parallel_loop3A_258, %parallel_loop3A_259], %parallel_loop3A_257 {strides = array<i32>} : memref<80x144xf32, #tpu.memory_space<vmem>>, vector<16xf32>,
        %parallel_loop3A_261 = arith.mulf %parallel_loop3A_256, %parallel_loop3A_197 : vector<16xf32>
        %parallel_loop3A_262 = arith.index_cast %parallel_loop3A_194 : i32 to index
        %parallel_loop3A_263 = arith.constant 112 : index
        %parallel_loop3A_264 = tpu.vector_load %arg10[%parallel_loop3A_262, %parallel_loop3A_263] {strides = array<i32>} : memref<80x144xf32, #tpu.memory_space<vmem>>, vector<16xf32>,
        tpu.vector_store %arg10[%parallel_loop3A_262, %parallel_loop3A_263], %parallel_loop3A_261 {strides = array<i32>} : memref<80x144xf32, #tpu.memory_space<vmem>>, vector<16xf32>,
      } {sc.loop_unroll_factor = 1 : i64, sc.parallel_access}
      %lt3A_179 = arith.constant 4 : i32
      %lt3A_180 = arith.cmpi slt, %add3A_104, %lt3A_179 : i32
      %convert_element_type3A_181 = arith.extui %lt3A_180 : i1 to i32
      %cond3A_182 = arith.constant 0 : i32
      %cond3A_183 = arith.cmpi ne, %convert_element_type3A_181, %cond3A_182 : i32
      scf.if %cond3A_183 {
        %mul3A_194 = arith.constant 2 : i32
        %mul3A_195 = arith.muli %mul3A_194, %add3A_104 : i32
        %add3A_196 = arith.constant 3 : i32
        %add3A_197 = arith.addi %mul3A_195, %add3A_196 : i32
        %dma_start3A_198 = arith.constant 0 : i32
        %dma_start3A_199 = arith.constant 0 : i32
        %dma_start3A_200 = tpu.memref_slice %arg5[%dma_start3A_198, %add3A_197, %dma_start3A_199] : memref<3x10x80xi32, #tpu.memory_space<vmem>> -> memref<1x1x80xi32, #tpu.memory_space<vmem>>
        %dma_start3A_201 = tpu.memref_squeeze %dma_start3A_200 : memref<1x1x80xi32, #tpu.memory_space<vmem>> -> memref<80xi32, #tpu.memory_space<vmem>>
        %dma_start3A_202 = arith.constant 0 : i32
        %dma_start3A_203 = arith.constant 0 : i32
        %dma_start3A_204 = tpu.memref_slice %arg2[%dma_start3A_202, %dma_start3A_203] : memref<20000x128xbf16, #tpu.memory_space<hbm>> -> memref<20000x128xbf16, #tpu.memory_space<hbm>>
        tpu.enqueue_indirect_dma source(%dma_start3A_204 : memref<20000x128xbf16, #tpu.memory_space<hbm>>) target(%arg8 : memref<80x128xbf16, #tpu.memory_space<vmem>>) offsets(%dma_start3A_201 : memref<80xi32, #tpu.memory_space<vmem>>) semaphore(%arg18 : memref<!tpu.dma_semaphore, #tpu.memory_space<semaphore_mem>>)
      } else {
      }
      %eq3A_184 = arith.constant 4 : i32
      %eq3A_185 = arith.cmpi eq, %add3A_104, %eq3A_184 : i32
      %and3A_186 = arith.constant false
      %and3A_187 = arith.andi %eq3A_185, %and3A_186 : i1
      %convert_element_type3A_188 = arith.extui %and3A_187 : i1 to i32
      %cond3A_189 = arith.constant 0 : i32
      %cond3A_190 = arith.cmpi ne, %convert_element_type3A_188, %cond3A_189 : i32
      scf.if %cond3A_190 {
        %dma_start3A_194 = arith.constant 0 : i32
        %dma_start3A_195 = arith.constant 1 : i32
        %dma_start3A_196 = arith.constant 0 : i32
        %dma_start3A_197 = tpu.memref_slice %arg6[%dma_start3A_194, %dma_start3A_195, %dma_start3A_196] : memref<3x10x80xi32, #tpu.memory_space<vmem>> -> memref<1x1x80xi32, #tpu.memory_space<vmem>>
        %dma_start3A_198 = tpu.memref_squeeze %dma_start3A_197 : memref<1x1x80xi32, #tpu.memory_space<vmem>> -> memref<80xi32, #tpu.memory_space<vmem>>
        %dma_start3A_199 = arith.constant 0 : i32
        %dma_start3A_200 = arith.constant 0 : i32
        %dma_start3A_201 = tpu.memref_slice %arg2[%dma_start3A_199, %dma_start3A_200] : memref<20000x128xbf16, #tpu.memory_space<hbm>> -> memref<20000x128xbf16, #tpu.memory_space<hbm>>
        tpu.enqueue_indirect_dma source(%dma_start3A_201 : memref<20000x128xbf16, #tpu.memory_space<hbm>>) target(%arg8 : memref<80x128xbf16, #tpu.memory_space<vmem>>) offsets(%dma_start3A_198 : memref<80xi32, #tpu.memory_space<vmem>>) semaphore(%arg18 : memref<!tpu.dma_semaphore, #tpu.memory_space<semaphore_mem>>)
      } else {
      }
      %dma_start3A_191 = arith.constant 0 : i32
      %dma_start3A_192 = arith.constant 0 : i32
      %dma_start3A_193 = tpu.memref_slice %arg14[%dma_start3A_191, %dma_start3A_192] : memref<10000x144xf32, #tpu.memory_space<vmem_shared>> -> memref<10000x144xf32, #tpu.memory_space<vmem_shared>>
      tpu.enqueue_indirect_dma source(%arg10 : memref<80x144xf32, #tpu.memory_space<vmem>>) target(%dma_start3A_193 : memref<10000x144xf32, #tpu.memory_space<vmem_shared>>) offsets(%arg13 : memref<80xi32, #tpu.memory_space<vmem>>) semaphore(%arg20 : memref<!tpu.dma_semaphore, #tpu.memory_space<semaphore_mem>>) {add = true}
    }
    %scan3A_79 = arith.constant 5 : i32
    %dma_wait3A_80 = arith.constant 0 : i32
    %dma_wait3A_81 = arith.constant 0 : i32
    %dma_wait3A_82 = tpu.memref_slice %arg14[%dma_wait3A_80, %dma_wait3A_81] : memref<10000x144xf32, #tpu.memory_space<vmem_shared>> -> memref<10000x144xf32, #tpu.memory_space<vmem_shared>>
    tpu.wait_indirect_dma semaphore(%arg19 : memref<!tpu.dma_semaphore, #tpu.memory_space<semaphore_mem>>) src(%arg9 : memref<80x144xf32, #tpu.memory_space<vmem>>) dst(%dma_wait3A_82 : memref<10000x144xf32, #tpu.memory_space<vmem_shared>>)
    %dma_wait3A_83 = arith.constant 0 : i32
    %dma_wait3A_84 = arith.constant 0 : i32
    %dma_wait3A_85 = tpu.memref_slice %arg14[%dma_wait3A_83, %dma_wait3A_84] : memref<10000x144xf32, #tpu.memory_space<vmem_shared>> -> memref<10000x144xf32, #tpu.memory_space<vmem_shared>>
    tpu.wait_indirect_dma semaphore(%arg20 : memref<!tpu.dma_semaphore, #tpu.memory_space<semaphore_mem>>) src(%arg10 : memref<80x144xf32, #tpu.memory_space<vmem>>) dst(%dma_wait3A_85 : memref<10000x144xf32, #tpu.memory_space<vmem_shared>>)
    %barrier3A_86 = arith.constant 0 : index
    tpu.barrier barrier_id(%barrier3A_86)
    %lt3A = arith.constant 125 : i32
    %lt3A_87 = arith.cmpi slt, %arg1, %lt3A : i32
    %convert_element_type3A = arith.extui %lt3A_87 : i1 to i32
    %cond3A = arith.constant 0 : i32
    %cond3A_88 = arith.cmpi ne, %convert_element_type3A, %cond3A : i32
    scf.if %cond3A_88 {
      %mul3A = arith.constant 80 : i32
      %mul3A_101 = arith.muli %arg1, %mul3A : i32
      %dma_start3A_102 = arith.constant 0 : i32
      %dma_start3A_103 = tpu.memref_slice %arg14[%mul3A_101, %dma_start3A_102] : memref<10000x144xf32, #tpu.memory_space<vmem_shared>> -> memref<80x144xf32, #tpu.memory_space<vmem_shared>>
      %dma_start3A_104 = arith.constant 0 : i32
      %dma_start3A_105 = tpu.memref_slice %arg14[%mul3A_101, %dma_start3A_104] : memref<10000x144xf32, #tpu.memory_space<vmem_shared>> -> memref<80x144xf32, #tpu.memory_space<vmem_shared>>
      tpu.enqueue_dma source(%dma_start3A_105 : memref<80x144xf32, #tpu.memory_space<vmem_shared>>) target(%arg9 : memref<80x144xf32, #tpu.memory_space<vmem>>) target_semaphore(%arg17 : memref<!tpu.dma_semaphore, #tpu.memory_space<semaphore_mem>>)
    } else {
    }
    %add3A_89 = arith.constant 16 : i32
    %add3A_90 = arith.addi %arg1, %add3A_89 : i32
    %lt3A_91 = arith.constant 125 : i32
    %lt3A_92 = arith.cmpi slt, %add3A_90, %lt3A_91 : i32
    %convert_element_type3A_93 = arith.extui %lt3A_92 : i1 to i32
    %cond3A_94 = arith.constant 0 : i32
    %cond3A_95 = arith.cmpi ne, %convert_element_type3A_93, %cond3A_94 : i32
    scf.if %cond3A_95 {
      %mul3A = arith.constant 80 : i32
      %mul3A_101 = arith.muli %add3A_90, %mul3A : i32
      %dma_start3A_102 = arith.constant 0 : i32
      %dma_start3A_103 = tpu.memref_slice %arg14[%mul3A_101, %dma_start3A_102] : memref<10000x144xf32, #tpu.memory_space<vmem_shared>> -> memref<80x144xf32, #tpu.memory_space<vmem_shared>>
      %dma_start3A_104 = arith.constant 0 : i32
      %dma_start3A_105 = tpu.memref_slice %arg14[%mul3A_101, %dma_start3A_104] : memref<10000x144xf32, #tpu.memory_space<vmem_shared>> -> memref<80x144xf32, #tpu.memory_space<vmem_shared>>
      tpu.enqueue_dma source(%dma_start3A_105 : memref<80x144xf32, #tpu.memory_space<vmem_shared>>) target(%arg10 : memref<80x144xf32, #tpu.memory_space<vmem>>) target_semaphore(%arg18 : memref<!tpu.dma_semaphore, #tpu.memory_space<semaphore_mem>>)
    } else {
    }
    %scan3A_96 = arith.constant 0 : i32
    %scan3A_97 = arith.constant 4 : i32
    %scan3A_98 = arith.addi %scan3A_96, %scan3A_97 : i32
    %scan3A_99 = arith.constant 1 : i32
    scf.for %scan3A_101 = %scan3A_96 to %scan3A_98 step %scan3A_99  : i32 {
      %mul3A = arith.constant 1 : i32
      %mul3A_102 = arith.muli %scan3A_101, %mul3A : i32
      %add3A_103 = arith.constant 0 : i32
      %add3A_104 = arith.addi %add3A_103, %mul3A_102 : i32
      %mul3A_105 = arith.constant 2 : i32
      %mul3A_106 = arith.muli %mul3A_105, %add3A_104 : i32
      %mul3A_107 = arith.constant 16 : i32
      %mul3A_108 = arith.muli %mul3A_106, %mul3A_107 : i32
      %add3A_109 = arith.addi %arg1, %mul3A_108 : i32
      %lt3A_110 = arith.constant 125 : i32
      %lt3A_111 = arith.cmpi slt, %add3A_109, %lt3A_110 : i32
      %convert_element_type3A_112 = arith.extui %lt3A_111 : i1 to i32
      %cond3A_113 = arith.constant 0 : i32
      %cond3A_114 = arith.cmpi ne, %convert_element_type3A_112, %cond3A_113 : i32
      scf.if %cond3A_114 {
        %dma_wait3A_127 = arith.constant 0 : i32
        %dma_wait3A_128 = arith.constant 0 : i32
        %dma_wait3A_129 = tpu.memref_slice %arg14[%dma_wait3A_127, %dma_wait3A_128] : memref<10000x144xf32, #tpu.memory_space<vmem_shared>> -> memref<80x144xf32, #tpu.memory_space<vmem_shared>>
        %dma_wait3A_130 = arith.constant 0 : i32
        %dma_wait3A_131 = arith.constant 0 : i32
        %dma_wait3A_132 = tpu.memref_slice %arg14[%dma_wait3A_130, %dma_wait3A_131] : memref<10000x144xf32, #tpu.memory_space<vmem_shared>> -> memref<80x144xf32, #tpu.memory_space<vmem_shared>>
        tpu.wait_dma2 semaphore(%arg17 : memref<!tpu.dma_semaphore, #tpu.memory_space<semaphore_mem>>) src(%dma_wait3A_132 : memref<80x144xf32, #tpu.memory_space<vmem_shared>>) dst(%arg9 : memref<80x144xf32, #tpu.memory_space<vmem>>)
        %scan3A_133 = arith.constant 0 : i32
        %scan3A_134 = arith.constant 5 : i32
        %scan3A_135 = arith.addi %scan3A_133, %scan3A_134 : i32
        %scan3A_136 = arith.constant 1 : i32
        scf.for %scan3A_145 = %scan3A_133 to %scan3A_135 step %scan3A_136  : i32 {
          %mul3A_146 = arith.constant 1 : i32
          %mul3A_147 = arith.muli %scan3A_145, %mul3A_146 : i32
          %add3A_148 = arith.constant 0 : i32
          %add3A_149 = arith.addi %add3A_148, %mul3A_147 : i32
          %scan3A_150 = arith.constant 0 : i32
          %scan3A_151 = arith.constant 16 : i32
          %scan3A_152 = arith.addi %scan3A_150, %scan3A_151 : i32
          %scan3A_153 = arith.constant 1 : i32
          scf.for %scan3A_160 = %scan3A_150 to %scan3A_152 step %scan3A_153  : i32 {
            %mul3A_161 = arith.constant 1 : i32
            %mul3A_162 = arith.muli %scan3A_160, %mul3A_161 : i32
            %add3A_163 = arith.constant 0 : i32
            %add3A_164 = arith.addi %add3A_163, %mul3A_162 : i32
            %mul3A_165 = arith.constant 16 : i32
            %mul3A_166 = arith.muli %add3A_149, %mul3A_165 : i32
            %add3A_167 = arith.addi %mul3A_166, %add3A_164 : i32
            %get3A = arith.index_cast %add3A_167 : i32 to index
            %get3A_168 = arith.constant 128 : index
            %get3A_169 = tpu.vector_load %arg9[%get3A, %get3A_168] {strides = array<i32>} : memref<80x144xf32, #tpu.memory_space<vmem>>, vector<16xf32>,
            %gt3A = arith.constant 0.000000e+00 : f32
            %gt3A_170 = vector.broadcast %gt3A : f32 to vector<16xf32>
            %gt3A_171 = arith.cmpf ogt, %get3A_169, %gt3A_170 : vector<16xf32>
            %jit3A = arith.constant 1.000000e+00 : f32
            %broadcast_in_dim3A_172 = vector.broadcast %jit3A : f32 to vector<16xf32>
            %select_n3A = arith.select %gt3A_171, %get3A_169, %broadcast_in_dim3A_172 : vector<16xi1>, vector<16xf32>
            %div3A_173 = arith.constant 1.000000e+00 : f32
            %div3A_174 = vector.broadcast %div3A_173 : f32 to vector<16xf32>
            %div3A_175 = arith.divf %div3A_174, %select_n3A : vector<16xf32>
            %scan3A_176 = arith.constant 0 : i32
            %scan3A_177 = arith.constant 8 : i32
            %scan3A_178 = arith.addi %scan3A_176, %scan3A_177 : i32
            %scan3A_179 = arith.constant 1 : i32
            scf.for %scan3A_181 = %scan3A_176 to %scan3A_178 step %scan3A_179  : i32 {
              %mul3A_182 = arith.constant 1 : i32
              %mul3A_183 = arith.muli %scan3A_181, %mul3A_182 : i32
              %add3A_184 = arith.constant 0 : i32
              %add3A_185 = arith.addi %add3A_184, %mul3A_183 : i32
              %mul3A_186 = arith.constant 16 : i32
              %mul3A_187 = arith.muli %add3A_149, %mul3A_186 : i32
              %add3A_188 = arith.addi %mul3A_187, %add3A_164 : i32
              %mul3A_189 = arith.constant 16 : i32
              %mul3A_190 = arith.muli %add3A_185, %mul3A_189 : i32
              %get3A_191 = arith.index_cast %add3A_188 : i32 to index
              %get3A_192 = arith.index_cast %mul3A_190 : i32 to index
              %get3A_193 = tpu.vector_load %arg9[%get3A_191, %get3A_192] {strides = array<i32>} : memref<80x144xf32, #tpu.memory_space<vmem>>, vector<16xf32>,
              %mul3A_194 = arith.mulf %get3A_193, %div3A_175 : vector<16xf32>
              %mul3A_195 = arith.constant 16 : i32
              %mul3A_196 = arith.muli %add3A_185, %mul3A_195 : i32
              %swap3A = arith.index_cast %add3A_164 : i32 to index
              %swap3A_197 = arith.index_cast %mul3A_196 : i32 to index
              %swap3A_198 = tpu.vector_load %arg11[%swap3A, %swap3A_197] {strides = array<i32>} : memref<16x128xf32, #tpu.memory_space<vmem>>, vector<16xf32>,
              tpu.vector_store %arg11[%swap3A, %swap3A_197], %mul3A_194 {strides = array<i32>} : memref<16x128xf32, #tpu.memory_space<vmem>>, vector<16xf32>,
            }
            %scan3A_180 = arith.constant 8 : i32
          }
          %scan3A_154 = arith.constant 16 : i32
          %mul3A_155 = arith.constant 80 : i32
          %mul3A_156 = arith.muli %add3A_109, %mul3A_155 : i32
          %mul3A_157 = arith.constant 16 : i32
          %mul3A_158 = arith.muli %add3A_149, %mul3A_157 : i32
          %add3A_159 = arith.addi %mul3A_156, %mul3A_158 : i32
          "tpu.region"() ({
            %run_scoped3A = tpu.sem_alloc : memref<!tpu.dma_semaphore, #tpu.memory_space<semaphore_mem>>
            %dma_start3A_160 = arith.constant 0 : i32
            %dma_start3A_161 = tpu.memref_slice %arg4[%arg0, %add3A_159, %dma_start3A_160] : memref<2x10000x128xf32, #tpu.memory_space<hbm>> -> memref<1x16x128xf32, #tpu.memory_space<hbm>>
            %dma_start3A_162 = tpu.memref_squeeze %dma_start3A_161 : memref<1x16x128xf32, #tpu.memory_space<hbm>> -> memref<16x128xf32, #tpu.memory_space<hbm>>
            %dma_start3A_163 = arith.constant 0 : i32
            %dma_start3A_164 = tpu.memref_slice %arg4[%arg0, %add3A_159, %dma_start3A_163] : memref<2x10000x128xf32, #tpu.memory_space<hbm>> -> memref<1x16x128xf32, #tpu.memory_space<hbm>>
            %dma_start3A_165 = tpu.memref_squeeze %dma_start3A_164 : memref<1x16x128xf32, #tpu.memory_space<hbm>> -> memref<16x128xf32, #tpu.memory_space<hbm>>
            tpu.enqueue_dma source(%arg11 : memref<16x128xf32, #tpu.memory_space<vmem>>) target(%dma_start3A_165 : memref<16x128xf32, #tpu.memory_space<hbm>>) target_semaphore(%run_scoped3A : memref<!tpu.dma_semaphore, #tpu.memory_space<semaphore_mem>>)
            %dma_wait3A_166 = arith.constant 0 : i32
            %dma_wait3A_167 = tpu.memref_slice %arg4[%arg0, %add3A_159, %dma_wait3A_166] : memref<2x10000x128xf32, #tpu.memory_space<hbm>> -> memref<1x16x128xf32, #tpu.memory_space<hbm>>
            %dma_wait3A_168 = tpu.memref_squeeze %dma_wait3A_167 : memref<1x16x128xf32, #tpu.memory_space<hbm>> -> memref<16x128xf32, #tpu.memory_space<hbm>>
            %dma_wait3A_169 = arith.constant 0 : i32
            %dma_wait3A_170 = tpu.memref_slice %arg4[%arg0, %add3A_159, %dma_wait3A_169] : memref<2x10000x128xf32, #tpu.memory_space<hbm>> -> memref<1x16x128xf32, #tpu.memory_space<hbm>>
            %dma_wait3A_171 = tpu.memref_squeeze %dma_wait3A_170 : memref<1x16x128xf32, #tpu.memory_space<hbm>> -> memref<16x128xf32, #tpu.memory_space<hbm>>
            tpu.wait_dma2 semaphore(%run_scoped3A : memref<!tpu.dma_semaphore, #tpu.memory_space<semaphore_mem>>) src(%arg11 : memref<16x128xf32, #tpu.memory_space<vmem>>) dst(%dma_wait3A_171 : memref<16x128xf32, #tpu.memory_space<hbm>>)
            tpu.yield
          }) : () -> ()
        }
        %scan3A_137 = arith.constant 5 : i32
        %add3A_138 = arith.constant 32 : i32
        %add3A_139 = arith.addi %add3A_109, %add3A_138 : i32
        %lt3A_140 = arith.constant 125 : i32
        %lt3A_141 = arith.cmpi slt, %add3A_139, %lt3A_140 : i32
        %convert_element_type3A_142 = arith.extui %lt3A_141 : i1 to i32
        %cond3A_143 = arith.constant 0 : i32
        %cond3A_144 = arith.cmpi ne, %convert_element_type3A_142, %cond3A_143 : i32
        scf.if %cond3A_144 {
          %mul3A_145 = arith.constant 80 : i32
          %mul3A_146 = arith.muli %add3A_139, %mul3A_145 : i32
          %dma_start3A_147 = arith.constant 0 : i32
          %dma_start3A_148 = tpu.memref_slice %arg14[%mul3A_146, %dma_start3A_147] : memref<10000x144xf32, #tpu.memory_space<vmem_shared>> -> memref<80x144xf32, #tpu.memory_space<vmem_shared>>
          %dma_start3A_149 = arith.constant 0 : i32
          %dma_start3A_150 = tpu.memref_slice %arg14[%mul3A_146, %dma_start3A_149] : memref<10000x144xf32, #tpu.memory_space<vmem_shared>> -> memref<80x144xf32, #tpu.memory_space<vmem_shared>>
          tpu.enqueue_dma source(%dma_start3A_150 : memref<80x144xf32, #tpu.memory_space<vmem_shared>>) target(%arg9 : memref<80x144xf32, #tpu.memory_space<vmem>>) target_semaphore(%arg17 : memref<!tpu.dma_semaphore, #tpu.memory_space<semaphore_mem>>)
        } else {
        }
      } else {
      }
      %mul3A_115 = arith.constant 2 : i32
      %mul3A_116 = arith.muli %mul3A_115, %add3A_104 : i32
      %add3A_117 = arith.constant 1 : i32
      %add3A_118 = arith.addi %mul3A_116, %add3A_117 : i32
      %mul3A_119 = arith.constant 16 : i32
      %mul3A_120 = arith.muli %add3A_118, %mul3A_119 : i32
      %add3A_121 = arith.addi %arg1, %mul3A_120 : i32
      %lt3A_122 = arith.constant 125 : i32
      %lt3A_123 = arith.cmpi slt, %add3A_121, %lt3A_122 : i32
      %convert_element_type3A_124 = arith.extui %lt3A_123 : i1 to i32
      %cond3A_125 = arith.constant 0 : i32
      %cond3A_126 = arith.cmpi ne, %convert_element_type3A_124, %cond3A_125 : i32
      scf.if %cond3A_126 {
        %dma_wait3A_127 = arith.constant 0 : i32
        %dma_wait3A_128 = arith.constant 0 : i32
        %dma_wait3A_129 = tpu.memref_slice %arg14[%dma_wait3A_127, %dma_wait3A_128] : memref<10000x144xf32, #tpu.memory_space<vmem_shared>> -> memref<80x144xf32, #tpu.memory_space<vmem_shared>>
        %dma_wait3A_130 = arith.constant 0 : i32
        %dma_wait3A_131 = arith.constant 0 : i32
        %dma_wait3A_132 = tpu.memref_slice %arg14[%dma_wait3A_130, %dma_wait3A_131] : memref<10000x144xf32, #tpu.memory_space<vmem_shared>> -> memref<80x144xf32, #tpu.memory_space<vmem_shared>>
        tpu.wait_dma2 semaphore(%arg18 : memref<!tpu.dma_semaphore, #tpu.memory_space<semaphore_mem>>) src(%dma_wait3A_132 : memref<80x144xf32, #tpu.memory_space<vmem_shared>>) dst(%arg10 : memref<80x144xf32, #tpu.memory_space<vmem>>)
        %scan3A_133 = arith.constant 0 : i32
        %scan3A_134 = arith.constant 5 : i32
        %scan3A_135 = arith.addi %scan3A_133, %scan3A_134 : i32
        %scan3A_136 = arith.constant 1 : i32
        scf.for %scan3A_145 = %scan3A_133 to %scan3A_135 step %scan3A_136  : i32 {
          %mul3A_146 = arith.constant 1 : i32
          %mul3A_147 = arith.muli %scan3A_145, %mul3A_146 : i32
          %add3A_148 = arith.constant 0 : i32
          %add3A_149 = arith.addi %add3A_148, %mul3A_147 : i32
          %scan3A_150 = arith.constant 0 : i32
          %scan3A_151 = arith.constant 16 : i32
          %scan3A_152 = arith.addi %scan3A_150, %scan3A_151 : i32
          %scan3A_153 = arith.constant 1 : i32
          scf.for %scan3A_160 = %scan3A_150 to %scan3A_152 step %scan3A_153  : i32 {
            %mul3A_161 = arith.constant 1 : i32
            %mul3A_162 = arith.muli %scan3A_160, %mul3A_161 : i32
            %add3A_163 = arith.constant 0 : i32
            %add3A_164 = arith.addi %add3A_163, %mul3A_162 : i32
            %mul3A_165 = arith.constant 16 : i32
            %mul3A_166 = arith.muli %add3A_149, %mul3A_165 : i32
            %add3A_167 = arith.addi %mul3A_166, %add3A_164 : i32
            %get3A = arith.index_cast %add3A_167 : i32 to index
            %get3A_168 = arith.constant 128 : index
            %get3A_169 = tpu.vector_load %arg10[%get3A, %get3A_168] {strides = array<i32>} : memref<80x144xf32, #tpu.memory_space<vmem>>, vector<16xf32>,
            %gt3A = arith.constant 0.000000e+00 : f32
            %gt3A_170 = vector.broadcast %gt3A : f32 to vector<16xf32>
            %gt3A_171 = arith.cmpf ogt, %get3A_169, %gt3A_170 : vector<16xf32>
            %jit3A = arith.constant 1.000000e+00 : f32
            %broadcast_in_dim3A_172 = vector.broadcast %jit3A : f32 to vector<16xf32>
            %select_n3A = arith.select %gt3A_171, %get3A_169, %broadcast_in_dim3A_172 : vector<16xi1>, vector<16xf32>
            %div3A_173 = arith.constant 1.000000e+00 : f32
            %div3A_174 = vector.broadcast %div3A_173 : f32 to vector<16xf32>
            %div3A_175 = arith.divf %div3A_174, %select_n3A : vector<16xf32>
            %scan3A_176 = arith.constant 0 : i32
            %scan3A_177 = arith.constant 8 : i32
            %scan3A_178 = arith.addi %scan3A_176, %scan3A_177 : i32
            %scan3A_179 = arith.constant 1 : i32
            scf.for %scan3A_181 = %scan3A_176 to %scan3A_178 step %scan3A_179  : i32 {
              %mul3A_182 = arith.constant 1 : i32
              %mul3A_183 = arith.muli %scan3A_181, %mul3A_182 : i32
              %add3A_184 = arith.constant 0 : i32
              %add3A_185 = arith.addi %add3A_184, %mul3A_183 : i32
              %mul3A_186 = arith.constant 16 : i32
              %mul3A_187 = arith.muli %add3A_149, %mul3A_186 : i32
              %add3A_188 = arith.addi %mul3A_187, %add3A_164 : i32
              %mul3A_189 = arith.constant 16 : i32
              %mul3A_190 = arith.muli %add3A_185, %mul3A_189 : i32
              %get3A_191 = arith.index_cast %add3A_188 : i32 to index
              %get3A_192 = arith.index_cast %mul3A_190 : i32 to index
              %get3A_193 = tpu.vector_load %arg10[%get3A_191, %get3A_192] {strides = array<i32>} : memref<80x144xf32, #tpu.memory_space<vmem>>, vector<16xf32>,
              %mul3A_194 = arith.mulf %get3A_193, %div3A_175 : vector<16xf32>
              %mul3A_195 = arith.constant 16 : i32
              %mul3A_196 = arith.muli %add3A_185, %mul3A_195 : i32
              %swap3A = arith.index_cast %add3A_164 : i32 to index
              %swap3A_197 = arith.index_cast %mul3A_196 : i32 to index
              %swap3A_198 = tpu.vector_load %arg11[%swap3A, %swap3A_197] {strides = array<i32>} : memref<16x128xf32, #tpu.memory_space<vmem>>, vector<16xf32>,
              tpu.vector_store %arg11[%swap3A, %swap3A_197], %mul3A_194 {strides = array<i32>} : memref<16x128xf32, #tpu.memory_space<vmem>>, vector<16xf32>,
            }
            %scan3A_180 = arith.constant 8 : i32
          }
          %scan3A_154 = arith.constant 16 : i32
          %mul3A_155 = arith.constant 80 : i32
          %mul3A_156 = arith.muli %add3A_121, %mul3A_155 : i32
          %mul3A_157 = arith.constant 16 : i32
          %mul3A_158 = arith.muli %add3A_149, %mul3A_157 : i32
          %add3A_159 = arith.addi %mul3A_156, %mul3A_158 : i32
          "tpu.region"() ({
            %run_scoped3A = tpu.sem_alloc : memref<!tpu.dma_semaphore, #tpu.memory_space<semaphore_mem>>
            %dma_start3A_160 = arith.constant 0 : i32
            %dma_start3A_161 = tpu.memref_slice %arg4[%arg0, %add3A_159, %dma_start3A_160] : memref<2x10000x128xf32, #tpu.memory_space<hbm>> -> memref<1x16x128xf32, #tpu.memory_space<hbm>>
            %dma_start3A_162 = tpu.memref_squeeze %dma_start3A_161 : memref<1x16x128xf32, #tpu.memory_space<hbm>> -> memref<16x128xf32, #tpu.memory_space<hbm>>
            %dma_start3A_163 = arith.constant 0 : i32
            %dma_start3A_164 = tpu.memref_slice %arg4[%arg0, %add3A_159, %dma_start3A_163] : memref<2x10000x128xf32, #tpu.memory_space<hbm>> -> memref<1x16x128xf32, #tpu.memory_space<hbm>>
            %dma_start3A_165 = tpu.memref_squeeze %dma_start3A_164 : memref<1x16x128xf32, #tpu.memory_space<hbm>> -> memref<16x128xf32, #tpu.memory_space<hbm>>
            tpu.enqueue_dma source(%arg11 : memref<16x128xf32, #tpu.memory_space<vmem>>) target(%dma_start3A_165 : memref<16x128xf32, #tpu.memory_space<hbm>>) target_semaphore(%run_scoped3A : memref<!tpu.dma_semaphore, #tpu.memory_space<semaphore_mem>>)
            %dma_wait3A_166 = arith.constant 0 : i32
            %dma_wait3A_167 = tpu.memref_slice %arg4[%arg0, %add3A_159, %dma_wait3A_166] : memref<2x10000x128xf32, #tpu.memory_space<hbm>> -> memref<1x16x128xf32, #tpu.memory_space<hbm>>
            %dma_wait3A_168 = tpu.memref_squeeze %dma_wait3A_167 : memref<1x16x128xf32, #tpu.memory_space<hbm>> -> memref<16x128xf32, #tpu.memory_space<hbm>>
            %dma_wait3A_169 = arith.constant 0 : i32
            %dma_wait3A_170 = tpu.memref_slice %arg4[%arg0, %add3A_159, %dma_wait3A_169] : memref<2x10000x128xf32, #tpu.memory_space<hbm>> -> memref<1x16x128xf32, #tpu.memory_space<hbm>>
            %dma_wait3A_171 = tpu.memref_squeeze %dma_wait3A_170 : memref<1x16x128xf32, #tpu.memory_space<hbm>> -> memref<16x128xf32, #tpu.memory_space<hbm>>
            tpu.wait_dma2 semaphore(%run_scoped3A : memref<!tpu.dma_semaphore, #tpu.memory_space<semaphore_mem>>) src(%arg11 : memref<16x128xf32, #tpu.memory_space<vmem>>) dst(%dma_wait3A_171 : memref<16x128xf32, #tpu.memory_space<hbm>>)
            tpu.yield
          }) : () -> ()
        }
        %scan3A_137 = arith.constant 5 : i32
        %add3A_138 = arith.constant 32 : i32
        %add3A_139 = arith.addi %add3A_121, %add3A_138 : i32
        %lt3A_140 = arith.constant 125 : i32
        %lt3A_141 = arith.cmpi slt, %add3A_139, %lt3A_140 : i32
        %convert_element_type3A_142 = arith.extui %lt3A_141 : i1 to i32
        %cond3A_143 = arith.constant 0 : i32
        %cond3A_144 = arith.cmpi ne, %convert_element_type3A_142, %cond3A_143 : i32
        scf.if %cond3A_144 {
          %mul3A_145 = arith.constant 80 : i32
          %mul3A_146 = arith.muli %add3A_139, %mul3A_145 : i32
          %dma_start3A_147 = arith.constant 0 : i32
          %dma_start3A_148 = tpu.memref_slice %arg14[%mul3A_146, %dma_start3A_147] : memref<10000x144xf32, #tpu.memory_space<vmem_shared>> -> memref<80x144xf32, #tpu.memory_space<vmem_shared>>
          %dma_start3A_149 = arith.constant 0 : i32
          %dma_start3A_150 = tpu.memref_slice %arg14[%mul3A_146, %dma_start3A_149] : memref<10000x144xf32, #tpu.memory_space<vmem_shared>> -> memref<80x144xf32, #tpu.memory_space<vmem_shared>>
          tpu.enqueue_dma source(%dma_start3A_150 : memref<80x144xf32, #tpu.memory_space<vmem_shared>>) target(%arg10 : memref<80x144xf32, #tpu.memory_space<vmem>>) target_semaphore(%arg18 : memref<!tpu.dma_semaphore, #tpu.memory_space<semaphore_mem>>)
        } else {
        }
      } else {
      }
    }
    %scan3A_100 = arith.constant 4 : i32
    return
  }
}

</mosaic_0001>

<sc_bundles>
// kernel: kernel.3.cloned.1.call-start
scs
__scs_entry_jumppad:
0x0: {  	(pc) =	sbr.rel $0x88, $3  }
0x1: {  	(tag) =	ssettag $0x0;
	lr =	simm.s32 $0x1  }
0x2: {  	[smem:$0x3F9D] =	sst lr;
	_ =	strace $0xD0000000  }
0x3: {  	_ = 	snop  }
0x4: {  	_ = 	snop  }
0x5: {  	_ = 	snop  }
0x6: {  	_ = 	snop  }
0x7: {  	_ = 	snop  }
__scs_overlays_trampoline_lowered:
0x8: {  	[smem:$0x3FAC] =	sst s0  }
0x9: {  	[smem:$0x3FAD] =	sst s1  }
0xa: {  	[smem:$0x3FAE] =	sst s2  }
0xb: {  	[smem:$0x3FAF] =	sst s3  }
0xc: {  	[smem:$0x3FB0] =	sst s4  }
0xd: {  	[smem:$0x3FB1] =	sst s5  }
0xe: {  	[smem:$0x3FB2] =	sst s6  }
0xf: {  	[smem:$0x3FB3] =	sst s7  }
0x10: {  	[smem:$0x3FB4] =	sst s8  }
0x11: {  	[smem:$0x3FB5] =	sst s9;
	s0 =	simm.s32 @!p0 $0x0  }
0x12: {  	s1 =	sld [smem:$0x3F9B];
	s0 =	simm.s32 @p0 $0x1  }
0x13: {  	[smem:$0x3FB6] =	sst s0;
	s0 =	simm.s32 @!p1 $0x0  }
0x14: {  	s2 =	sld [smem:$0x3F9A];
	s0 =	simm.s32 @p1 $0x1  }
0x15: {  	[smem:$0x3FB7] =	sst s0;
	s0 =	simm.s32 @!p2 $0x0  }
0x16: {  	s3 =	sld [smem:$0x3FDB];
	s0 =	simm.s32 @p2 $0x1  }
0x17: {  	s4 =	simm.s32 $0x1BF5;
	[smem:$0x3FB9] =	sst s0  }
0x18: {  	s0 =	sld [smem:$0x3F9C];
	_ =	swait.ge [sflag:s4], $0x0  }
0x19: {  	s7 =	sld [smem:$0x3F9D]  }
0x1a: {  	s8 =	sadd.s32 $0xFFFFE003, lr  }
0x1b: {  	s9 =	sadd.s32 $0xFFFFFEF7, lr;
	s5 =	simm.s32 $0xFFFFFFFF;
	p2 =	slt.u32 s8, $0xFFFFF086  }
0x1c: {  	p1 =	slt.u32 s9, $0xF7A;
	s5 =	simm.s32 @!p2 $0x0  }
0x1d: {  	s5 =	simm.s32 @p1 $0x1;
	p0 =	seq.s32 s7, s2  }
0x1e: {  	s7 =	smul.u32 @!p0 $0xF7A, s2;
	p2 =	seq.s32 @!p0 s5, $0x0  }
0x1f: {  	s9 =	smul.u32 $0xF7A, s1;
	s8 =	simm.s32 @!p0 $0x1BF5;
	p2 =	por !p2, p0  }
0x20: {  	[sflag:s8] =	ssyncset.s32 @!p0 $0xFFFFF086;
	s6 =	sadd.s32 @!p0 s3, s7;
	s7 =	simm.s32 @!p0 $0x108  }
0x21: {  	s3 =	sadd.s32 s3, s9;
	s6 =	sadd.s32 @!p0 $0x88, s6;
	s7 =	simm.s32 @p2 $0x1082  }
0x22: {  	[simem:s7], [sflag:s8] =	dma.local @!p0 [hbm:s6], $0xF7A  }
0x23: {  	s9 =	sor.u32 $0xD0000000, s2;
	s6 =	simm.s32 $0x108;
	_ =	swait.ge @!p0 [sflag:s8], $0x0  }
0x24: {  	s3 =	sadd.s32 $0x88, s3;
	s6 =	simm.s32 @!p1 $0x1082;
	[sflag:s4] =	ssyncset.s32 $0xFFFFF086  }
0x25: {  	[simem:s6], [sflag:s4] =	dma.local [hbm:s3], $0xF7A  }
0x26: {  	[smem:$0x3F9D] =	sst s1;
	(tag) =	ssettag s2;
	_ =	strace s9  }
0x27: {  	s1 =	sld [smem:$0x3FAD]  }
0x28: {  	s2 =	sld [smem:$0x3FAE]  }
0x29: {  	s4 =	sld [smem:$0x3FB0]  }
0x2a: {  	p0 =	seq.s32 s5, $0x0;
	s5 =	sld [smem:$0x3FB1]  }
0x2b: {  	s6 =	sld [smem:$0x3FB2]  }
0x2c: {  	s7 =	sld [smem:$0x3FB3]  }
0x2d: {  	s3 =	simm.s32 $0x108;
	s8 =	sld [smem:$0x3FB4]  }
0x2e: {  	s3 =	simm.s32 @!p0 $0x1082;
	s9 =	sld [smem:$0x3FB5]  }
0x2f: {  	lr =	sadd.s32 s0, s3;
	s0 =	sld [smem:$0x3FAC]  }
0x30: {  	s3 =	sld [smem:$0x3FAF]  }
0x31: {  	[smem:$0x3FB8] =	sst s10  }
0x32: {  	s10 =	sld [smem:$0x3FB6];
	_ =	sdelay $0x3  }
0x33: {  	p0 =	seq.s32 s10, $0x1;
	s10 =	sld [smem:$0x3FB8];
	_ =	sdelay $0x3  }
0x34: {  	[smem:$0x3FB8] =	sst s10  }
0x35: {  	s10 =	sld [smem:$0x3FB7];
	_ =	sdelay $0x3  }
0x36: {  	p1 =	seq.s32 s10, $0x1;
	s10 =	sld [smem:$0x3FB8];
	_ =	sdelay $0x3  }
0x37: {  	[smem:$0x3FB8] =	sst s10  }
0x38: {  	s10 =	sld [smem:$0x3FB9]  }
0x39: {  	_ = 	snop;
	(pc) =	sbr.ind lr, $3  }
0x3a: {  	_ = 	snop  }
0x3b: {  	_ = 	snop  }
0x3c: {  	p2 =	seq.s32 s10, $0x1;
	s10 =	sld [smem:$0x3FB8]  }
0x3d: {  	_ =	shalt  }
0x3e: {  	_ =	shalt  }
0x3f: {  	_ =	shalt  }
0x40: {  	_ =	shalt  }
0x41: {  	_ =	shalt  }
0x42: {  	_ =	shalt  }
0x43: {  	_ =	shalt  }
0x44: {  	_ =	shalt  }
0x45: {  	_ =	shalt  }
0x46: {  	_ =	shalt  }
0x47: {  	_ =	shalt  }
0x48: {  	_ =	shalt  }
0x49: {  	_ =	shalt  }
0x4a: {  	_ =	shalt  }
0x4b: {  	_ =	shalt  }
0x4c: {  	_ =	shalt  }
0x4d: {  	_ =	shalt  }
0x4e: {  	_ =	shalt  }
0x4f: {  	_ =	shalt  }
0x50: {  	_ =	shalt  }
0x51: {  	_ =	shalt  }
0x52: {  	_ =	shalt  }
0x53: {  	_ =	shalt  }
0x54: {  	_ =	shalt  }
0x55: {  	_ =	shalt  }
0x56: {  	_ =	shalt  }
0x57: {  	_ =	shalt  }
0x58: {  	_ =	shalt  }
0x59: {  	_ =	shalt  }
0x5a: {  	_ =	shalt  }
0x5b: {  	_ =	shalt  }
0x5c: {  	_ =	shalt  }
0x5d: {  	_ =	shalt  }
0x5e: {  	_ =	shalt  }
0x5f: {  	_ =	shalt  }
0x60: {  	_ =	shalt  }
0x61: {  	_ =	shalt  }
0x62: {  	_ =	shalt  }
0x63: {  	_ =	shalt  }
0x64: {  	_ =	shalt  }
0x65: {  	_ =	shalt  }
0x66: {  	_ =	shalt  }
0x67: {  	_ =	shalt  }
0x68: {  	_ =	shalt  }
0x69: {  	_ =	shalt  }
0x6a: {  	_ =	shalt  }
0x6b: {  	_ =	shalt  }
0x6c: {  	_ =	shalt  }
0x6d: {  	_ =	shalt  }
0x6e: {  	_ =	shalt  }
0x6f: {  	_ =	shalt  }
0x70: {  	_ =	shalt  }
0x71: {  	_ =	shalt  }
0x72: {  	_ =	shalt  }
0x73: {  	_ =	shalt  }
0x74: {  	_ =	shalt  }
0x75: {  	_ =	shalt  }
0x76: {  	_ =	shalt  }
0x77: {  	_ =	shalt  }
0x78: {  	_ =	shalt  }
0x79: {  	_ =	shalt  }
0x7a: {  	_ =	shalt  }
0x7b: {  	_ =	shalt  }
0x7c: {  	_ =	shalt  }
0x7d: {  	_ =	shalt  }
0x7e: {  	_ =	shalt  }
0x7f: {  	_ =	shalt  }
0x80: {  	_ =	shalt  }
0x81: {  	_ =	shalt  }
0x82: {  	_ =	shalt  }
0x83: {  	_ =	shalt  }
0x84: {  	_ =	shalt  }
0x85: {  	_ =	shalt  }
0x86: {  	_ =	shalt  }
0x87: {  	_ =	shalt  }
.Lfunc_end0:
.L_simem_size_0:
called_computation_lowered:
.L_overlay_start_0:
0x88: {  	s2 =	sld [smem:$0x3FD9]  }
0x89: {  	s3 =	sld [smem:$0x3FFE];
	_ =	sdelay $0x1  }
0x8a: {  	s1 =	srdreg.scid  }
0x8b: {  	s0 =	sand.u32 $0x1, s1  }
0x8c: {  	s17 =	sshll.u32 s0, $0xA;
	s2 =	sadd.s32 s3, s2  }
0x8d: {  	s2 =	sadd.s32 s2, s17  }
0x8e: {  	[smem:$0x3FC4] =	sst s2  }
0x8f: {  	_ = 	snop  }
0x90: {  	s2 =	sld [smem:$0x3FD0];
	(tm) =	ssettm $0x1  }
0x91: {  	s18 =	sld [smem:$0x3FFB];
	_ =	sdelay $0x3  }
0x92: {  	_ =	strace s18  }
0x93: {  	s3 =	sld [smem:$0x3FFC];
	_ =	sdelay $0x3  }
0x94: {  	_ =	strace s3  }
0x95: {  	s3 =	sld [smem:$0x3FFD];
	_ =	sdelay $0x3  }
0x96: {  	_ =	strace s3  }
0x97: {  	_ =	strace $0x8FFFFFFF  }
0x98: {  	s19 =	sld [smem:$0x3FDB];
	_ =	sdelay $0x1  }
0x99: {  	s4 =	simm.s32 $_scs_section_size  }
0x9a: {  	s5 =	simm.s32 $_size__tile_overlayer_lowered;
	s6 =	simm.s32 $_tile_overlayer_lowered  }
0x9b: {  	s22 =	simm.s32 $0x1BFF;
	s21 =	sshll.u32 s6, $0x1;
	s3 =	sadd.s32 s4, s19  }
0x9c: {  	s7 =	simm.s32 $0x0;
	s20 =	sshll.u32 s5, $0x1;
	s5 =	sadd.s32 s21, s3  }
0x9d: {  	[timem:s7], [sflag:s22] =	dma.local [hbm:s5], s20  }
0x9e: {  	_ =	swait.ge [sflag:s22], s20  }
0x9f: {  	s4 =	ssub.s32 $0x0, s20;
	[sflag:s22] =	ssyncset.done $0x0  }
0xa0: {  	[sflag:s22] =	ssyncadd.s32 s4;
	_ =	sdelay $0x1  }
0xa1: {  	s23 =	simm.s32 $0x1B8B  }
0xa2: {  	_ =	swait.ge [sflag:s23], $0x1  }
0xa3: {  	[sflag:s23] =	ssyncset.done $0x0  }
0xa4: {  	s25 =	simm.s32 $0x1B8E;
	s24 =	sld [smem:$0x3FFE];
	[sflag:s23] =	ssyncadd.s32 $0xFFFFFFFF  }
0xa5: {  	s26 =	simm.s32 $execute0_lowered;
	[smem:$0x3FD2] =	sst s25  }
0xa6: {  	s5 =	sshll.u32 s26, $0x1;
	_ =	strace $0x80000046;
	[dreg:$0x1] =	wrdreg $0xFFFFFFFF  }
0xa7: {  	s28 =	simm.s32 $_size_execute0_lowered;
	s3 =	sadd.s32 s3, s5;
	[dreg:$0x0] =	wrdreg $0x0  }
0xa8: {  	s5 =	sshll.u32 s28, $0x1;
	[dreg:$0x2] =	wrdreg s3  }
0xa9: {  	[dreg:$0x3] =	wrdreg s5  }
0xaa: {  	[dreg:$0x4] =	wrdreg $0xC0  }
0xab: {  	_ =	task [dreg:s7], $0x5FFFF  }
0xac: {  	[dreg:$0x1] =	wrdreg $0xFFFFFFFF  }
0xad: {  	[dreg:$0x0] =	wrdreg $0x60  }
0xae: {  	[dreg:$0x2] =	wrdreg s24  }
0xaf: {  	[dreg:$0x3] =	wrdreg s2  }
0xb0: {  	[dreg:$0x4] =	wrdreg $0x9D600  }
0xb1: {  	[dreg:$0x5] =	wrdreg $0x9  }
0xb2: {  	_ =	task.clear_ibuf [dreg:s7], $0x6FFFF;
	_ =	strace $0x90000046  }
0xb3: {  	s29 =	simm.s32 $0x9;
	_ =	strace $0x80000048  }
0xb4: {  	_ =	swait.ge [sflag:s29], $0x1  }
0xb5: {  	[sflag:s29] =	ssyncadd.s32 $0xFFFFFFFF  }
0xb6: {  	_ =	strace $0x90000048  }
0xb7: {  	_ =	sfence  }
0xb8: {  	s30 =	sld [smem:$0x0];
	_ =	sdelay $0x2  }
0xb9: {  	s31 =	sshll.u32 s1, $0xD;
	s1 =	sshrl.u32 s1, $0x2  }
0xba: {  	s3 =	sand.u32 $0x4000, s31;
	s1 =	sadd.s32 s1, s30  }
0xbb: {  	s0 =	sor.u32 s3, s0;
	s1 =	sshll.u32 s1, $0x11  }
0xbc: {  	s0 =	sor.u32 s1, s0  }
0xbd: {  	s0 =	sadd.s32 $0x8F2B, s0  }
0xbe: {  	[sflag:s0] =	ssyncadd.remote.s32 $0x1  }
0xbf: {  	_ =	sfence.sel $0xFFFF  }
0xc0: {  	[dreg:$0x0] =	wrdreg $0xFFFFFFFF;
	(pc) =	sbr.abs _section_cstart, $3  }
0xc1: {  	[dreg:$0x1] =	wrdreg $0xFFFFFFFF  }
0xc2: {  	_ =	task.clear_ibuf [dreg:s7], $0x2FFFF;
	_ =	strace $0x9FFFFFFF  }
0xc3: {  	(tm) =	ssettm $0x7FFFFFFF  }
tec
execute0_lowered:
.L_overlay_start_1:
0x0: {  	(tag) =	ssettag $0x1  }
0x1: {  	s0 =	rddreg [dreg:$0x0]  }
0x2: {  	s2 =	rddreg [dreg:$0x2];
	s1 =	srdreg.scid;
	s4 =	simm.s32 $0x0  }
0x3: {  	s9 =	stileid.u32;
	s16 =	simm.s32 $0x960;
	s17 =	simm.s32 $0x3AC0  }
0x4: {  	s18 =	simm.s32 $0x7;
	s20 =	simm.s32 $0x50;
	s29 =	simm.s32 $0x9D10  }
0x5: {  	s30 =	simm.s32 $0x67C0;
	s31 =	simm.s32 $0x5;
	s6 =	smul.u32 $0xEA60, s9  }
0x6: {  	s1 =	sand.u32 $0x1, s1;
	[smem:$0x7FF] =	sst s4;
	s8 =	smul.u32 $0xB400, s9  }
0x7: {  	s5 =	sadd.s32 $0x3B400, s0;
	s10 =	sadd.s32 $0xA00, s0;
	s3 =	smul.u32 $0xEA600, s1  }
0x8: {  	s24 =	ssub.s32 $0x8C, s9;
	s22 =	ssub.s32 $0x2, s1;
	s1 =	smul.u32 $0x138800, s1  }
0x9: {  	_ =	strace $0x80000047;
	[dreg:$0x4] =	wrdreg s10;
	s25 =	sshrl.u32 s8, $0x2  }
0xa: {  	s3 =	sadd.s32 s6, s3;
	s6 =	sshrl.u32 s24, $0x4;
	[dreg:$0xc] =	wrdreg s1  }
0xb: {  	s23 =	sshrl.u32 s22, $0x1;
	s15 =	sadd.s32 s25, s2;
	[dreg:$0x7] =	wrdreg s6  }
0xc: {  	s0 =	ssub.s32 s22, s23;
	s26 =	sadd.s32 $0x12C0, s3;
	[dreg:$0xa] =	wrdreg s15  }
0xd: {  	s7 =	sshrl.u32 s3, $0x3;
	s3 =	sadd.s32 $0x1C20, s3;
	[dreg:$0x8] =	wrdreg s26  }
.Ltmp0:
0xe: {  	s28 =	sadd.s32 $0x2D000, s15;
	[dreg:$0x9] =	wrdreg s3;
	(pc) =	sbr.rel .LBB2_1-.Ltmp0, $4  }
0xf: {  	s24 =	simm.s32 $0x3;
	s0 =	smax.u32 s0, $0x1;
	[dreg:$0xb] =	wrdreg s28  }
0x10: {  	s25 =	simm.s32 $0x9CC0;
	s7 =	sadd.s32 s10, s7;
	[dreg:$0xd] =	wrdreg s0  }
0x11: {  	s26 =	simm.s32 $0x4;
	[dreg:$0x5] =	wrdreg s7;
	s7 =	sadd.s32 $0x12C, s7  }
0x12: {  	v0 =	vimm.f32 $0.0e+00;
	s0 =	simm.s32 $0x6;
	s3 =	simm.s32 $0x0;
	[dreg:$0x6] =	wrdreg s7  }
.LBB2_40:
0x13: {  	s3 =	rddreg [dreg:$0xe]  }
0x14: {  	s1 =	rddreg [dreg:$0xd];
	s3 =	sadd.s32 $0x1, s3  }
0x15: {  	p0 =	sne.s32 s3, s1  }
.Ltmp1:
0x16: {  	_ = 	snop;
	(pc) =	sbr.rel @!p0 .LBB2_41-.Ltmp1, $1  }
0x17: {  	_ =	sdelay $0x3  }
.LBB2_1:
0x18: {  	[dreg:$0xe] =	wrdreg s3  }
0x19: {  	s1 =	rddreg [dreg:$0x5]  }
0x1a: {  	[tilespmem:s4], [sflag:$0x1] =	stream.linear.gather [hbm4b:s1+s4], $0x960, $0x38;
	[tilespmem:$0x1FCF0] =	vst v63  }
0x1b: {  	s28 =	rddreg [dreg:$0x6];
	s3 =	simm.s32 $0x440;
	s1 =	simm.s32 $0x80  }
0x1c: {  	[tilespmem:s16], [sflag:$0x2] =	stream.linear.gather [hbm4b:s28+s4], $0x960, $0x38;
	[tilespmem:$0x1FCF0] =	vst v63  }
.LBB2_2:
0x1d: {  	p0 =	sne.s32 s3, $0xB3C0;
	[tilespmem:s1+$0x3AC0] =	vst v0  }
0x1e: {  	[tilespmem:s1+$0x3A40] =	vst v0  }
0x1f: {  	[tilespmem:s1+$0x3A50] =	vst v0  }
0x20: {  	[tilespmem:s1+$0x3A60] =	vst v0  }
.Ltmp2:
0x21: {  	[tilespmem:s1+$0x3A70] =	vst v0;
	(pc) =	sbr.rel @p0 .LBB2_2-.Ltmp2, $4  }
0x22: {  	[tilespmem:s1+$0x3A80] =	vst v0  }
0x23: {  	[tilespmem:s1+$0x3A90] =	vst v0  }
0x24: {  	[tilespmem:s1+$0x3AA0] =	vst v0  }
0x25: {  	[tilespmem:s1+$0x3AB0] =	vst v0;
	s1 =	sshra.s32 s3, $0x2;
	s3 =	sadd.s32 $0x240, s3  }
0x26: {  	[tilespmem:s1+$0x3AC0] =	vst v0  }
0x27: {  	[tilespmem:s1+$0x3A40] =	vst v0  }
0x28: {  	[tilespmem:s1+$0x3A50] =	vst v0  }
0x29: {  	[tilespmem:s1+$0x3A60] =	vst v0  }
0x2a: {  	[tilespmem:s1+$0x3A70] =	vst v0  }
0x2b: {  	[tilespmem:s1+$0x3A80] =	vst v0;
	s28 =	rddreg [dreg:$0x7]  }
0x2c: {  	[tilespmem:s1+$0x3A90] =	vst v0;
	p0 =	sne.s32 s28, $0x1  }
.Ltmp3:
0x2d: {  	[tilespmem:s1+$0x3AA0] =	vst v0;
	(pc) =	sbr.rel @!p0 .LBB2_5-.Ltmp3, $4  }
0x2e: {  	[tilespmem:s1+$0x3AB0] =	vst v0  }
0x2f: {  	[spmem:s15] =	stream.linear.scatter [tilespmem:s17], [sflag:$0x7], $0x2D00, $0x38;
	[tilespmem:$0x1FCF0] =	vst v63  }
0x30: {  	_ =	swait.ge [sflag:s18], $0x2D00  }
0x31: {  	s3 =	smov.u32 s15;
	s1 =	sadd.s32 $0xFFFFFFFF, s28;
	[sflag:s18] =	ssyncset.done $0x0  }
.LBB2_4:
0x32: {  	p0 =	sne.s32 s1, $0x1;
	[sflag:s18] =	ssyncadd.s32 $0xFFFFD300;
	s3 =	sadd.s32 $0x2D000, s3  }
.Ltmp4:
0x33: {  	s1 =	sadd.s32 $0xFFFFFFFF, s1;
	(pc) =	sbr.rel @p0 .LBB2_4-.Ltmp4, $4  }
0x34: {  	_ = 	snop  }
0x35: {  	[spmem:s3] =	stream.linear.scatter [tilespmem:s17], [sflag:$0x7], $0x2D00, $0x38;
	[tilespmem:$0x1FCF0] =	vst v63  }
0x36: {  	_ =	swait.ge [sflag:s18], $0x2D00  }
0x37: {  	[sflag:s18] =	ssyncset.done $0x0  }
.LBB2_5:
0x38: {  	[sflag:s18] =	ssyncadd.s32 $0xFFFFD300  }
0x39: {  	s1 =	simm.s32 $0x1;
	[bflag:$0x0] =	sbarrier.arrive $0xFFFF  }
0x3a: {  	_ =	swait.ge [sflag:s1], $0x960  }
0x3b: {  	[sflag:s1] =	ssyncset.done $0x0  }
0x3c: {  	s15 =	simm.s32 $0x0;
	s23 =	simm.s32 $0x12C0;
	[sflag:s1] =	ssyncadd.s32 $0xFFFFF6A0  }
0x3d: {  	[tilespmem:s23], [sflag:$0x3] =	stream.indirect.gather [hbm4b:s5+s20], $0x40, s15, s20, $0xb8;
	[tilespmem:$0x1FCF0] =	vst v63  }
0x3e: {  	s28 =	simm.s32 $0x26C0  }
0x3f: {  	[tilespmem:s28], [sflag:$0x4] =	stream.indirect.gather [hbm4b:s5+s20], $0x40, s20, s20, $0xb8;
	[tilespmem:$0x1FCF0] =	vst v63  }
.LBB2_6:
0x40: {  	s1 =	simm.s32 $0x2  }
0x41: {  	_ =	swait.ge [sflag:s1], $0x960  }
0x42: {  	[sflag:s1] =	ssyncset.done $0x0  }
0x43: {  	s7 =	simm.s32 $0x0;
	[sflag:s1] =	ssyncadd.s32 $0xFFFFF6A0  }
.LBB2_7:
0x44: {  	_ =	swait.ge [sflag:s24], $0x1400;
	s1 =	sor.u32 s15, s7  }
0x45: {  	[sflag:s24] =	ssyncset.done $0x0;
	p0 =	seq.s32 s1, $0x0  }
0x46: {  	[sflag:s24] =	ssyncadd.s32 $0xFFFFEC00;
	s1 =	simm.s32 @!p0 $0x5  }
0x47: {  	s3 =	smul.u32 $0x280, s7;
	_ =	swait.ge @!p0 [sflag:s1], $0x2D00  }
0x48: {  	[sflag:s1] =	ssyncset.done @!p0 $0x0  }
0x49: {  	s9 =	sshra.s32 s3, $0x2;
	[sflag:s1] =	ssyncadd.s32 @!p0 $0xFFFFD300  }
0x4a: {  	v1 =	vld [tilespmem:s9+$0x640];
	_ =	sdelay $0x4  }
0x4b: {  	[tilespmem:$0x9CC0] =	vst v1  }
0x4c: {  	v1 =	vld [tilespmem:s9+$0x650];
	_ =	sdelay $0x4  }
0x4d: {  	[tilespmem:$0x9CD0] =	vst v1  }
0x4e: {  	v1 =	vld [tilespmem:s9+$0x660];
	_ =	sdelay $0x4  }
0x4f: {  	s12 =	sshll.u32 s7, $0x1;
	[tilespmem:$0x9CE0] =	vst v1  }
0x50: {  	v2 =	vmov s12;
	v1 =	vld [tilespmem:s9+$0x670]  }
0x51: {  	v2 =	vmul.u32 $0x50, v2;
	_ =	sdelay $0x1  }
0x52: {  	s13 =	simm.s32 $0x0;
	v2 =	vadd.s32 $0x320, v2  }
0x53: {  	v6 =	vbroadcast v2, $0x0;
	v2 =	vmov s13  }
0x54: {  	[tilespmem:$0x9CF0] =	vst v1;
	v1 =	vand.u32 $0x78, v2  }
0x55: {  	v2 =	vand.u32 $0x7, v2;
	v3 =	vld [tilespmem:s9+$0x680];
	v1 =	vadd.s32 v6, v1  }
0x56: {  	v1 =	vor.u32 v2, v1;
	_ =	sdelay $0x3  }
0x57: {  	s14 =	simm.s32 $0x1;
	[tilespmem:$0x9D00] =	vst v3  }
0x58: {  	v2 =	vmov s14;
	v4 =	vld.idx.msk [tilespmem:v1+s4+$0x0], $0xffff  }
0x59: {  	v1 =	vand.u32 $0x78, v2  }
0x5a: {  	v2 =	vand.u32 $0x7, v2;
	v1 =	vadd.s32 v6, v1  }
0x5b: {  	v1 =	vor.u32 v2, v1  }
0x5c: {  	s11 =	simm.s32 $0x3B00  }
0x5d: {  	s19 =	simm.s32 $0x12E0;
	[tilespmem:s11+$0x40] =	vst v4  }
0x5e: {  	s21 =	simm.s32 $0x2;
	v2 =	vld [tilespmem:s19+$0xFFFFFFE0]  }
0x5f: {  	v3 =	vmov s21  }
0x60: {  	v5 =	vand.u32 $0x78, v3;
	v1 =	vld.idx.msk [tilespmem:v1+s4+$0x0], $0xffff  }
0x61: {  	v3 =	vand.u32 $0x7, v3;
	v5 =	vadd.s32 v6, v5  }
0x62: {  	v3 =	vor.u32 v3, v5  }
0x63: {  	v5 =	vshll.u32 v2, $0x10  }
0x64: {  	s3 =	simm.s32 $0x3B90;
	v2 =	vand.u32 $0xFFFF0000, v2;
	v5 =	vmul.f32 v5, v4  }
0x65: {  	s23 =	simm.s32 $0x1320;
	[tilespmem:s3+$0x40] =	vst v1;
	v2 =	vmul.f32 v2, v4  }
0x66: {  	s6 =	simm.s32 $0x3;
	v7 =	vld [tilespmem:s23+$0xFFFFFFE0];
	[tilespmem:s11+$0xFFFFFFC0] =	vst v5  }
0x67: {  	v5 =	vmov s6;
	[tilespmem:s11+$0xFFFFFFD0] =	vst v2;
	v2 =	vld.idx.msk [tilespmem:v3+s4+$0x0], $0xffff  }
0x68: {  	v3 =	vand.u32 $0x78, v5;
	v8 =	vld [tilespmem:s19+$0xFFFFFFF0]  }
0x69: {  	v5 =	vand.u32 $0x7, v5;
	v3 =	vadd.s32 v6, v3  }
0x6a: {  	v3 =	vor.u32 v5, v3  }
0x6b: {  	v5 =	vshll.u32 v7, $0x10  }
0x6c: {  	s13 =	simm.s32 $0x3C20;
	v7 =	vand.u32 $0xFFFF0000, v7;
	v5 =	vmul.f32 v5, v1  }
0x6d: {  	s14 =	simm.s32 $0x1360;
	[tilespmem:s13+$0x40] =	vst v2;
	v7 =	vmul.f32 v7, v1;
	v9 =	vshll.u32 v8, $0x10  }
0x6e: {  	v8 =	vand.u32 $0xFFFF0000, v8;
	[tilespmem:s3+$0xFFFFFFC0] =	vst v5;
	v5 =	vld [tilespmem:s14+$0xFFFFFFE0];
	v9 =	vmul.f32 v9, v4  }
0x6f: {  	s22 =	simm.s32 $0x4;
	[tilespmem:s3+$0xFFFFFFD0] =	vst v7;
	v7 =	vmul.f32 v8, v4;
	v3 =	vld.idx.msk [tilespmem:v3+s4+$0x0], $0xffff  }
0x70: {  	v8 =	vmov s22;
	v10 =	vld [tilespmem:s23+$0xFFFFFFF0];
	[tilespmem:s11+$0xFFFFFFE0] =	vst v9  }
0x71: {  	v9 =	vand.u32 $0x78, v8;
	[tilespmem:s11+$0xFFFFFFF0] =	vst v7  }
0x72: {  	v7 =	vand.u32 $0x7, v8;
	v8 =	vadd.s32 v6, v9;
	v9 =	vld [tilespmem:s19+$0x0]  }
0x73: {  	v7 =	vor.u32 v7, v8;
	v8 =	vshll.u32 v5, $0x10  }
0x74: {  	s10 =	simm.s32 $0x3CB0;
	v5 =	vand.u32 $0xFFFF0000, v5;
	v8 =	vmul.f32 v8, v2  }
0x75: {  	s6 =	simm.s32 $0x13A0;
	[tilespmem:s10+$0x40] =	vst v3;
	v5 =	vmul.f32 v5, v2;
	v11 =	vshll.u32 v10, $0x10  }
0x76: {  	[tilespmem:s13+$0xFFFFFFC0] =	vst v8;
	v8 =	vand.u32 $0xFFFF0000, v10;
	v10 =	vmul.f32 v11, v1;
	v11 =	vld [tilespmem:s6+$0xFFFFFFE0]  }
0x77: {  	[tilespmem:s13+$0xFFFFFFD0] =	vst v5;
	v12 =	vshll.u32 v9, $0x10;
	v8 =	vmul.f32 v8, v1  }
0x78: {  	v5 =	vld.idx.msk [tilespmem:v7+s4+$0x0], $0xffff;
	v7 =	vand.u32 $0xFFFF0000, v9;
	v9 =	vmul.f32 v12, v4;
	[tilespmem:s3+$0xFFFFFFE0] =	vst v10  }
0x79: {  	s8 =	simm.s32 $0x5;
	v7 =	vmul.f32 v7, v4;
	[tilespmem:s3+$0xFFFFFFF0] =	vst v8  }
0x7a: {  	v12 =	vmov s8;
	v10 =	vld [tilespmem:s14+$0xFFFFFFF0];
	[tilespmem:s11+$0x0] =	vst v9  }
0x7b: {  	v13 =	vand.u32 $0x78, v12;
	[tilespmem:s11+$0x10] =	vst v7;
	v9 =	vshll.u32 v11, $0x10;
	v7 =	vand.u32 $0xFFFF0000, v11  }
0x7c: {  	v8 =	vld [tilespmem:s23+$0x0];
	v11 =	vmul.f32 v9, v3;
	v9 =	vand.u32 $0x7, v12;
	v12 =	vadd.s32 v6, v13  }
0x7d: {  	v9 =	vor.u32 v9, v12  }
0x7e: {  	s8 =	simm.s32 $0x3D40;
	v13 =	vmul.f32 v7, v3;
	v7 =	vld [tilespmem:s19+$0x10]  }
0x7f: {  	[tilespmem:s8+$0x40] =	vst v5;
	v12 =	vshll.u32 v10, $0x10  }
0x80: {  	s21 =	simm.s32 $0x13E0;
	v14 =	vand.u32 $0xFFFF0000, v10;
	[tilespmem:s10+$0xFFFFFFC0] =	vst v11;
	v11 =	vmul.f32 v12, v2  }
0x81: {  	s28 =	simm.s32 $0x13E0;
	s1 =	simm.s32 $0x6;
	s19 =	simm.s32 $0x3D40;
	v10 =	vld [tilespmem:s21+$0xFFFFFFE0];
	[tilespmem:s10+$0xFFFFFFD0] =	vst v13;
	v12 =	vmul.f32 v14, v2;
	v13 =	vshll.u32 v8, $0x10  }
.LBB2_8:
0x82: {  	p1 =	sne.s32 s1, $0x4F;
	v14 =	vld.idx.msk [tilespmem:v9+s4+$0x0], $0xffff;
	[tilespmem:s13+$0xFFFFFFE0] =	vst v11;
	v8 =	vand.u32 $0xFFFF0000, v8;
	v9 =	vmul.f32 v13, v1  }
0x83: {  	v11 =	vmov s1;
	v13 =	vld [tilespmem:s6+$0xFFFFFFF0];
	[tilespmem:s13+$0xFFFFFFF0] =	vst v12;
	v12 =	vmul.f32 v8, v1;
	v8 =	vand.u32 $0xFFFF0000, v7  }
0x84: {  	v15 =	vand.u32 $0x78, v11;
	v7 =	vshll.u32 v7, $0x10;
	[tilespmem:s3+$0x0] =	vst v9;
	v16 =	vmul.f32 v8, v4  }
0x85: {  	v9 =	vand.u32 $0x7, v11;
	v11 =	vadd.s32 v6, v15;
	v8 =	vld [tilespmem:s14+$0x0];
	[tilespmem:s3+$0x10] =	vst v12;
	v12 =	vmul.f32 v7, v4;
	v4 =	vmovc v1  }
.Ltmp5:
0x86: {  	v9 =	vor.u32 v9, v11;
	v1 =	vmovc v2;
	v2 =	vmovc v3;
	v3 =	vmov v5;
	v7 =	vshll.u32 v10, $0x10;
	[tilespmem:s11+$0x30] =	vst v16;
	(pc) =	sbr.rel @p1 .LBB2_8-.Ltmp5, $4  }
0x87: {  	s8 =	sadd.s32 $0x90, s8;
	v15 =	vand.u32 $0xFFFF0000, v10;
	v10 =	vmul.f32 v7, v3;
	v7 =	vld [tilespmem:s23+$0x10];
	[tilespmem:s11+$0x20] =	vst v12;
	s11 =	smov.u32 s3;
	s3 =	smov.u32 s13  }
0x88: {  	v12 =	vmul.f32 v15, v3;
	v5 =	vmov v14;
	s13 =	smov.u32 s10;
	s10 =	smov.u32 s19;
	s19 =	smov.u32 s8;
	[tilespmem:s8+$0x40] =	vst v14;
	v11 =	vshll.u32 v13, $0x10  }
0x89: {  	s21 =	sadd.s32 $0x40, s21;
	s23 =	smov.u32 s14;
	s14 =	smov.u32 s6;
	v13 =	vand.u32 $0xFFFF0000, v13;
	[tilespmem:s10+$0xFFFFFFC0] =	vst v10;
	v11 =	vmul.f32 v11, v2  }
0x8a: {  	s1 =	sadd.s32 $0x1, s1;
	s6 =	smov.u32 s28;
	s28 =	smov.u32 s21;
	v10 =	vld [tilespmem:s21+$0xFFFFFFE0];
	[tilespmem:s10+$0xFFFFFFD0] =	vst v12;
	v12 =	vmul.f32 v13, v2;
	v13 =	vshll.u32 v8, $0x10  }
0x8b: {  	_ =	sdelay $0x3  }
0x8c: {  	v6 =	vld.idx.msk [tilespmem:v9+s4+$0x0], $0xffff;
	_ =	sdelay $0x3  }
0x8d: {  	s1 =	sadd.s32 $0x90, s8  }
0x8e: {  	s22 =	sadd.s32 $0x40, s21;
	[tilespmem:s1+$0x40] =	vst v6  }
0x8f: {  	v9 =	vld [tilespmem:s22+$0xFFFFFFE0];
	_ =	sdelay $0x2  }
0x90: {  	v14 =	vshll.u32 v10, $0x10  }
0x91: {  	v10 =	vand.u32 $0xFFFF0000, v10;
	v14 =	vmul.f32 v14, v5  }
0x92: {  	v10 =	vmul.f32 v10, v5;
	v15 =	vshll.u32 v9, $0x10  }
0x93: {  	[tilespmem:s19+$0xFFFFFFC0] =	vst v14;
	v14 =	vld [tilespmem:s6+$0xFFFFFFF0];
	v9 =	vand.u32 $0xFFFF0000, v9;
	v15 =	vmul.f32 v15, v6  }
0x94: {  	[tilespmem:s19+$0xFFFFFFD0] =	vst v10;
	v9 =	vmul.f32 v9, v6  }
0x95: {  	v10 =	vld [tilespmem:s28+$0xFFFFFFF0];
	[tilespmem:s1+$0xFFFFFFC0] =	vst v15  }
0x96: {  	[tilespmem:s1+$0xFFFFFFD0] =	vst v9  }
0x97: {  	[tilespmem:s13+$0xFFFFFFE0] =	vst v11;
	v8 =	vand.u32 $0xFFFF0000, v8;
	v9 =	vmul.f32 v13, v1;
	v11 =	vld [tilespmem:s22+$0xFFFFFFF0]  }
0x98: {  	[tilespmem:s13+$0xFFFFFFF0] =	vst v12;
	v8 =	vmul.f32 v8, v1;
	v12 =	vshll.u32 v14, $0x10  }
0x99: {  	v12 =	vmul.f32 v12, v3;
	[tilespmem:s3+$0x0] =	vst v9;
	v9 =	vand.u32 $0xFFFF0000, v14  }
0x9a: {  	[tilespmem:s3+$0x10] =	vst v8;
	v8 =	vmul.f32 v9, v3;
	v9 =	vshll.u32 v10, $0x10  }
0x9b: {  	v13 =	vld [tilespmem:s14+$0x0];
	[tilespmem:s10+$0xFFFFFFE0] =	vst v12;
	v10 =	vand.u32 $0xFFFF0000, v10;
	v9 =	vmul.f32 v9, v5  }
0x9c: {  	[tilespmem:s10+$0xFFFFFFF0] =	vst v8;
	v8 =	vmul.f32 v10, v5;
	v10 =	vshll.u32 v11, $0x10  }
0x9d: {  	v12 =	vld [tilespmem:s6+$0x0];
	[tilespmem:s19+$0xFFFFFFE0] =	vst v9;
	v9 =	vand.u32 $0xFFFF0000, v11;
	v10 =	vmul.f32 v10, v6  }
0x9e: {  	v11 =	vand.u32 $0xFFFF0000, v7;
	[tilespmem:s19+$0xFFFFFFF0] =	vst v8;
	v8 =	vmul.f32 v9, v6  }
0x9f: {  	v7 =	vshll.u32 v7, $0x10;
	v9 =	vmul.f32 v11, v4;
	v11 =	vld [tilespmem:s28+$0x0];
	[tilespmem:s1+$0xFFFFFFE0] =	vst v10  }
0xa0: {  	v4 =	vmul.f32 v7, v4;
	v7 =	vshll.u32 v13, $0x10;
	[tilespmem:s1+$0xFFFFFFF0] =	vst v8  }
0xa1: {  	v7 =	vmul.f32 v7, v2;
	[tilespmem:s11+$0x30] =	vst v9;
	v8 =	vand.u32 $0xFFFF0000, v13;
	v9 =	vld [tilespmem:s22+$0x0]  }
0xa2: {  	[tilespmem:s11+$0x20] =	vst v4;
	v4 =	vmul.f32 v8, v2;
	v8 =	vshll.u32 v12, $0x10  }
0xa3: {  	v10 =	vld [tilespmem:s23+$0x10];
	[tilespmem:s13+$0x0] =	vst v7;
	v7 =	vand.u32 $0xFFFF0000, v12;
	v8 =	vmul.f32 v8, v3  }
0xa4: {  	[tilespmem:s13+$0x10] =	vst v4;
	v4 =	vmul.f32 v7, v3;
	v7 =	vshll.u32 v11, $0x10  }
0xa5: {  	v12 =	vld [tilespmem:s14+$0x10];
	[tilespmem:s10+$0x0] =	vst v8;
	v8 =	vand.u32 $0xFFFF0000, v11;
	v7 =	vmul.f32 v7, v5  }
0xa6: {  	[tilespmem:s10+$0x10] =	vst v4;
	v4 =	vmul.f32 v8, v5;
	v8 =	vshll.u32 v9, $0x10  }
0xa7: {  	v11 =	vld [tilespmem:s6+$0x10];
	[tilespmem:s19+$0x0] =	vst v7;
	v7 =	vand.u32 $0xFFFF0000, v9;
	v8 =	vmul.f32 v8, v6  }
0xa8: {  	v9 =	vand.u32 $0xFFFF0000, v10;
	[tilespmem:s19+$0x10] =	vst v4;
	v4 =	vmul.f32 v7, v6  }
0xa9: {  	v7 =	vshll.u32 v10, $0x10;
	v9 =	vmul.f32 v9, v1;
	v10 =	vld [tilespmem:s28+$0x10];
	[tilespmem:s1+$0x0] =	vst v8  }
0xaa: {  	v1 =	vmul.f32 v7, v1;
	v7 =	vand.u32 $0xFFFF0000, v12;
	[tilespmem:s1+$0x10] =	vst v4  }
0xab: {  	[tilespmem:s3+$0x30] =	vst v9;
	v4 =	vshll.u32 v12, $0x10;
	v7 =	vmul.f32 v7, v2;
	v8 =	vld [tilespmem:s22+$0x10]  }
0xac: {  	[tilespmem:s3+$0x20] =	vst v1;
	v1 =	vmul.f32 v4, v2;
	v2 =	vand.u32 $0xFFFF0000, v11  }
0xad: {  	v4 =	vshll.u32 v11, $0x10;
	[tilespmem:s13+$0x30] =	vst v7;
	v2 =	vmul.f32 v2, v3  }
0xae: {  	[tilespmem:s13+$0x20] =	vst v1;
	v1 =	vmul.f32 v4, v3;
	v3 =	vand.u32 $0xFFFF0000, v10  }
0xaf: {  	[tilespmem:s10+$0x30] =	vst v2;
	v2 =	vshll.u32 v10, $0x10;
	v3 =	vmul.f32 v3, v5  }
0xb0: {  	[tilespmem:s10+$0x20] =	vst v1;
	v1 =	vmul.f32 v2, v5;
	v2 =	vand.u32 $0xFFFF0000, v8  }
0xb1: {  	[tilespmem:s19+$0x30] =	vst v3;
	v3 =	vshll.u32 v8, $0x10;
	v2 =	vmul.f32 v2, v6  }
0xb2: {  	[tilespmem:s19+$0x20] =	vst v1;
	v1 =	vmul.f32 v3, v6  }
0xb3: {  	p1 =	seq.s32 s7, $0x4;
	s3 =	sadd.s32 $0xA0, s9;
	[tilespmem:s1+$0x30] =	vst v2  }
0xb4: {  	s8 =	simm.s32 $0x12C0;
	s3 =	simm.s32 @p1 $0x960;
	[tilespmem:s1+$0x20] =	vst v1  }
0xb5: {  	[tilespmem:s8], [sflag:$0x3] =	stream.indirect.gather [hbm4b:s5+s20], $0x40, s3, s20, $0xb8;
	[tilespmem:$0x1FCF0] =	vst v63  }
0xb6: {  	_ = 	snop  }
0xb7: {  	[spmem:s2] =	stream.indirect.scatter.add.f32 [tilespmem:s17], [sflag:$0x5], $0x90, s25, s20, $0xb8;
	[tilespmem:$0x1FCF0] =	vst v63  }
0xb8: {  	_ =	swait.ge [sflag:s26], $0x1400  }
0xb9: {  	[sflag:s26] =	ssyncset.done $0x0  }
0xba: {  	s10 =	sor.u32 $0x1, s12;
	s1 =	simm.s32 @!p0 $0x6;
	[sflag:s26] =	ssyncadd.s32 $0xFFFFEC00  }
0xbb: {  	s11 =	smul.u32 $0x140, s10;
	_ =	swait.ge @!p0 [sflag:s1], $0x2D00  }
0xbc: {  	[sflag:s1] =	ssyncset.done @!p0 $0x0  }
0xbd: {  	s12 =	sshra.s32 s11, $0x2;
	[sflag:s1] =	ssyncadd.s32 @!p0 $0xFFFFD300  }
0xbe: {  	v1 =	vld [tilespmem:s12+$0x640];
	_ =	sdelay $0x4  }
0xbf: {  	[tilespmem:$0x9D10] =	vst v1  }
0xc0: {  	v1 =	vld [tilespmem:s12+$0x650];
	_ =	sdelay $0x4  }
0xc1: {  	[tilespmem:$0x9D20] =	vst v1  }
0xc2: {  	v1 =	vld [tilespmem:s12+$0x660];
	_ =	sdelay $0x4  }
0xc3: {  	[tilespmem:$0x9D30] =	vst v1  }
0xc4: {  	v2 =	vmov s10;
	v1 =	vld [tilespmem:s12+$0x670]  }
0xc5: {  	v2 =	vmul.u32 $0x50, v2;
	_ =	sdelay $0x1  }
0xc6: {  	s13 =	simm.s32 $0x0;
	v2 =	vadd.s32 $0x320, v2  }
0xc7: {  	v6 =	vbroadcast v2, $0x0;
	v2 =	vmov s13  }
0xc8: {  	[tilespmem:$0x9D40] =	vst v1;
	v1 =	vand.u32 $0x78, v2  }
0xc9: {  	v2 =	vand.u32 $0x7, v2;
	v3 =	vld [tilespmem:s12+$0x680];
	v1 =	vadd.s32 v6, v1  }
0xca: {  	v1 =	vor.u32 v2, v1;
	_ =	sdelay $0x3  }
0xcb: {  	s14 =	simm.s32 $0x1;
	[tilespmem:$0x9D50] =	vst v3  }
0xcc: {  	v2 =	vmov s14;
	v4 =	vld.idx.msk [tilespmem:v1+s4+$0x0], $0xffff  }
0xcd: {  	v1 =	vand.u32 $0x78, v2  }
0xce: {  	v2 =	vand.u32 $0x7, v2;
	v1 =	vadd.s32 v6, v1  }
0xcf: {  	v1 =	vor.u32 v2, v1  }
0xd0: {  	s11 =	simm.s32 $0x6800  }
0xd1: {  	s19 =	simm.s32 $0x26E0;
	[tilespmem:s11+$0x40] =	vst v4  }
0xd2: {  	s21 =	simm.s32 $0x2;
	v2 =	vld [tilespmem:s19+$0xFFFFFFE0]  }
0xd3: {  	v3 =	vmov s21  }
0xd4: {  	v5 =	vand.u32 $0x78, v3;
	v1 =	vld.idx.msk [tilespmem:v1+s4+$0x0], $0xffff  }
0xd5: {  	v3 =	vand.u32 $0x7, v3;
	v5 =	vadd.s32 v6, v5  }
0xd6: {  	v3 =	vor.u32 v3, v5  }
0xd7: {  	v5 =	vshll.u32 v2, $0x10  }
0xd8: {  	s3 =	simm.s32 $0x6890;
	v2 =	vand.u32 $0xFFFF0000, v2;
	v5 =	vmul.f32 v5, v4  }
0xd9: {  	s14 =	simm.s32 $0x2720;
	[tilespmem:s3+$0x40] =	vst v1;
	v2 =	vmul.f32 v2, v4  }
0xda: {  	s22 =	simm.s32 $0x3;
	v7 =	vld [tilespmem:s14+$0xFFFFFFE0];
	[tilespmem:s11+$0xFFFFFFC0] =	vst v5  }
0xdb: {  	v5 =	vmov s22;
	[tilespmem:s11+$0xFFFFFFD0] =	vst v2;
	v2 =	vld.idx.msk [tilespmem:v3+s4+$0x0], $0xffff  }
0xdc: {  	v3 =	vand.u32 $0x78, v5;
	v8 =	vld [tilespmem:s19+$0xFFFFFFF0]  }
0xdd: {  	v5 =	vand.u32 $0x7, v5;
	v3 =	vadd.s32 v6, v3  }
0xde: {  	v3 =	vor.u32 v5, v3  }
0xdf: {  	v5 =	vshll.u32 v7, $0x10  }
0xe0: {  	s12 =	simm.s32 $0x6920;
	v7 =	vand.u32 $0xFFFF0000, v7;
	v5 =	vmul.f32 v5, v1  }
0xe1: {  	s13 =	simm.s32 $0x2760;
	[tilespmem:s12+$0x40] =	vst v2;
	v7 =	vmul.f32 v7, v1;
	v9 =	vshll.u32 v8, $0x10  }
0xe2: {  	v8 =	vand.u32 $0xFFFF0000, v8;
	[tilespmem:s3+$0xFFFFFFC0] =	vst v5;
	v5 =	vld [tilespmem:s13+$0xFFFFFFE0];
	v9 =	vmul.f32 v9, v4  }
0xe3: {  	s23 =	simm.s32 $0x4;
	[tilespmem:s3+$0xFFFFFFD0] =	vst v7;
	v7 =	vmul.f32 v8, v4;
	v3 =	vld.idx.msk [tilespmem:v3+s4+$0x0], $0xffff  }
0xe4: {  	v8 =	vmov s23;
	v10 =	vld [tilespmem:s14+$0xFFFFFFF0];
	[tilespmem:s11+$0xFFFFFFE0] =	vst v9  }
0xe5: {  	v9 =	vand.u32 $0x78, v8;
	[tilespmem:s11+$0xFFFFFFF0] =	vst v7  }
0xe6: {  	v7 =	vand.u32 $0x7, v8;
	v8 =	vadd.s32 v6, v9;
	v9 =	vld [tilespmem:s19+$0x0]  }
0xe7: {  	v7 =	vor.u32 v7, v8;
	v8 =	vshll.u32 v5, $0x10  }
0xe8: {  	s10 =	simm.s32 $0x69B0;
	v5 =	vand.u32 $0xFFFF0000, v5;
	v8 =	vmul.f32 v8, v2  }
0xe9: {  	s6 =	simm.s32 $0x27A0;
	[tilespmem:s10+$0x40] =	vst v3;
	v5 =	vmul.f32 v5, v2;
	v11 =	vshll.u32 v10, $0x10  }
0xea: {  	[tilespmem:s12+$0xFFFFFFC0] =	vst v8;
	v8 =	vand.u32 $0xFFFF0000, v10;
	v10 =	vmul.f32 v11, v1;
	v11 =	vld [tilespmem:s6+$0xFFFFFFE0]  }
0xeb: {  	[tilespmem:s12+$0xFFFFFFD0] =	vst v5;
	v12 =	vshll.u32 v9, $0x10;
	v8 =	vmul.f32 v8, v1  }
0xec: {  	v5 =	vld.idx.msk [tilespmem:v7+s4+$0x0], $0xffff;
	v7 =	vand.u32 $0xFFFF0000, v9;
	v9 =	vmul.f32 v12, v4;
	[tilespmem:s3+$0xFFFFFFE0] =	vst v10  }
0xed: {  	s28 =	simm.s32 $0x5;
	v7 =	vmul.f32 v7, v4;
	[tilespmem:s3+$0xFFFFFFF0] =	vst v8  }
0xee: {  	v12 =	vmov s28;
	v10 =	vld [tilespmem:s13+$0xFFFFFFF0];
	[tilespmem:s11+$0x0] =	vst v9  }
0xef: {  	v13 =	vand.u32 $0x78, v12;
	[tilespmem:s11+$0x10] =	vst v7;
	v9 =	vshll.u32 v11, $0x10;
	v7 =	vand.u32 $0xFFFF0000, v11  }
0xf0: {  	v8 =	vld [tilespmem:s14+$0x0];
	v11 =	vmul.f32 v9, v3;
	v9 =	vand.u32 $0x7, v12;
	v12 =	vadd.s32 v6, v13  }
0xf1: {  	v9 =	vor.u32 v9, v12  }
0xf2: {  	s8 =	simm.s32 $0x6A40;
	v13 =	vmul.f32 v7, v3;
	v7 =	vld [tilespmem:s19+$0x10]  }
0xf3: {  	[tilespmem:s8+$0x40] =	vst v5;
	v12 =	vshll.u32 v10, $0x10  }
0xf4: {  	s21 =	simm.s32 $0x27E0;
	v14 =	vand.u32 $0xFFFF0000, v10;
	[tilespmem:s10+$0xFFFFFFC0] =	vst v11;
	v11 =	vmul.f32 v12, v2  }
0xf5: {  	s1 =	simm.s32 $0x6;
	s23 =	simm.s32 $0x27E0;
	s19 =	simm.s32 $0x6A40;
	v10 =	vld [tilespmem:s21+$0xFFFFFFE0];
	[tilespmem:s10+$0xFFFFFFD0] =	vst v13;
	v12 =	vmul.f32 v14, v2;
	v13 =	vshll.u32 v8, $0x10  }
.LBB2_10:
0xf6: {  	p0 =	sne.s32 s1, $0x4F;
	v14 =	vld.idx.msk [tilespmem:v9+s4+$0x0], $0xffff;
	[tilespmem:s12+$0xFFFFFFE0] =	vst v11;
	v8 =	vand.u32 $0xFFFF0000, v8;
	v9 =	vmul.f32 v13, v1  }
0xf7: {  	v11 =	vmov s1;
	v13 =	vld [tilespmem:s6+$0xFFFFFFF0];
	[tilespmem:s12+$0xFFFFFFF0] =	vst v12;
	v12 =	vmul.f32 v8, v1;
	v8 =	vand.u32 $0xFFFF0000, v7  }
0xf8: {  	v15 =	vand.u32 $0x78, v11;
	v7 =	vshll.u32 v7, $0x10;
	[tilespmem:s3+$0x0] =	vst v9;
	v16 =	vmul.f32 v8, v4  }
0xf9: {  	v9 =	vand.u32 $0x7, v11;
	v11 =	vadd.s32 v6, v15;
	v8 =	vld [tilespmem:s13+$0x0];
	[tilespmem:s3+$0x10] =	vst v12;
	v12 =	vmul.f32 v7, v4;
	v4 =	vmovc v1  }
.Ltmp6:
0xfa: {  	v9 =	vor.u32 v9, v11;
	v1 =	vmovc v2;
	v2 =	vmovc v3;
	v3 =	vmov v5;
	v7 =	vshll.u32 v10, $0x10;
	[tilespmem:s11+$0x30] =	vst v16;
	(pc) =	sbr.rel @p0 .LBB2_10-.Ltmp6, $4  }
0xfb: {  	s8 =	sadd.s32 $0x90, s8;
	v15 =	vand.u32 $0xFFFF0000, v10;
	v10 =	vmul.f32 v7, v3;
	v7 =	vld [tilespmem:s14+$0x10];
	[tilespmem:s11+$0x20] =	vst v12;
	s11 =	smov.u32 s3;
	s3 =	smov.u32 s12  }
0xfc: {  	v12 =	vmul.f32 v15, v3;
	v5 =	vmov v14;
	s12 =	smov.u32 s10;
	s10 =	smov.u32 s19;
	s19 =	smov.u32 s8;
	[tilespmem:s8+$0x40] =	vst v14;
	v11 =	vshll.u32 v13, $0x10  }
0xfd: {  	s21 =	sadd.s32 $0x40, s21;
	s14 =	smov.u32 s13;
	s13 =	smov.u32 s6;
	v13 =	vand.u32 $0xFFFF0000, v13;
	[tilespmem:s10+$0xFFFFFFC0] =	vst v10;
	v11 =	vmul.f32 v11, v2  }
0xfe: {  	s1 =	sadd.s32 $0x1, s1;
	s6 =	smov.u32 s23;
	s23 =	smov.u32 s21;
	v10 =	vld [tilespmem:s21+$0xFFFFFFE0];
	[tilespmem:s10+$0xFFFFFFD0] =	vst v12;
	v12 =	vmul.f32 v13, v2;
	v13 =	vshll.u32 v8, $0x10  }
0xff: {  	_ =	sdelay $0x3  }
0x100: {  	v6 =	vld.idx.msk [tilespmem:v9+s4+$0x0], $0xffff;
	_ =	sdelay $0x3  }
0x101: {  	s1 =	sadd.s32 $0x90, s8  }
0x102: {  	s28 =	sadd.s32 $0x40, s21;
	[tilespmem:s1+$0x40] =	vst v6  }
0x103: {  	v26 =	vld [tilespmem:s28+$0xFFFFFFE0];
	_ =	sdelay $0x2  }
0x104: {  	v14 =	vshll.u32 v10, $0x10  }
0x105: {  	v27 =	vand.u32 $0xFFFF0000, v10;
	v14 =	vmul.f32 v14, v5  }
0x106: {  	v10 =	vmul.f32 v27, v5;
	v15 =	vshll.u32 v26, $0x10  }
0x107: {  	v28 =	vld [tilespmem:s6+$0xFFFFFFF0];
	[tilespmem:s19+$0xFFFFFFC0] =	vst v14;
	v9 =	vand.u32 $0xFFFF0000, v26;
	v15 =	vmul.f32 v15, v6  }
0x108: {  	[tilespmem:s19+$0xFFFFFFD0] =	vst v10;
	v9 =	vmul.f32 v9, v6  }
0x109: {  	v10 =	vld [tilespmem:s23+$0xFFFFFFF0];
	[tilespmem:s1+$0xFFFFFFC0] =	vst v15  }
0x10a: {  	[tilespmem:s1+$0xFFFFFFD0] =	vst v9  }
0x10b: {  	[tilespmem:s12+$0xFFFFFFE0] =	vst v11;
	v8 =	vand.u32 $0xFFFF0000, v8;
	v29 =	vmul.f32 v13, v1;
	v30 =	vld [tilespmem:s28+$0xFFFFFFF0]  }
0x10c: {  	[tilespmem:s12+$0xFFFFFFF0] =	vst v12;
	v8 =	vmul.f32 v8, v1;
	v31 =	vshll.u32 v28, $0x10  }
0x10d: {  	[tilespmem:s3+$0x0] =	vst v29;
	v35 =	vld [tilespmem:s13+$0x0];
	v32 =	vand.u32 $0xFFFF0000, v28;
	v12 =	vmul.f32 v31, v3  }
0x10e: {  	[tilespmem:s3+$0x10] =	vst v8;
	v33 =	vmul.f32 v32, v3;
	v34 =	vshll.u32 v10, $0x10  }
0x10f: {  	[tilespmem:s10+$0xFFFFFFE0] =	vst v12;
	v10 =	vand.u32 $0xFFFF0000, v10;
	v9 =	vmul.f32 v34, v5  }
0x110: {  	[tilespmem:s10+$0xFFFFFFF0] =	vst v33;
	v36 =	vmul.f32 v10, v5;
	v37 =	vshll.u32 v30, $0x10  }
0x111: {  	v38 =	vld [tilespmem:s6+$0x0];
	[tilespmem:s19+$0xFFFFFFE0] =	vst v9;
	v11 =	vand.u32 $0xFFFF0000, v30;
	v10 =	vmul.f32 v37, v6  }
0x112: {  	v39 =	vand.u32 $0xFFFF0000, v7;
	v43 =	vshll.u32 v35, $0x10;
	[tilespmem:s19+$0xFFFFFFF0] =	vst v36;
	v11 =	vmul.f32 v11, v6  }
0x113: {  	v40 =	vshll.u32 v7, $0x10;
	v44 =	vand.u32 $0xFFFF0000, v35;
	v7 =	vmul.f32 v43, v2;
	v41 =	vld [tilespmem:s23+$0x0];
	[tilespmem:s1+$0xFFFFFFE0] =	vst v10  }
0x114: {  	v45 =	vmul.f32 v44, v2;
	[tilespmem:s1+$0xFFFFFFF0] =	vst v11  }
0x115: {  	v8 =	vmul.f32 v39, v4;
	[tilespmem:s12+$0x0] =	vst v7;
	v11 =	vld [tilespmem:s28+$0x0]  }
0x116: {  	v42 =	vmul.f32 v40, v4;
	[tilespmem:s12+$0x10] =	vst v45;
	v46 =	vshll.u32 v38, $0x10  }
0x117: {  	[tilespmem:s11+$0x30] =	vst v8;
	v51 =	vld [tilespmem:s13+$0x10];
	v48 =	vand.u32 $0xFFFF0000, v38;
	v8 =	vmul.f32 v46, v3  }
0x118: {  	[tilespmem:s11+$0x20] =	vst v42;
	v47 =	vld [tilespmem:s14+$0x10];
	v49 =	vmul.f32 v48, v3;
	v50 =	vshll.u32 v41, $0x10  }
0x119: {  	[tilespmem:s10+$0x0] =	vst v8;
	v52 =	vand.u32 $0xFFFF0000, v41;
	v7 =	vmul.f32 v50, v5  }
0x11a: {  	[tilespmem:s10+$0x10] =	vst v49;
	v53 =	vmul.f32 v52, v5;
	v54 =	vshll.u32 v11, $0x10  }
0x11b: {  	v55 =	vld [tilespmem:s6+$0x10];
	[tilespmem:s19+$0x0] =	vst v7;
	v56 =	vand.u32 $0xFFFF0000, v11;
	v8 =	vmul.f32 v54, v6  }
0x11c: {  	v61 =	vand.u32 $0xFFFF0000, v51;
	[tilespmem:s19+$0x10] =	vst v53;
	v58 =	vmul.f32 v56, v6  }
0x11d: {  	v57 =	vand.u32 $0xFFFF0000, v47;
	v59 =	vshll.u32 v47, $0x10;
	v7 =	vmul.f32 v61, v2;
	v60 =	vld [tilespmem:s23+$0x10];
	[tilespmem:s1+$0x0] =	vst v8  }
0x11e: {  	v11 =	vmul.f32 v57, v1;
	v1 =	vmul.f32 v59, v1;
	[tilespmem:s1+$0x10] =	vst v58  }
0x11f: {  	v62 =	vshll.u32 v51, $0x10;
	[tilespmem:s12+$0x30] =	vst v7;
	v8 =	vld [tilespmem:s28+$0x10]  }
0x120: {  	[tilespmem:s3+$0x20] =	vst v1;
	v1 =	vmul.f32 v62, v2;
	v2 =	vand.u32 $0xFFFF0000, v55  }
0x121: {  	v63 =	vshll.u32 v55, $0x10;
	[tilespmem:s3+$0x30] =	vst v11;
	v2 =	vmul.f32 v2, v3  }
0x122: {  	[tilespmem:s12+$0x20] =	vst v1;
	v1 =	vmul.f32 v63, v3;
	v3 =	vand.u32 $0xFFFF0000, v60  }
0x123: {  	[tilespmem:s10+$0x30] =	vst v2;
	v2 =	vshll.u32 v60, $0x10;
	v3 =	vmul.f32 v3, v5  }
.Ltmp7:
0x124: {  	[tilespmem:s10+$0x20] =	vst v1;
	v1 =	vmul.f32 v2, v5;
	v2 =	vand.u32 $0xFFFF0000, v8;
	(pc) =	sbr.rel @p1 .LBB2_13-.Ltmp7, $4  }
0x125: {  	[tilespmem:s19+$0x30] =	vst v3;
	v3 =	vshll.u32 v8, $0x10;
	v2 =	vmul.f32 v2, v6  }
0x126: {  	[tilespmem:s19+$0x20] =	vst v1;
	v1 =	vmul.f32 v3, v6  }
0x127: {  	[tilespmem:s1+$0x30] =	vst v2  }
0x128: {  	[tilespmem:s1+$0x20] =	vst v1  }
.Ltmp8:
0x129: {  	(pc) =	sbr.rel .LBB2_7-.Ltmp8, $4  }
0x12a: {  	s1 =	sadd.s32 $0xF0, s9;
	s3 =	simm.s32 $0x26C0  }
0x12b: {  	[tilespmem:s3], [sflag:$0x4] =	stream.indirect.gather [hbm4b:s5+s20], $0x40, s1, s20, $0xb8;
	[tilespmem:$0x1FCF0] =	vst v63  }
0x12c: {  	s7 =	sadd.s32 $0x1, s7  }
0x12d: {  	[spmem:s2] =	stream.indirect.scatter.add.f32 [tilespmem:s30], [sflag:$0x6], $0x90, s29, s20, $0xb8;
	[tilespmem:$0x1FCF0] =	vst v63  }
.LBB2_13:
0x12e: {  	s1 =	simm.s32 $0x26C0  }
0x12f: {  	s3 =	simm.s32 $0x9B0;
	s21 =	smul.u32 $0x12C0, s15;
	s22 =	rddreg [dreg:$0x8]  }
0x130: {  	[tilespmem:s1], [sflag:$0x4] =	stream.indirect.gather [hbm4b:s5+s20], $0x40, s3, s20, $0xb8;
	[tilespmem:$0x1FCF0] =	vst v63  }
0x131: {  	s1 =	sadd.s32 s21, s22  }
0x132: {  	[spmem:s2] =	stream.indirect.scatter.add.f32 [tilespmem:s30], [sflag:$0x6], $0x90, s29, s20, $0xb8;
	[tilespmem:$0x1FCF0] =	vst v63  }
0x133: {  	s23 =	rddreg [dreg:$0x4];
	s9 =	simm.s32 $0x0;
	s1 =	sshrl.u32 s1, $0x3  }
0x134: {  	s28 =	simm.s32 $0x1;
	[dreg:$0xf] =	wrdreg s21;
	s1 =	sadd.s32 s23, s1  }
0x135: {  	[tilespmem:s9], [sflag:$0x1] =	stream.linear.gather [hbm4b:s1+s9], $0x960, $0x38;
	[tilespmem:$0x1FCF0] =	vst v63  }
0x136: {  	_ =	swait.ge [sflag:s28], $0x960  }
0x137: {  	[sflag:s28] =	ssyncset.done $0x0  }
0x138: {  	s12 =	simm.s32 $0x0;
	[sflag:s28] =	ssyncadd.s32 $0xFFFFF6A0  }
.LBB2_14:
0x139: {  	_ =	swait.ge [sflag:s24], $0x1400  }
0x13a: {  	[sflag:s24] =	ssyncset.done $0x0  }
0x13b: {  	[sflag:s24] =	ssyncadd.s32 $0xFFFFEC00  }
0x13c: {  	s1 =	smul.u32 $0x280, s12;
	_ =	swait.ge [sflag:s31], $0x2D00  }
0x13d: {  	[sflag:s31] =	ssyncset.done $0x0  }
0x13e: {  	s13 =	sshra.s32 s1, $0x2;
	[sflag:s31] =	ssyncadd.s32 $0xFFFFD300  }
0x13f: {  	v1 =	vld [tilespmem:s13+$0xFA0];
	_ =	sdelay $0x4  }
0x140: {  	[tilespmem:$0x9CC0] =	vst v1  }
0x141: {  	v1 =	vld [tilespmem:s13+$0xFB0];
	_ =	sdelay $0x4  }
0x142: {  	[tilespmem:$0x9CD0] =	vst v1  }
0x143: {  	v1 =	vld [tilespmem:s13+$0xFC0];
	_ =	sdelay $0x4  }
0x144: {  	s3 =	sshll.u32 s12, $0x1;
	[tilespmem:$0x9CE0] =	vst v1  }
0x145: {  	v2 =	vmov s3;
	v1 =	vld [tilespmem:s13+$0xFD0]  }
0x146: {  	v2 =	vmul.u32 $0x50, v2;
	_ =	sdelay $0x1  }
0x147: {  	v2 =	vadd.s32 $0x320, v2  }
0x148: {  	v6 =	vbroadcast v2, $0x0;
	v2 =	vmov s9  }
0x149: {  	[tilespmem:$0x9CF0] =	vst v1;
	v1 =	vand.u32 $0x78, v2  }
0x14a: {  	v2 =	vand.u32 $0x7, v2;
	v3 =	vld [tilespmem:s13+$0xFE0];
	v1 =	vadd.s32 v6, v1  }
0x14b: {  	v1 =	vor.u32 v2, v1;
	_ =	sdelay $0x3  }
0x14c: {  	s11 =	simm.s32 $0x1;
	[tilespmem:$0x9D00] =	vst v3  }
0x14d: {  	v2 =	vmov s11;
	v4 =	vld.idx.msk [tilespmem:v1+s16+$0x0], $0xffff  }
0x14e: {  	v1 =	vand.u32 $0x78, v2  }
0x14f: {  	v2 =	vand.u32 $0x7, v2;
	v1 =	vadd.s32 v6, v1  }
0x150: {  	v1 =	vor.u32 v2, v1  }
0x151: {  	s10 =	simm.s32 $0x3B00  }
0x152: {  	s1 =	simm.s32 $0x12E0;
	[tilespmem:s10+$0x40] =	vst v4  }
0x153: {  	s6 =	simm.s32 $0x2;
	v2 =	vld [tilespmem:s1+$0xFFFFFFE0]  }
0x154: {  	v3 =	vmov s6  }
0x155: {  	v5 =	vand.u32 $0x78, v3;
	v1 =	vld.idx.msk [tilespmem:v1+s16+$0x0], $0xffff  }
0x156: {  	v3 =	vand.u32 $0x7, v3;
	v5 =	vadd.s32 v6, v5  }
0x157: {  	v3 =	vor.u32 v3, v5  }
0x158: {  	v5 =	vshll.u32 v2, $0x10  }
0x159: {  	s28 =	simm.s32 $0x3B90;
	v2 =	vand.u32 $0xFFFF0000, v2;
	v5 =	vmul.f32 v5, v4  }
0x15a: {  	s19 =	simm.s32 $0x1320;
	[tilespmem:s28+$0x40] =	vst v1;
	v2 =	vmul.f32 v2, v4  }
0x15b: {  	s14 =	simm.s32 $0x3;
	v7 =	vld [tilespmem:s19+$0xFFFFFFE0];
	[tilespmem:s10+$0xFFFFFFC0] =	vst v5  }
0x15c: {  	v5 =	vmov s14;
	[tilespmem:s10+$0xFFFFFFD0] =	vst v2;
	v2 =	vld.idx.msk [tilespmem:v3+s16+$0x0], $0xffff  }
0x15d: {  	v3 =	vand.u32 $0x78, v5;
	v8 =	vld [tilespmem:s1+$0xFFFFFFF0]  }
0x15e: {  	v5 =	vand.u32 $0x7, v5;
	v3 =	vadd.s32 v6, v3  }
0x15f: {  	v3 =	vor.u32 v5, v3  }
0x160: {  	v5 =	vshll.u32 v7, $0x10  }
0x161: {  	s11 =	simm.s32 $0x3C20;
	v7 =	vand.u32 $0xFFFF0000, v7;
	v5 =	vmul.f32 v5, v1  }
0x162: {  	s23 =	simm.s32 $0x1360;
	[tilespmem:s11+$0x40] =	vst v2;
	v7 =	vmul.f32 v7, v1;
	v9 =	vshll.u32 v8, $0x10  }
0x163: {  	v8 =	vand.u32 $0xFFFF0000, v8;
	[tilespmem:s28+$0xFFFFFFC0] =	vst v5;
	v5 =	vld [tilespmem:s23+$0xFFFFFFE0];
	v9 =	vmul.f32 v9, v4  }
0x164: {  	s21 =	simm.s32 $0x4;
	[tilespmem:s28+$0xFFFFFFD0] =	vst v7;
	v7 =	vmul.f32 v8, v4;
	v3 =	vld.idx.msk [tilespmem:v3+s16+$0x0], $0xffff  }
0x165: {  	v8 =	vmov s21;
	v10 =	vld [tilespmem:s19+$0xFFFFFFF0];
	[tilespmem:s10+$0xFFFFFFE0] =	vst v9  }
0x166: {  	v9 =	vand.u32 $0x78, v8;
	[tilespmem:s10+$0xFFFFFFF0] =	vst v7  }
0x167: {  	v7 =	vand.u32 $0x7, v8;
	v8 =	vadd.s32 v6, v9;
	v9 =	vld [tilespmem:s1+$0x0]  }
0x168: {  	v7 =	vor.u32 v7, v8;
	v8 =	vshll.u32 v5, $0x10  }
0x169: {  	s14 =	simm.s32 $0x3CB0;
	v5 =	vand.u32 $0xFFFF0000, v5;
	v8 =	vmul.f32 v8, v2  }
0x16a: {  	s7 =	simm.s32 $0x13A0;
	[tilespmem:s14+$0x40] =	vst v3;
	v5 =	vmul.f32 v5, v2;
	v11 =	vshll.u32 v10, $0x10  }
0x16b: {  	[tilespmem:s11+$0xFFFFFFC0] =	vst v8;
	v8 =	vand.u32 $0xFFFF0000, v10;
	v10 =	vmul.f32 v11, v1;
	v11 =	vld [tilespmem:s7+$0xFFFFFFE0]  }
0x16c: {  	[tilespmem:s11+$0xFFFFFFD0] =	vst v5;
	v12 =	vshll.u32 v9, $0x10;
	v8 =	vmul.f32 v8, v1  }
0x16d: {  	v5 =	vld.idx.msk [tilespmem:v7+s16+$0x0], $0xffff;
	v7 =	vand.u32 $0xFFFF0000, v9;
	v9 =	vmul.f32 v12, v4;
	[tilespmem:s28+$0xFFFFFFE0] =	vst v10  }
0x16e: {  	s22 =	simm.s32 $0x5;
	v7 =	vmul.f32 v7, v4;
	[tilespmem:s28+$0xFFFFFFF0] =	vst v8  }
0x16f: {  	v12 =	vmov s22;
	v10 =	vld [tilespmem:s23+$0xFFFFFFF0];
	[tilespmem:s10+$0x0] =	vst v9  }
0x170: {  	v13 =	vand.u32 $0x78, v12;
	[tilespmem:s10+$0x10] =	vst v7;
	v9 =	vshll.u32 v11, $0x10;
	v7 =	vand.u32 $0xFFFF0000, v11  }
0x171: {  	v8 =	vld [tilespmem:s19+$0x0];
	v11 =	vmul.f32 v9, v3;
	v9 =	vand.u32 $0x7, v12;
	v12 =	vadd.s32 v6, v13  }
0x172: {  	v9 =	vor.u32 v9, v12  }
0x173: {  	s8 =	simm.s32 $0x3D40;
	v13 =	vmul.f32 v7, v3;
	v7 =	vld [tilespmem:s1+$0x10]  }
0x174: {  	[tilespmem:s8+$0x40] =	vst v5;
	v12 =	vshll.u32 v10, $0x10  }
0x175: {  	s21 =	simm.s32 $0x13E0;
	v14 =	vand.u32 $0xFFFF0000, v10;
	[tilespmem:s14+$0xFFFFFFC0] =	vst v11;
	v11 =	vmul.f32 v12, v2  }
0x176: {  	s6 =	simm.s32 $0x3D40;
	s22 =	simm.s32 $0x6;
	s1 =	simm.s32 $0x13E0;
	v10 =	vld [tilespmem:s21+$0xFFFFFFE0];
	[tilespmem:s14+$0xFFFFFFD0] =	vst v13;
	v12 =	vmul.f32 v14, v2;
	v13 =	vshll.u32 v8, $0x10  }
.LBB2_15:
0x177: {  	p0 =	sne.s32 s22, $0x4F;
	v14 =	vld.idx.msk [tilespmem:v9+s16+$0x0], $0xffff;
	[tilespmem:s11+$0xFFFFFFE0] =	vst v11;
	v8 =	vand.u32 $0xFFFF0000, v8;
	v9 =	vmul.f32 v13, v1  }
0x178: {  	v11 =	vmov s22;
	v13 =	vld [tilespmem:s7+$0xFFFFFFF0];
	[tilespmem:s11+$0xFFFFFFF0] =	vst v12;
	v12 =	vmul.f32 v8, v1;
	v8 =	vand.u32 $0xFFFF0000, v7  }
0x179: {  	v15 =	vand.u32 $0x78, v11;
	v7 =	vshll.u32 v7, $0x10;
	[tilespmem:s28+$0x0] =	vst v9;
	v16 =	vmul.f32 v8, v4  }
0x17a: {  	v9 =	vand.u32 $0x7, v11;
	v11 =	vadd.s32 v6, v15;
	v8 =	vld [tilespmem:s23+$0x0];
	[tilespmem:s28+$0x10] =	vst v12;
	v12 =	vmul.f32 v7, v4;
	v4 =	vmovc v1  }
.Ltmp9:
0x17b: {  	v9 =	vor.u32 v9, v11;
	v1 =	vmovc v2;
	v2 =	vmovc v3;
	v3 =	vmov v5;
	v7 =	vshll.u32 v10, $0x10;
	[tilespmem:s10+$0x30] =	vst v16;
	(pc) =	sbr.rel @p0 .LBB2_15-.Ltmp9, $4  }
0x17c: {  	s8 =	sadd.s32 $0x90, s8;
	v15 =	vand.u32 $0xFFFF0000, v10;
	v10 =	vmul.f32 v7, v3;
	v7 =	vld [tilespmem:s19+$0x10];
	[tilespmem:s10+$0x20] =	vst v12;
	s10 =	smov.u32 s28;
	s28 =	smov.u32 s11  }
0x17d: {  	v12 =	vmul.f32 v15, v3;
	v5 =	vmov v14;
	s11 =	smov.u32 s14;
	s14 =	smov.u32 s6;
	s6 =	smov.u32 s8;
	[tilespmem:s8+$0x40] =	vst v14;
	v11 =	vshll.u32 v13, $0x10  }
0x17e: {  	s21 =	sadd.s32 $0x40, s21;
	s19 =	smov.u32 s23;
	s23 =	smov.u32 s7;
	v13 =	vand.u32 $0xFFFF0000, v13;
	[tilespmem:s14+$0xFFFFFFC0] =	vst v10;
	v11 =	vmul.f32 v11, v2  }
0x17f: {  	s22 =	sadd.s32 $0x1, s22;
	s7 =	smov.u32 s1;
	s1 =	smov.u32 s21;
	v10 =	vld [tilespmem:s21+$0xFFFFFFE0];
	[tilespmem:s14+$0xFFFFFFD0] =	vst v12;
	v12 =	vmul.f32 v13, v2;
	v13 =	vshll.u32 v8, $0x10  }
0x180: {  	_ =	sdelay $0x3  }
0x181: {  	v6 =	vld.idx.msk [tilespmem:v9+s16+$0x0], $0xffff;
	_ =	sdelay $0x3  }
0x182: {  	s8 =	sadd.s32 $0x90, s8  }
0x183: {  	s21 =	sadd.s32 $0x40, s21;
	[tilespmem:s8+$0x40] =	vst v6  }
0x184: {  	v9 =	vld [tilespmem:s21+$0xFFFFFFE0];
	_ =	sdelay $0x2  }
0x185: {  	v14 =	vshll.u32 v10, $0x10  }
0x186: {  	v10 =	vand.u32 $0xFFFF0000, v10;
	v14 =	vmul.f32 v14, v5  }
0x187: {  	v10 =	vmul.f32 v10, v5;
	v15 =	vshll.u32 v9, $0x10  }
0x188: {  	[tilespmem:s6+$0xFFFFFFC0] =	vst v14;
	v14 =	vld [tilespmem:s7+$0xFFFFFFF0];
	v9 =	vand.u32 $0xFFFF0000, v9;
	v15 =	vmul.f32 v15, v6  }
0x189: {  	[tilespmem:s6+$0xFFFFFFD0] =	vst v10;
	v9 =	vmul.f32 v9, v6  }
0x18a: {  	v10 =	vld [tilespmem:s1+$0xFFFFFFF0];
	[tilespmem:s8+$0xFFFFFFC0] =	vst v15  }
0x18b: {  	[tilespmem:s8+$0xFFFFFFD0] =	vst v9  }
0x18c: {  	[tilespmem:s11+$0xFFFFFFE0] =	vst v11;
	v8 =	vand.u32 $0xFFFF0000, v8;
	v9 =	vmul.f32 v13, v1;
	v11 =	vld [tilespmem:s21+$0xFFFFFFF0]  }
0x18d: {  	[tilespmem:s11+$0xFFFFFFF0] =	vst v12;
	v8 =	vmul.f32 v8, v1;
	v12 =	vshll.u32 v14, $0x10  }
0x18e: {  	v12 =	vmul.f32 v12, v3;
	[tilespmem:s28+$0x0] =	vst v9;
	v9 =	vand.u32 $0xFFFF0000, v14  }
0x18f: {  	[tilespmem:s28+$0x10] =	vst v8;
	v8 =	vmul.f32 v9, v3;
	v9 =	vshll.u32 v10, $0x10  }
0x190: {  	v13 =	vld [tilespmem:s23+$0x0];
	[tilespmem:s14+$0xFFFFFFE0] =	vst v12;
	v10 =	vand.u32 $0xFFFF0000, v10;
	v9 =	vmul.f32 v9, v5  }
0x191: {  	[tilespmem:s14+$0xFFFFFFF0] =	vst v8;
	v8 =	vmul.f32 v10, v5;
	v10 =	vshll.u32 v11, $0x10  }
0x192: {  	v12 =	vld [tilespmem:s7+$0x0];
	[tilespmem:s6+$0xFFFFFFE0] =	vst v9;
	v9 =	vand.u32 $0xFFFF0000, v11;
	v10 =	vmul.f32 v10, v6  }
0x193: {  	v11 =	vand.u32 $0xFFFF0000, v7;
	[tilespmem:s6+$0xFFFFFFF0] =	vst v8;
	v8 =	vmul.f32 v9, v6  }
0x194: {  	v7 =	vshll.u32 v7, $0x10;
	v9 =	vmul.f32 v11, v4;
	v11 =	vld [tilespmem:s1+$0x0];
	[tilespmem:s8+$0xFFFFFFE0] =	vst v10  }
0x195: {  	v4 =	vmul.f32 v7, v4;
	v7 =	vshll.u32 v13, $0x10;
	[tilespmem:s8+$0xFFFFFFF0] =	vst v8  }
0x196: {  	v7 =	vmul.f32 v7, v2;
	[tilespmem:s10+$0x30] =	vst v9;
	v8 =	vand.u32 $0xFFFF0000, v13;
	v9 =	vld [tilespmem:s21+$0x0]  }
0x197: {  	[tilespmem:s10+$0x20] =	vst v4;
	v4 =	vmul.f32 v8, v2;
	v8 =	vshll.u32 v12, $0x10  }
0x198: {  	v10 =	vld [tilespmem:s19+$0x10];
	[tilespmem:s11+$0x0] =	vst v7;
	v7 =	vand.u32 $0xFFFF0000, v12;
	v8 =	vmul.f32 v8, v3  }
0x199: {  	[tilespmem:s11+$0x10] =	vst v4;
	v4 =	vmul.f32 v7, v3;
	v7 =	vshll.u32 v11, $0x10  }
0x19a: {  	v12 =	vld [tilespmem:s23+$0x10];
	[tilespmem:s14+$0x0] =	vst v8;
	v8 =	vand.u32 $0xFFFF0000, v11;
	v7 =	vmul.f32 v7, v5  }
0x19b: {  	[tilespmem:s14+$0x10] =	vst v4;
	v4 =	vmul.f32 v8, v5;
	v8 =	vshll.u32 v9, $0x10  }
0x19c: {  	v11 =	vld [tilespmem:s7+$0x10];
	[tilespmem:s6+$0x0] =	vst v7;
	v7 =	vand.u32 $0xFFFF0000, v9;
	v8 =	vmul.f32 v8, v6  }
0x19d: {  	v9 =	vand.u32 $0xFFFF0000, v10;
	[tilespmem:s6+$0x10] =	vst v4;
	v4 =	vmul.f32 v7, v6  }
0x19e: {  	v7 =	vshll.u32 v10, $0x10;
	v9 =	vmul.f32 v9, v1;
	v10 =	vld [tilespmem:s1+$0x10];
	[tilespmem:s8+$0x0] =	vst v8  }
0x19f: {  	v1 =	vmul.f32 v7, v1;
	v7 =	vand.u32 $0xFFFF0000, v12;
	[tilespmem:s8+$0x10] =	vst v4  }
0x1a0: {  	[tilespmem:s28+$0x30] =	vst v9;
	v4 =	vshll.u32 v12, $0x10;
	v7 =	vmul.f32 v7, v2;
	v8 =	vld [tilespmem:s21+$0x10]  }
0x1a1: {  	[tilespmem:s28+$0x20] =	vst v1;
	v1 =	vmul.f32 v4, v2;
	v2 =	vand.u32 $0xFFFF0000, v11  }
0x1a2: {  	v4 =	vshll.u32 v11, $0x10;
	[tilespmem:s11+$0x30] =	vst v7;
	v2 =	vmul.f32 v2, v3  }
0x1a3: {  	[tilespmem:s11+$0x20] =	vst v1;
	v1 =	vmul.f32 v4, v3;
	v3 =	vand.u32 $0xFFFF0000, v10  }
0x1a4: {  	[tilespmem:s14+$0x30] =	vst v2;
	v2 =	vshll.u32 v10, $0x10;
	v3 =	vmul.f32 v3, v5  }
0x1a5: {  	[tilespmem:s14+$0x20] =	vst v1;
	v1 =	vmul.f32 v2, v5;
	v2 =	vand.u32 $0xFFFF0000, v8  }
0x1a6: {  	[tilespmem:s6+$0x30] =	vst v3;
	v3 =	vshll.u32 v8, $0x10;
	v2 =	vmul.f32 v2, v6  }
0x1a7: {  	[tilespmem:s6+$0x20] =	vst v1;
	v1 =	vmul.f32 v3, v6  }
0x1a8: {  	p0 =	seq.s32 s12, $0x4;
	s1 =	sadd.s32 $0xA00, s13;
	[tilespmem:s8+$0x30] =	vst v2  }
0x1a9: {  	s1 =	simm.s32 @p0 $0x0;
	[tilespmem:s8+$0x20] =	vst v1;
	s8 =	simm.s32 $0x12C0  }
0x1aa: {  	[tilespmem:s8], [sflag:$0x3] =	stream.indirect.gather [hbm4b:s5+s20], $0x40, s1, s20, $0xb8;
	[tilespmem:$0x1FCF0] =	vst v63  }
0x1ab: {  	_ = 	snop  }
0x1ac: {  	[spmem:s2] =	stream.indirect.scatter.add.f32 [tilespmem:s17], [sflag:$0x5], $0x90, s25, s20, $0xb8;
	[tilespmem:$0x1FCF0] =	vst v63  }
0x1ad: {  	_ =	swait.ge [sflag:s26], $0x1400  }
0x1ae: {  	[sflag:s26] =	ssyncset.done $0x0  }
0x1af: {  	s10 =	sor.u32 $0x1, s3;
	[sflag:s26] =	ssyncadd.s32 $0xFFFFEC00  }
0x1b0: {  	s3 =	smul.u32 $0x140, s10;
	_ =	swait.ge [sflag:s0], $0x2D00  }
0x1b1: {  	[sflag:s0] =	ssyncset.done $0x0  }
0x1b2: {  	s3 =	sshra.s32 s3, $0x2;
	[sflag:s0] =	ssyncadd.s32 $0xFFFFD300  }
0x1b3: {  	v1 =	vld [tilespmem:s3+$0xFA0];
	_ =	sdelay $0x4  }
0x1b4: {  	[tilespmem:$0x9D10] =	vst v1  }
0x1b5: {  	v1 =	vld [tilespmem:s3+$0xFB0];
	_ =	sdelay $0x4  }
0x1b6: {  	[tilespmem:$0x9D20] =	vst v1  }
0x1b7: {  	v1 =	vld [tilespmem:s3+$0xFC0];
	_ =	sdelay $0x4  }
0x1b8: {  	[tilespmem:$0x9D30] =	vst v1  }
0x1b9: {  	v2 =	vmov s10;
	v1 =	vld [tilespmem:s3+$0xFD0]  }
0x1ba: {  	v2 =	vmul.u32 $0x50, v2;
	_ =	sdelay $0x1  }
0x1bb: {  	s11 =	simm.s32 $0x0;
	v2 =	vadd.s32 $0x320, v2  }
0x1bc: {  	v6 =	vbroadcast v2, $0x0;
	v2 =	vmov s11  }
0x1bd: {  	[tilespmem:$0x9D40] =	vst v1;
	v1 =	vand.u32 $0x78, v2  }
0x1be: {  	v2 =	vand.u32 $0x7, v2;
	v3 =	vld [tilespmem:s3+$0xFE0];
	v1 =	vadd.s32 v6, v1  }
0x1bf: {  	v1 =	vor.u32 v2, v1;
	_ =	sdelay $0x3  }
0x1c0: {  	s14 =	simm.s32 $0x1;
	[tilespmem:$0x9D50] =	vst v3  }
0x1c1: {  	v2 =	vmov s14;
	v4 =	vld.idx.msk [tilespmem:v1+s16+$0x0], $0xffff  }
0x1c2: {  	v1 =	vand.u32 $0x78, v2  }
0x1c3: {  	v2 =	vand.u32 $0x7, v2;
	v1 =	vadd.s32 v6, v1  }
0x1c4: {  	v1 =	vor.u32 v2, v1  }
0x1c5: {  	s10 =	simm.s32 $0x6800  }
0x1c6: {  	s1 =	simm.s32 $0x26E0;
	[tilespmem:s10+$0x40] =	vst v4  }
0x1c7: {  	s19 =	simm.s32 $0x2;
	v2 =	vld [tilespmem:s1+$0xFFFFFFE0]  }
0x1c8: {  	v3 =	vmov s19  }
0x1c9: {  	v5 =	vand.u32 $0x78, v3;
	v1 =	vld.idx.msk [tilespmem:v1+s16+$0x0], $0xffff  }
0x1ca: {  	v3 =	vand.u32 $0x7, v3;
	v5 =	vadd.s32 v6, v5  }
0x1cb: {  	v3 =	vor.u32 v3, v5  }
0x1cc: {  	v5 =	vshll.u32 v2, $0x10  }
0x1cd: {  	s3 =	simm.s32 $0x6890;
	v2 =	vand.u32 $0xFFFF0000, v2;
	v5 =	vmul.f32 v5, v4  }
0x1ce: {  	s19 =	simm.s32 $0x2720;
	[tilespmem:s3+$0x40] =	vst v1;
	v2 =	vmul.f32 v2, v4  }
0x1cf: {  	s21 =	simm.s32 $0x3;
	v7 =	vld [tilespmem:s19+$0xFFFFFFE0];
	[tilespmem:s10+$0xFFFFFFC0] =	vst v5  }
0x1d0: {  	v5 =	vmov s21;
	[tilespmem:s10+$0xFFFFFFD0] =	vst v2;
	v2 =	vld.idx.msk [tilespmem:v3+s16+$0x0], $0xffff  }
0x1d1: {  	v3 =	vand.u32 $0x78, v5;
	v8 =	vld [tilespmem:s1+$0xFFFFFFF0]  }
0x1d2: {  	v5 =	vand.u32 $0x7, v5;
	v3 =	vadd.s32 v6, v3  }
0x1d3: {  	v3 =	vor.u32 v5, v3  }
0x1d4: {  	v5 =	vshll.u32 v7, $0x10  }
0x1d5: {  	s11 =	simm.s32 $0x6920;
	v7 =	vand.u32 $0xFFFF0000, v7;
	v5 =	vmul.f32 v5, v1  }
0x1d6: {  	s23 =	simm.s32 $0x2760;
	[tilespmem:s11+$0x40] =	vst v2;
	v7 =	vmul.f32 v7, v1;
	v9 =	vshll.u32 v8, $0x10  }
0x1d7: {  	v8 =	vand.u32 $0xFFFF0000, v8;
	[tilespmem:s3+$0xFFFFFFC0] =	vst v5;
	v5 =	vld [tilespmem:s23+$0xFFFFFFE0];
	v9 =	vmul.f32 v9, v4  }
0x1d8: {  	s22 =	simm.s32 $0x4;
	[tilespmem:s3+$0xFFFFFFD0] =	vst v7;
	v7 =	vmul.f32 v8, v4;
	v3 =	vld.idx.msk [tilespmem:v3+s16+$0x0], $0xffff  }
0x1d9: {  	v8 =	vmov s22;
	v10 =	vld [tilespmem:s19+$0xFFFFFFF0];
	[tilespmem:s10+$0xFFFFFFE0] =	vst v9  }
0x1da: {  	v9 =	vand.u32 $0x78, v8;
	[tilespmem:s10+$0xFFFFFFF0] =	vst v7  }
0x1db: {  	v7 =	vand.u32 $0x7, v8;
	v8 =	vadd.s32 v6, v9;
	v9 =	vld [tilespmem:s1+$0x0]  }
0x1dc: {  	v7 =	vor.u32 v7, v8;
	v8 =	vshll.u32 v5, $0x10  }
0x1dd: {  	s14 =	simm.s32 $0x69B0;
	v5 =	vand.u32 $0xFFFF0000, v5;
	v8 =	vmul.f32 v8, v2  }
0x1de: {  	s7 =	simm.s32 $0x27A0;
	[tilespmem:s14+$0x40] =	vst v3;
	v5 =	vmul.f32 v5, v2;
	v11 =	vshll.u32 v10, $0x10  }
0x1df: {  	[tilespmem:s11+$0xFFFFFFC0] =	vst v8;
	v8 =	vand.u32 $0xFFFF0000, v10;
	v10 =	vmul.f32 v11, v1;
	v11 =	vld [tilespmem:s7+$0xFFFFFFE0]  }
0x1e0: {  	[tilespmem:s11+$0xFFFFFFD0] =	vst v5;
	v12 =	vshll.u32 v9, $0x10;
	v8 =	vmul.f32 v8, v1  }
0x1e1: {  	v5 =	vld.idx.msk [tilespmem:v7+s16+$0x0], $0xffff;
	v7 =	vand.u32 $0xFFFF0000, v9;
	v9 =	vmul.f32 v12, v4;
	[tilespmem:s3+$0xFFFFFFE0] =	vst v10  }
0x1e2: {  	s28 =	simm.s32 $0x5;
	v7 =	vmul.f32 v7, v4;
	[tilespmem:s3+$0xFFFFFFF0] =	vst v8  }
0x1e3: {  	v12 =	vmov s28;
	v10 =	vld [tilespmem:s23+$0xFFFFFFF0];
	[tilespmem:s10+$0x0] =	vst v9  }
0x1e4: {  	v13 =	vand.u32 $0x78, v12;
	[tilespmem:s10+$0x10] =	vst v7;
	v9 =	vshll.u32 v11, $0x10;
	v7 =	vand.u32 $0xFFFF0000, v11  }
0x1e5: {  	v8 =	vld [tilespmem:s19+$0x0];
	v11 =	vmul.f32 v9, v3;
	v9 =	vand.u32 $0x7, v12;
	v12 =	vadd.s32 v6, v13  }
0x1e6: {  	v9 =	vor.u32 v9, v12  }
0x1e7: {  	s8 =	simm.s32 $0x6A40;
	v13 =	vmul.f32 v7, v3;
	v7 =	vld [tilespmem:s1+$0x10]  }
0x1e8: {  	[tilespmem:s8+$0x40] =	vst v5;
	v12 =	vshll.u32 v10, $0x10  }
0x1e9: {  	s21 =	simm.s32 $0x27E0;
	v14 =	vand.u32 $0xFFFF0000, v10;
	[tilespmem:s14+$0xFFFFFFC0] =	vst v11;
	v11 =	vmul.f32 v12, v2  }
0x1ea: {  	s6 =	simm.s32 $0x6A40;
	s22 =	simm.s32 $0x6;
	s1 =	simm.s32 $0x27E0;
	v10 =	vld [tilespmem:s21+$0xFFFFFFE0];
	[tilespmem:s14+$0xFFFFFFD0] =	vst v13;
	v12 =	vmul.f32 v14, v2;
	v13 =	vshll.u32 v8, $0x10  }
.LBB2_17:
0x1eb: {  	p1 =	sne.s32 s22, $0x4F;
	v14 =	vld.idx.msk [tilespmem:v9+s16+$0x0], $0xffff;
	[tilespmem:s11+$0xFFFFFFE0] =	vst v11;
	v8 =	vand.u32 $0xFFFF0000, v8;
	v9 =	vmul.f32 v13, v1  }
0x1ec: {  	v11 =	vmov s22;
	v13 =	vld [tilespmem:s7+$0xFFFFFFF0];
	[tilespmem:s11+$0xFFFFFFF0] =	vst v12;
	v12 =	vmul.f32 v8, v1;
	v8 =	vand.u32 $0xFFFF0000, v7  }
0x1ed: {  	v15 =	vand.u32 $0x78, v11;
	v7 =	vshll.u32 v7, $0x10;
	[tilespmem:s3+$0x0] =	vst v9;
	v16 =	vmul.f32 v8, v4  }
0x1ee: {  	v9 =	vand.u32 $0x7, v11;
	v11 =	vadd.s32 v6, v15;
	v8 =	vld [tilespmem:s23+$0x0];
	[tilespmem:s3+$0x10] =	vst v12;
	v12 =	vmul.f32 v7, v4;
	v4 =	vmovc v1  }
.Ltmp10:
0x1ef: {  	v9 =	vor.u32 v9, v11;
	v1 =	vmovc v2;
	v2 =	vmovc v3;
	v3 =	vmov v5;
	v7 =	vshll.u32 v10, $0x10;
	[tilespmem:s10+$0x30] =	vst v16;
	(pc) =	sbr.rel @p1 .LBB2_17-.Ltmp10, $4  }
0x1f0: {  	s8 =	sadd.s32 $0x90, s8;
	v15 =	vand.u32 $0xFFFF0000, v10;
	v10 =	vmul.f32 v7, v3;
	v7 =	vld [tilespmem:s19+$0x10];
	[tilespmem:s10+$0x20] =	vst v12;
	s10 =	smov.u32 s3;
	s3 =	smov.u32 s11  }
0x1f1: {  	v12 =	vmul.f32 v15, v3;
	v5 =	vmov v14;
	s11 =	smov.u32 s14;
	s14 =	smov.u32 s6;
	s6 =	smov.u32 s8;
	[tilespmem:s8+$0x40] =	vst v14;
	v11 =	vshll.u32 v13, $0x10  }
0x1f2: {  	s21 =	sadd.s32 $0x40, s21;
	s19 =	smov.u32 s23;
	s23 =	smov.u32 s7;
	v13 =	vand.u32 $0xFFFF0000, v13;
	[tilespmem:s14+$0xFFFFFFC0] =	vst v10;
	v11 =	vmul.f32 v11, v2  }
0x1f3: {  	s22 =	sadd.s32 $0x1, s22;
	s7 =	smov.u32 s1;
	s1 =	smov.u32 s21;
	v10 =	vld [tilespmem:s21+$0xFFFFFFE0];
	[tilespmem:s14+$0xFFFFFFD0] =	vst v12;
	v12 =	vmul.f32 v13, v2;
	v13 =	vshll.u32 v8, $0x10  }
0x1f4: {  	_ =	sdelay $0x3  }
0x1f5: {  	v6 =	vld.idx.msk [tilespmem:v9+s16+$0x0], $0xffff;
	_ =	sdelay $0x3  }
0x1f6: {  	s8 =	sadd.s32 $0x90, s8  }
0x1f7: {  	s21 =	sadd.s32 $0x40, s21;
	[tilespmem:s8+$0x40] =	vst v6  }
0x1f8: {  	v26 =	vld [tilespmem:s21+$0xFFFFFFE0];
	_ =	sdelay $0x2  }
0x1f9: {  	v14 =	vshll.u32 v10, $0x10  }
0x1fa: {  	v27 =	vand.u32 $0xFFFF0000, v10;
	v14 =	vmul.f32 v14, v5  }
0x1fb: {  	v10 =	vmul.f32 v27, v5;
	v15 =	vshll.u32 v26, $0x10  }
0x1fc: {  	v28 =	vld [tilespmem:s7+$0xFFFFFFF0];
	[tilespmem:s6+$0xFFFFFFC0] =	vst v14;
	v9 =	vand.u32 $0xFFFF0000, v26;
	v15 =	vmul.f32 v15, v6  }
0x1fd: {  	[tilespmem:s6+$0xFFFFFFD0] =	vst v10;
	v9 =	vmul.f32 v9, v6  }
0x1fe: {  	v10 =	vld [tilespmem:s1+$0xFFFFFFF0];
	[tilespmem:s8+$0xFFFFFFC0] =	vst v15  }
0x1ff: {  	[tilespmem:s8+$0xFFFFFFD0] =	vst v9  }
0x200: {  	[tilespmem:s11+$0xFFFFFFE0] =	vst v11;
	v8 =	vand.u32 $0xFFFF0000, v8;
	v29 =	vmul.f32 v13, v1;
	v30 =	vld [tilespmem:s21+$0xFFFFFFF0]  }
0x201: {  	[tilespmem:s11+$0xFFFFFFF0] =	vst v12;
	v8 =	vmul.f32 v8, v1;
	v31 =	vshll.u32 v28, $0x10  }
0x202: {  	[tilespmem:s3+$0x0] =	vst v29;
	v35 =	vld [tilespmem:s23+$0x0];
	v32 =	vand.u32 $0xFFFF0000, v28;
	v12 =	vmul.f32 v31, v3  }
0x203: {  	[tilespmem:s3+$0x10] =	vst v8;
	v33 =	vmul.f32 v32, v3;
	v34 =	vshll.u32 v10, $0x10  }
0x204: {  	[tilespmem:s14+$0xFFFFFFE0] =	vst v12;
	v10 =	vand.u32 $0xFFFF0000, v10;
	v9 =	vmul.f32 v34, v5  }
0x205: {  	[tilespmem:s14+$0xFFFFFFF0] =	vst v33;
	v36 =	vmul.f32 v10, v5;
	v37 =	vshll.u32 v30, $0x10  }
0x206: {  	v38 =	vld [tilespmem:s7+$0x0];
	[tilespmem:s6+$0xFFFFFFE0] =	vst v9;
	v11 =	vand.u32 $0xFFFF0000, v30;
	v10 =	vmul.f32 v37, v6  }
0x207: {  	v39 =	vand.u32 $0xFFFF0000, v7;
	v43 =	vshll.u32 v35, $0x10;
	[tilespmem:s6+$0xFFFFFFF0] =	vst v36;
	v11 =	vmul.f32 v11, v6  }
0x208: {  	v40 =	vshll.u32 v7, $0x10;
	v44 =	vand.u32 $0xFFFF0000, v35;
	v7 =	vmul.f32 v43, v2;
	v41 =	vld [tilespmem:s1+$0x0];
	[tilespmem:s8+$0xFFFFFFE0] =	vst v10  }
0x209: {  	v45 =	vmul.f32 v44, v2;
	[tilespmem:s8+$0xFFFFFFF0] =	vst v11  }
0x20a: {  	v8 =	vmul.f32 v39, v4;
	[tilespmem:s11+$0x0] =	vst v7;
	v11 =	vld [tilespmem:s21+$0x0]  }
0x20b: {  	v42 =	vmul.f32 v40, v4;
	[tilespmem:s11+$0x10] =	vst v45;
	v46 =	vshll.u32 v38, $0x10  }
0x20c: {  	[tilespmem:s10+$0x30] =	vst v8;
	v51 =	vld [tilespmem:s23+$0x10];
	v48 =	vand.u32 $0xFFFF0000, v38;
	v8 =	vmul.f32 v46, v3  }
0x20d: {  	[tilespmem:s10+$0x20] =	vst v42;
	v47 =	vld [tilespmem:s19+$0x10];
	v49 =	vmul.f32 v48, v3;
	v50 =	vshll.u32 v41, $0x10  }
0x20e: {  	[tilespmem:s14+$0x0] =	vst v8;
	v52 =	vand.u32 $0xFFFF0000, v41;
	v7 =	vmul.f32 v50, v5  }
0x20f: {  	[tilespmem:s14+$0x10] =	vst v49;
	v53 =	vmul.f32 v52, v5;
	v54 =	vshll.u32 v11, $0x10  }
0x210: {  	v55 =	vld [tilespmem:s7+$0x10];
	[tilespmem:s6+$0x0] =	vst v7;
	v56 =	vand.u32 $0xFFFF0000, v11;
	v8 =	vmul.f32 v54, v6  }
0x211: {  	v61 =	vand.u32 $0xFFFF0000, v51;
	[tilespmem:s6+$0x10] =	vst v53;
	v58 =	vmul.f32 v56, v6  }
0x212: {  	v57 =	vand.u32 $0xFFFF0000, v47;
	v59 =	vshll.u32 v47, $0x10;
	v7 =	vmul.f32 v61, v2;
	v60 =	vld [tilespmem:s1+$0x10];
	[tilespmem:s8+$0x0] =	vst v8  }
0x213: {  	v11 =	vmul.f32 v57, v1;
	v1 =	vmul.f32 v59, v1;
	[tilespmem:s8+$0x10] =	vst v58  }
0x214: {  	v62 =	vshll.u32 v51, $0x10;
	[tilespmem:s11+$0x30] =	vst v7;
	v8 =	vld [tilespmem:s21+$0x10]  }
0x215: {  	[tilespmem:s3+$0x20] =	vst v1;
	v1 =	vmul.f32 v62, v2;
	v2 =	vand.u32 $0xFFFF0000, v55  }
0x216: {  	v63 =	vshll.u32 v55, $0x10;
	[tilespmem:s3+$0x30] =	vst v11;
	v2 =	vmul.f32 v2, v3  }
0x217: {  	[tilespmem:s11+$0x20] =	vst v1;
	v1 =	vmul.f32 v63, v3;
	v3 =	vand.u32 $0xFFFF0000, v60  }
0x218: {  	[tilespmem:s14+$0x30] =	vst v2;
	v2 =	vshll.u32 v60, $0x10;
	v3 =	vmul.f32 v3, v5  }
.Ltmp11:
0x219: {  	[tilespmem:s14+$0x20] =	vst v1;
	v1 =	vmul.f32 v2, v5;
	v2 =	vand.u32 $0xFFFF0000, v8;
	(pc) =	sbr.rel @p0 .LBB2_20-.Ltmp11, $4  }
0x21a: {  	[tilespmem:s6+$0x30] =	vst v3;
	v3 =	vshll.u32 v8, $0x10;
	v2 =	vmul.f32 v2, v6  }
0x21b: {  	[tilespmem:s6+$0x20] =	vst v1;
	v1 =	vmul.f32 v3, v6  }
0x21c: {  	[tilespmem:s8+$0x30] =	vst v2  }
0x21d: {  	[tilespmem:s8+$0x20] =	vst v1  }
.Ltmp12:
0x21e: {  	(pc) =	sbr.rel .LBB2_14-.Ltmp12, $4  }
0x21f: {  	s1 =	sadd.s32 $0xA50, s13;
	s3 =	simm.s32 $0x26C0  }
0x220: {  	[tilespmem:s3], [sflag:$0x4] =	stream.indirect.gather [hbm4b:s5+s20], $0x40, s1, s20, $0xb8;
	[tilespmem:$0x1FCF0] =	vst v63  }
0x221: {  	s12 =	sadd.s32 $0x1, s12  }
0x222: {  	[spmem:s2] =	stream.indirect.scatter.add.f32 [tilespmem:s30], [sflag:$0x6], $0x90, s29, s20, $0xb8;
	[tilespmem:$0x1FCF0] =	vst v63  }
.LBB2_20:
0x223: {  	p0 =	seq.s32 s15, $0xB  }
.Ltmp13:
0x224: {  	_ = 	snop;
	(pc) =	sbr.rel @p0 .LBB2_21-.Ltmp13, $4  }
0x225: {  	s1 =	simm.s32 $0x26C0  }
0x226: {  	[tilespmem:s1], [sflag:$0x4] =	stream.indirect.gather [hbm4b:s5+s20], $0x40, s20, s20, $0xb8;
	[tilespmem:$0x1FCF0] =	vst v63  }
0x227: {  	s9 =	simm.s32 $0x0  }
0x228: {  	[spmem:s2] =	stream.indirect.scatter.add.f32 [tilespmem:s30], [sflag:$0x6], $0x90, s29, s20, $0xb8;
	[tilespmem:$0x1FCF0] =	vst v63  }
0x229: {  	s1 =	rddreg [dreg:$0x9]  }
.Ltmp14:
0x22a: {  	s3 =	rddreg [dreg:$0xf];
	(pc) =	sbr.rel .LBB2_6-.Ltmp14, $4  }
0x22b: {  	s1 =	sadd.s32 s3, s1  }
0x22c: {  	s28 =	rddreg [dreg:$0x4];
	s1 =	sshrl.u32 s1, $0x3  }
0x22d: {  	s15 =	sadd.s32 $0x1, s15;
	s1 =	sadd.s32 s28, s1  }
0x22e: {  	[tilespmem:s16], [sflag:$0x2] =	stream.linear.gather [hbm4b:s1+s4], $0x960, $0x38;
	[tilespmem:$0x1FCF0] =	vst v63  }
.LBB2_21:
0x22f: {  	s7 =	simm.s32 $0x0  }
.LBB2_22:
0x230: {  	_ =	swait.ge [sflag:s24], $0x1400  }
0x231: {  	[sflag:s24] =	ssyncset.done $0x0  }
0x232: {  	[sflag:s24] =	ssyncadd.s32 $0xFFFFEC00  }
0x233: {  	s1 =	smul.u32 $0x280, s7;
	_ =	swait.ge [sflag:s31], $0x2D00  }
0x234: {  	[sflag:s31] =	ssyncset.done $0x0  }
0x235: {  	s12 =	sshra.s32 s1, $0x2;
	[sflag:s31] =	ssyncadd.s32 $0xFFFFD300  }
0x236: {  	v1 =	vld [tilespmem:s12+$0x640];
	_ =	sdelay $0x4  }
0x237: {  	[tilespmem:$0x9CC0] =	vst v1  }
0x238: {  	v1 =	vld [tilespmem:s12+$0x650];
	_ =	sdelay $0x4  }
0x239: {  	[tilespmem:$0x9CD0] =	vst v1  }
0x23a: {  	v1 =	vld [tilespmem:s12+$0x660];
	_ =	sdelay $0x4  }
0x23b: {  	s13 =	sshll.u32 s7, $0x1;
	[tilespmem:$0x9CE0] =	vst v1  }
0x23c: {  	v2 =	vmov s13;
	v1 =	vld [tilespmem:s12+$0x670]  }
0x23d: {  	v2 =	vmul.u32 $0x50, v2;
	_ =	sdelay $0x1  }
0x23e: {  	v2 =	vadd.s32 $0x320, v2  }
0x23f: {  	v6 =	vbroadcast v2, $0x0;
	v2 =	vmov s9  }
0x240: {  	[tilespmem:$0x9CF0] =	vst v1;
	v1 =	vand.u32 $0x78, v2  }
0x241: {  	v2 =	vand.u32 $0x7, v2;
	v3 =	vld [tilespmem:s12+$0x680];
	v1 =	vadd.s32 v6, v1  }
0x242: {  	v1 =	vor.u32 v2, v1;
	_ =	sdelay $0x3  }
0x243: {  	s21 =	simm.s32 $0x1;
	[tilespmem:$0x9D00] =	vst v3  }
0x244: {  	v2 =	vmov s21;
	v4 =	vld.idx.msk [tilespmem:v1+s4+$0x0], $0xffff  }
0x245: {  	v1 =	vand.u32 $0x78, v2  }
0x246: {  	v2 =	vand.u32 $0x7, v2;
	v1 =	vadd.s32 v6, v1  }
0x247: {  	v1 =	vor.u32 v2, v1  }
0x248: {  	s10 =	simm.s32 $0x3B00  }
0x249: {  	s22 =	simm.s32 $0x12E0;
	[tilespmem:s10+$0x40] =	vst v4  }
0x24a: {  	s3 =	simm.s32 $0x2;
	v2 =	vld [tilespmem:s22+$0xFFFFFFE0]  }
0x24b: {  	v3 =	vmov s3  }
0x24c: {  	v5 =	vand.u32 $0x78, v3;
	v1 =	vld.idx.msk [tilespmem:v1+s4+$0x0], $0xffff  }
0x24d: {  	v3 =	vand.u32 $0x7, v3;
	v5 =	vadd.s32 v6, v5  }
0x24e: {  	v3 =	vor.u32 v3, v5  }
0x24f: {  	v5 =	vshll.u32 v2, $0x10  }
0x250: {  	s3 =	simm.s32 $0x3B90;
	v2 =	vand.u32 $0xFFFF0000, v2;
	v5 =	vmul.f32 v5, v4  }
0x251: {  	s19 =	simm.s32 $0x1320;
	[tilespmem:s3+$0x40] =	vst v1;
	v2 =	vmul.f32 v2, v4  }
0x252: {  	s6 =	simm.s32 $0x3;
	v7 =	vld [tilespmem:s19+$0xFFFFFFE0];
	[tilespmem:s10+$0xFFFFFFC0] =	vst v5  }
0x253: {  	v5 =	vmov s6;
	[tilespmem:s10+$0xFFFFFFD0] =	vst v2;
	v2 =	vld.idx.msk [tilespmem:v3+s4+$0x0], $0xffff  }
0x254: {  	v3 =	vand.u32 $0x78, v5;
	v8 =	vld [tilespmem:s22+$0xFFFFFFF0]  }
0x255: {  	v5 =	vand.u32 $0x7, v5;
	v3 =	vadd.s32 v6, v3  }
0x256: {  	v3 =	vor.u32 v5, v3  }
0x257: {  	v5 =	vshll.u32 v7, $0x10  }
0x258: {  	s11 =	simm.s32 $0x3C20;
	v7 =	vand.u32 $0xFFFF0000, v7;
	v5 =	vmul.f32 v5, v1  }
0x259: {  	s15 =	simm.s32 $0x1360;
	[tilespmem:s11+$0x40] =	vst v2;
	v7 =	vmul.f32 v7, v1;
	v9 =	vshll.u32 v8, $0x10  }
0x25a: {  	v8 =	vand.u32 $0xFFFF0000, v8;
	[tilespmem:s3+$0xFFFFFFC0] =	vst v5;
	v5 =	vld [tilespmem:s15+$0xFFFFFFE0];
	v9 =	vmul.f32 v9, v4  }
0x25b: {  	s23 =	simm.s32 $0x4;
	[tilespmem:s3+$0xFFFFFFD0] =	vst v7;
	v7 =	vmul.f32 v8, v4;
	v3 =	vld.idx.msk [tilespmem:v3+s4+$0x0], $0xffff  }
0x25c: {  	v8 =	vmov s23;
	v10 =	vld [tilespmem:s19+$0xFFFFFFF0];
	[tilespmem:s10+$0xFFFFFFE0] =	vst v9  }
0x25d: {  	v9 =	vand.u32 $0x78, v8;
	[tilespmem:s10+$0xFFFFFFF0] =	vst v7  }
0x25e: {  	v7 =	vand.u32 $0x7, v8;
	v8 =	vadd.s32 v6, v9;
	v9 =	vld [tilespmem:s22+$0x0]  }
0x25f: {  	v7 =	vor.u32 v7, v8;
	v8 =	vshll.u32 v5, $0x10  }
0x260: {  	s14 =	simm.s32 $0x3CB0;
	v5 =	vand.u32 $0xFFFF0000, v5;
	v8 =	vmul.f32 v8, v2  }
0x261: {  	s23 =	simm.s32 $0x13A0;
	[tilespmem:s14+$0x40] =	vst v3;
	v5 =	vmul.f32 v5, v2;
	v11 =	vshll.u32 v10, $0x10  }
0x262: {  	[tilespmem:s11+$0xFFFFFFC0] =	vst v8;
	v8 =	vand.u32 $0xFFFF0000, v10;
	v10 =	vmul.f32 v11, v1;
	v11 =	vld [tilespmem:s23+$0xFFFFFFE0]  }
0x263: {  	[tilespmem:s11+$0xFFFFFFD0] =	vst v5;
	v12 =	vshll.u32 v9, $0x10;
	v8 =	vmul.f32 v8, v1  }
0x264: {  	v5 =	vld.idx.msk [tilespmem:v7+s4+$0x0], $0xffff;
	v7 =	vand.u32 $0xFFFF0000, v9;
	v9 =	vmul.f32 v12, v4;
	[tilespmem:s3+$0xFFFFFFE0] =	vst v10  }
0x265: {  	s28 =	simm.s32 $0x5;
	v7 =	vmul.f32 v7, v4;
	[tilespmem:s3+$0xFFFFFFF0] =	vst v8  }
0x266: {  	v12 =	vmov s28;
	v10 =	vld [tilespmem:s15+$0xFFFFFFF0];
	[tilespmem:s10+$0x0] =	vst v9  }
0x267: {  	v13 =	vand.u32 $0x78, v12;
	[tilespmem:s10+$0x10] =	vst v7;
	v9 =	vshll.u32 v11, $0x10;
	v7 =	vand.u32 $0xFFFF0000, v11  }
0x268: {  	v8 =	vld [tilespmem:s19+$0x0];
	v11 =	vmul.f32 v9, v3;
	v9 =	vand.u32 $0x7, v12;
	v12 =	vadd.s32 v6, v13  }
0x269: {  	v9 =	vor.u32 v9, v12  }
0x26a: {  	s8 =	simm.s32 $0x3D40;
	v13 =	vmul.f32 v7, v3;
	v7 =	vld [tilespmem:s22+$0x10]  }
0x26b: {  	[tilespmem:s8+$0x40] =	vst v5;
	v12 =	vshll.u32 v10, $0x10  }
0x26c: {  	s21 =	simm.s32 $0x13E0;
	v14 =	vand.u32 $0xFFFF0000, v10;
	[tilespmem:s14+$0xFFFFFFC0] =	vst v11;
	v11 =	vmul.f32 v12, v2  }
0x26d: {  	s1 =	simm.s32 $0x13E0;
	s6 =	simm.s32 $0x3D40;
	s22 =	simm.s32 $0x6;
	v10 =	vld [tilespmem:s21+$0xFFFFFFE0];
	[tilespmem:s14+$0xFFFFFFD0] =	vst v13;
	v12 =	vmul.f32 v14, v2;
	v13 =	vshll.u32 v8, $0x10  }
.LBB2_23:
0x26e: {  	p0 =	sne.s32 s22, $0x4F;
	v14 =	vld.idx.msk [tilespmem:v9+s4+$0x0], $0xffff;
	[tilespmem:s11+$0xFFFFFFE0] =	vst v11;
	v8 =	vand.u32 $0xFFFF0000, v8;
	v9 =	vmul.f32 v13, v1  }
0x26f: {  	v11 =	vmov s22;
	v13 =	vld [tilespmem:s23+$0xFFFFFFF0];
	[tilespmem:s11+$0xFFFFFFF0] =	vst v12;
	v12 =	vmul.f32 v8, v1;
	v8 =	vand.u32 $0xFFFF0000, v7  }
0x270: {  	v15 =	vand.u32 $0x78, v11;
	v7 =	vshll.u32 v7, $0x10;
	[tilespmem:s3+$0x0] =	vst v9;
	v16 =	vmul.f32 v8, v4  }
0x271: {  	v9 =	vand.u32 $0x7, v11;
	v11 =	vadd.s32 v6, v15;
	v8 =	vld [tilespmem:s15+$0x0];
	[tilespmem:s3+$0x10] =	vst v12;
	v12 =	vmul.f32 v7, v4;
	v4 =	vmovc v1  }
.Ltmp15:
0x272: {  	v9 =	vor.u32 v9, v11;
	v1 =	vmovc v2;
	v2 =	vmovc v3;
	v3 =	vmov v5;
	v7 =	vshll.u32 v10, $0x10;
	[tilespmem:s10+$0x30] =	vst v16;
	(pc) =	sbr.rel @p0 .LBB2_23-.Ltmp15, $4  }
0x273: {  	s8 =	sadd.s32 $0x90, s8;
	v15 =	vand.u32 $0xFFFF0000, v10;
	v10 =	vmul.f32 v7, v3;
	v7 =	vld [tilespmem:s19+$0x10];
	[tilespmem:s10+$0x20] =	vst v12;
	s10 =	smov.u32 s3;
	s3 =	smov.u32 s11  }
0x274: {  	v12 =	vmul.f32 v15, v3;
	v5 =	vmov v14;
	s11 =	smov.u32 s14;
	s14 =	smov.u32 s6;
	s6 =	smov.u32 s8;
	[tilespmem:s8+$0x40] =	vst v14;
	v11 =	vshll.u32 v13, $0x10  }
0x275: {  	s21 =	sadd.s32 $0x40, s21;
	s19 =	smov.u32 s15;
	s15 =	smov.u32 s23;
	v13 =	vand.u32 $0xFFFF0000, v13;
	[tilespmem:s14+$0xFFFFFFC0] =	vst v10;
	v11 =	vmul.f32 v11, v2  }
0x276: {  	s22 =	sadd.s32 $0x1, s22;
	s23 =	smov.u32 s1;
	s1 =	smov.u32 s21;
	v10 =	vld [tilespmem:s21+$0xFFFFFFE0];
	[tilespmem:s14+$0xFFFFFFD0] =	vst v12;
	v12 =	vmul.f32 v13, v2;
	v13 =	vshll.u32 v8, $0x10  }
0x277: {  	_ =	sdelay $0x3  }
0x278: {  	v6 =	vld.idx.msk [tilespmem:v9+s4+$0x0], $0xffff;
	_ =	sdelay $0x3  }
0x279: {  	s8 =	sadd.s32 $0x90, s8  }
0x27a: {  	s21 =	sadd.s32 $0x40, s21;
	[tilespmem:s8+$0x40] =	vst v6  }
0x27b: {  	v9 =	vld [tilespmem:s21+$0xFFFFFFE0];
	_ =	sdelay $0x2  }
0x27c: {  	v14 =	vshll.u32 v10, $0x10  }
0x27d: {  	v10 =	vand.u32 $0xFFFF0000, v10;
	v14 =	vmul.f32 v14, v5  }
0x27e: {  	v10 =	vmul.f32 v10, v5;
	v15 =	vshll.u32 v9, $0x10  }
0x27f: {  	[tilespmem:s6+$0xFFFFFFC0] =	vst v14;
	v14 =	vld [tilespmem:s23+$0xFFFFFFF0];
	v9 =	vand.u32 $0xFFFF0000, v9;
	v15 =	vmul.f32 v15, v6  }
0x280: {  	[tilespmem:s6+$0xFFFFFFD0] =	vst v10;
	v9 =	vmul.f32 v9, v6  }
0x281: {  	v10 =	vld [tilespmem:s1+$0xFFFFFFF0];
	[tilespmem:s8+$0xFFFFFFC0] =	vst v15  }
0x282: {  	[tilespmem:s8+$0xFFFFFFD0] =	vst v9  }
0x283: {  	[tilespmem:s11+$0xFFFFFFE0] =	vst v11;
	v8 =	vand.u32 $0xFFFF0000, v8;
	v9 =	vmul.f32 v13, v1;
	v11 =	vld [tilespmem:s21+$0xFFFFFFF0]  }
0x284: {  	[tilespmem:s11+$0xFFFFFFF0] =	vst v12;
	v8 =	vmul.f32 v8, v1;
	v12 =	vshll.u32 v14, $0x10  }
0x285: {  	v12 =	vmul.f32 v12, v3;
	[tilespmem:s3+$0x0] =	vst v9;
	v9 =	vand.u32 $0xFFFF0000, v14  }
0x286: {  	[tilespmem:s3+$0x10] =	vst v8;
	v8 =	vmul.f32 v9, v3;
	v9 =	vshll.u32 v10, $0x10  }
0x287: {  	v13 =	vld [tilespmem:s15+$0x0];
	[tilespmem:s14+$0xFFFFFFE0] =	vst v12;
	v10 =	vand.u32 $0xFFFF0000, v10;
	v9 =	vmul.f32 v9, v5  }
0x288: {  	[tilespmem:s14+$0xFFFFFFF0] =	vst v8;
	v8 =	vmul.f32 v10, v5;
	v10 =	vshll.u32 v11, $0x10  }
0x289: {  	v12 =	vld [tilespmem:s23+$0x0];
	[tilespmem:s6+$0xFFFFFFE0] =	vst v9;
	v9 =	vand.u32 $0xFFFF0000, v11;
	v10 =	vmul.f32 v10, v6  }
0x28a: {  	v11 =	vand.u32 $0xFFFF0000, v7;
	[tilespmem:s6+$0xFFFFFFF0] =	vst v8;
	v8 =	vmul.f32 v9, v6  }
0x28b: {  	v7 =	vshll.u32 v7, $0x10;
	v9 =	vmul.f32 v11, v4;
	v11 =	vld [tilespmem:s1+$0x0];
	[tilespmem:s8+$0xFFFFFFE0] =	vst v10  }
0x28c: {  	v4 =	vmul.f32 v7, v4;
	v7 =	vshll.u32 v13, $0x10;
	[tilespmem:s8+$0xFFFFFFF0] =	vst v8  }
0x28d: {  	v7 =	vmul.f32 v7, v2;
	[tilespmem:s10+$0x30] =	vst v9;
	v8 =	vand.u32 $0xFFFF0000, v13;
	v9 =	vld [tilespmem:s21+$0x0]  }
0x28e: {  	[tilespmem:s10+$0x20] =	vst v4;
	v4 =	vmul.f32 v8, v2;
	v8 =	vshll.u32 v12, $0x10  }
0x28f: {  	v10 =	vld [tilespmem:s19+$0x10];
	[tilespmem:s11+$0x0] =	vst v7;
	v7 =	vand.u32 $0xFFFF0000, v12;
	v8 =	vmul.f32 v8, v3  }
0x290: {  	[tilespmem:s11+$0x10] =	vst v4;
	v4 =	vmul.f32 v7, v3;
	v7 =	vshll.u32 v11, $0x10  }
0x291: {  	v12 =	vld [tilespmem:s15+$0x10];
	[tilespmem:s14+$0x0] =	vst v8;
	v8 =	vand.u32 $0xFFFF0000, v11;
	v7 =	vmul.f32 v7, v5  }
0x292: {  	[tilespmem:s14+$0x10] =	vst v4;
	v4 =	vmul.f32 v8, v5;
	v8 =	vshll.u32 v9, $0x10  }
0x293: {  	v11 =	vld [tilespmem:s23+$0x10];
	[tilespmem:s6+$0x0] =	vst v7;
	v7 =	vand.u32 $0xFFFF0000, v9;
	v8 =	vmul.f32 v8, v6  }
0x294: {  	v9 =	vand.u32 $0xFFFF0000, v10;
	[tilespmem:s6+$0x10] =	vst v4;
	v4 =	vmul.f32 v7, v6  }
0x295: {  	v7 =	vshll.u32 v10, $0x10;
	v9 =	vmul.f32 v9, v1;
	v10 =	vld [tilespmem:s1+$0x10];
	[tilespmem:s8+$0x0] =	vst v8  }
0x296: {  	v1 =	vmul.f32 v7, v1;
	v7 =	vand.u32 $0xFFFF0000, v12;
	[tilespmem:s8+$0x10] =	vst v4  }
0x297: {  	[tilespmem:s3+$0x30] =	vst v9;
	v4 =	vshll.u32 v12, $0x10;
	v7 =	vmul.f32 v7, v2;
	v8 =	vld [tilespmem:s21+$0x10]  }
0x298: {  	[tilespmem:s3+$0x20] =	vst v1;
	v1 =	vmul.f32 v4, v2;
	v2 =	vand.u32 $0xFFFF0000, v11  }
0x299: {  	v4 =	vshll.u32 v11, $0x10;
	[tilespmem:s11+$0x30] =	vst v7;
	v2 =	vmul.f32 v2, v3  }
0x29a: {  	[tilespmem:s11+$0x20] =	vst v1;
	v1 =	vmul.f32 v4, v3;
	v3 =	vand.u32 $0xFFFF0000, v10  }
0x29b: {  	[tilespmem:s14+$0x30] =	vst v2;
	v2 =	vshll.u32 v10, $0x10;
	v3 =	vmul.f32 v3, v5  }
0x29c: {  	[tilespmem:s14+$0x20] =	vst v1;
	v1 =	vmul.f32 v2, v5;
	v2 =	vand.u32 $0xFFFF0000, v8  }
0x29d: {  	[tilespmem:s6+$0x30] =	vst v3;
	v3 =	vshll.u32 v8, $0x10;
	v2 =	vmul.f32 v2, v6  }
0x29e: {  	[tilespmem:s6+$0x20] =	vst v1;
	v1 =	vmul.f32 v3, v6  }
0x29f: {  	p0 =	seq.s32 s7, $0x4;
	[tilespmem:s8+$0x30] =	vst v2  }
0x2a0: {  	s1 =	sadd.s32 @!p0 $0xA0, s12;
	s3 =	simm.s32 @!p0 $0x50;
	s6 =	simm.s32 @!p0 $0x12C0;
	[tilespmem:s8+$0x20] =	vst v1  }
0x2a1: {  	[tilespmem:s6], [sflag:$0x3] =	stream.indirect.gather @!p0 [hbm4b:s5+s3], $0x40, s1, s3, $0xb8;
	[tilespmem:$0x1FCF0] =	vst v63  }
0x2a2: {  	_ = 	snop  }
0x2a3: {  	[spmem:s2] =	stream.indirect.scatter.add.f32 [tilespmem:s17], [sflag:$0x5], $0x90, s25, s20, $0xb8;
	[tilespmem:$0x1FCF0] =	vst v63  }
0x2a4: {  	_ =	swait.ge [sflag:s26], $0x1400  }
0x2a5: {  	[sflag:s26] =	ssyncset.done $0x0  }
0x2a6: {  	s13 =	sor.u32 $0x1, s13;
	[sflag:s26] =	ssyncadd.s32 $0xFFFFEC00  }
0x2a7: {  	s14 =	smul.u32 $0x140, s13;
	_ =	swait.ge [sflag:s0], $0x2D00  }
0x2a8: {  	[sflag:s0] =	ssyncset.done $0x0  }
0x2a9: {  	s3 =	sshra.s32 s14, $0x2;
	[sflag:s0] =	ssyncadd.s32 $0xFFFFD300  }
0x2aa: {  	v1 =	vld [tilespmem:s3+$0x640];
	_ =	sdelay $0x4  }
0x2ab: {  	[tilespmem:$0x9D10] =	vst v1  }
0x2ac: {  	v1 =	vld [tilespmem:s3+$0x650];
	_ =	sdelay $0x4  }
0x2ad: {  	[tilespmem:$0x9D20] =	vst v1  }
0x2ae: {  	v1 =	vld [tilespmem:s3+$0x660];
	_ =	sdelay $0x4  }
0x2af: {  	[tilespmem:$0x9D30] =	vst v1  }
0x2b0: {  	v2 =	vmov s13;
	v1 =	vld [tilespmem:s3+$0x670]  }
0x2b1: {  	v2 =	vmul.u32 $0x50, v2;
	_ =	sdelay $0x1  }
0x2b2: {  	s15 =	simm.s32 $0x0;
	v2 =	vadd.s32 $0x320, v2  }
0x2b3: {  	v6 =	vbroadcast v2, $0x0;
	v2 =	vmov s15  }
0x2b4: {  	[tilespmem:$0x9D40] =	vst v1;
	v1 =	vand.u32 $0x78, v2  }
0x2b5: {  	v2 =	vand.u32 $0x7, v2;
	v3 =	vld [tilespmem:s3+$0x680];
	v1 =	vadd.s32 v6, v1  }
0x2b6: {  	v1 =	vor.u32 v2, v1;
	_ =	sdelay $0x3  }
0x2b7: {  	s19 =	simm.s32 $0x1;
	[tilespmem:$0x9D50] =	vst v3  }
0x2b8: {  	v2 =	vmov s19;
	v4 =	vld.idx.msk [tilespmem:v1+s4+$0x0], $0xffff  }
0x2b9: {  	v1 =	vand.u32 $0x78, v2  }
0x2ba: {  	v2 =	vand.u32 $0x7, v2;
	v1 =	vadd.s32 v6, v1  }
0x2bb: {  	v1 =	vor.u32 v2, v1  }
0x2bc: {  	s10 =	simm.s32 $0x6800  }
0x2bd: {  	s1 =	simm.s32 $0x26E0;
	[tilespmem:s10+$0x40] =	vst v4  }
0x2be: {  	s21 =	simm.s32 $0x2;
	v2 =	vld [tilespmem:s1+$0xFFFFFFE0]  }
0x2bf: {  	v3 =	vmov s21  }
0x2c0: {  	v5 =	vand.u32 $0x78, v3;
	v1 =	vld.idx.msk [tilespmem:v1+s4+$0x0], $0xffff  }
0x2c1: {  	v3 =	vand.u32 $0x7, v3;
	v5 =	vadd.s32 v6, v5  }
0x2c2: {  	v3 =	vor.u32 v3, v5  }
0x2c3: {  	v5 =	vshll.u32 v2, $0x10  }
0x2c4: {  	s3 =	simm.s32 $0x6890;
	v2 =	vand.u32 $0xFFFF0000, v2;
	v5 =	vmul.f32 v5, v4  }
0x2c5: {  	s15 =	simm.s32 $0x2720;
	[tilespmem:s3+$0x40] =	vst v1;
	v2 =	vmul.f32 v2, v4  }
0x2c6: {  	s22 =	simm.s32 $0x3;
	v7 =	vld [tilespmem:s15+$0xFFFFFFE0];
	[tilespmem:s10+$0xFFFFFFC0] =	vst v5  }
0x2c7: {  	v5 =	vmov s22;
	[tilespmem:s10+$0xFFFFFFD0] =	vst v2;
	v2 =	vld.idx.msk [tilespmem:v3+s4+$0x0], $0xffff  }
0x2c8: {  	v3 =	vand.u32 $0x78, v5;
	v8 =	vld [tilespmem:s1+$0xFFFFFFF0]  }
0x2c9: {  	v5 =	vand.u32 $0x7, v5;
	v3 =	vadd.s32 v6, v3  }
0x2ca: {  	v3 =	vor.u32 v5, v3  }
0x2cb: {  	v5 =	vshll.u32 v7, $0x10  }
0x2cc: {  	s11 =	simm.s32 $0x6920;
	v7 =	vand.u32 $0xFFFF0000, v7;
	v5 =	vmul.f32 v5, v1  }
0x2cd: {  	s14 =	simm.s32 $0x2760;
	[tilespmem:s11+$0x40] =	vst v2;
	v7 =	vmul.f32 v7, v1;
	v9 =	vshll.u32 v8, $0x10  }
0x2ce: {  	v8 =	vand.u32 $0xFFFF0000, v8;
	[tilespmem:s3+$0xFFFFFFC0] =	vst v5;
	v5 =	vld [tilespmem:s14+$0xFFFFFFE0];
	v9 =	vmul.f32 v9, v4  }
0x2cf: {  	s23 =	simm.s32 $0x4;
	[tilespmem:s3+$0xFFFFFFD0] =	vst v7;
	v7 =	vmul.f32 v8, v4;
	v3 =	vld.idx.msk [tilespmem:v3+s4+$0x0], $0xffff  }
0x2d0: {  	v8 =	vmov s23;
	v10 =	vld [tilespmem:s15+$0xFFFFFFF0];
	[tilespmem:s10+$0xFFFFFFE0] =	vst v9  }
0x2d1: {  	v9 =	vand.u32 $0x78, v8;
	[tilespmem:s10+$0xFFFFFFF0] =	vst v7  }
0x2d2: {  	v7 =	vand.u32 $0x7, v8;
	v8 =	vadd.s32 v6, v9;
	v9 =	vld [tilespmem:s1+$0x0]  }
0x2d3: {  	v7 =	vor.u32 v7, v8;
	v8 =	vshll.u32 v5, $0x10  }
0x2d4: {  	s13 =	simm.s32 $0x69B0;
	v5 =	vand.u32 $0xFFFF0000, v5;
	v8 =	vmul.f32 v8, v2  }
0x2d5: {  	s19 =	simm.s32 $0x27A0;
	[tilespmem:s13+$0x40] =	vst v3;
	v5 =	vmul.f32 v5, v2;
	v11 =	vshll.u32 v10, $0x10  }
0x2d6: {  	[tilespmem:s11+$0xFFFFFFC0] =	vst v8;
	v8 =	vand.u32 $0xFFFF0000, v10;
	v10 =	vmul.f32 v11, v1;
	v11 =	vld [tilespmem:s19+$0xFFFFFFE0]  }
0x2d7: {  	[tilespmem:s11+$0xFFFFFFD0] =	vst v5;
	v12 =	vshll.u32 v9, $0x10;
	v8 =	vmul.f32 v8, v1  }
0x2d8: {  	v5 =	vld.idx.msk [tilespmem:v7+s4+$0x0], $0xffff;
	v7 =	vand.u32 $0xFFFF0000, v9;
	v9 =	vmul.f32 v12, v4;
	[tilespmem:s3+$0xFFFFFFE0] =	vst v10  }
0x2d9: {  	s28 =	simm.s32 $0x5;
	v7 =	vmul.f32 v7, v4;
	[tilespmem:s3+$0xFFFFFFF0] =	vst v8  }
0x2da: {  	v12 =	vmov s28;
	v10 =	vld [tilespmem:s14+$0xFFFFFFF0];
	[tilespmem:s10+$0x0] =	vst v9  }
0x2db: {  	v13 =	vand.u32 $0x78, v12;
	[tilespmem:s10+$0x10] =	vst v7;
	v9 =	vshll.u32 v11, $0x10;
	v7 =	vand.u32 $0xFFFF0000, v11  }
0x2dc: {  	v8 =	vld [tilespmem:s15+$0x0];
	v11 =	vmul.f32 v9, v3;
	v9 =	vand.u32 $0x7, v12;
	v12 =	vadd.s32 v6, v13  }
0x2dd: {  	v9 =	vor.u32 v9, v12  }
0x2de: {  	s8 =	simm.s32 $0x6A40;
	v13 =	vmul.f32 v7, v3;
	v7 =	vld [tilespmem:s1+$0x10]  }
0x2df: {  	[tilespmem:s8+$0x40] =	vst v5;
	v12 =	vshll.u32 v10, $0x10  }
0x2e0: {  	s21 =	simm.s32 $0x27E0;
	v14 =	vand.u32 $0xFFFF0000, v10;
	[tilespmem:s13+$0xFFFFFFC0] =	vst v11;
	v11 =	vmul.f32 v12, v2  }
0x2e1: {  	s6 =	simm.s32 $0x6A40;
	s22 =	simm.s32 $0x6;
	s1 =	simm.s32 $0x27E0;
	v10 =	vld [tilespmem:s21+$0xFFFFFFE0];
	[tilespmem:s13+$0xFFFFFFD0] =	vst v13;
	v12 =	vmul.f32 v14, v2;
	v13 =	vshll.u32 v8, $0x10  }
.LBB2_25:
0x2e2: {  	p1 =	sne.s32 s22, $0x4F;
	v14 =	vld.idx.msk [tilespmem:v9+s4+$0x0], $0xffff;
	[tilespmem:s11+$0xFFFFFFE0] =	vst v11;
	v8 =	vand.u32 $0xFFFF0000, v8;
	v9 =	vmul.f32 v13, v1  }
0x2e3: {  	v11 =	vmov s22;
	v13 =	vld [tilespmem:s19+$0xFFFFFFF0];
	[tilespmem:s11+$0xFFFFFFF0] =	vst v12;
	v12 =	vmul.f32 v8, v1;
	v8 =	vand.u32 $0xFFFF0000, v7  }
0x2e4: {  	v15 =	vand.u32 $0x78, v11;
	v7 =	vshll.u32 v7, $0x10;
	[tilespmem:s3+$0x0] =	vst v9;
	v16 =	vmul.f32 v8, v4  }
0x2e5: {  	v9 =	vand.u32 $0x7, v11;
	v11 =	vadd.s32 v6, v15;
	v8 =	vld [tilespmem:s14+$0x0];
	[tilespmem:s3+$0x10] =	vst v12;
	v12 =	vmul.f32 v7, v4;
	v4 =	vmovc v1  }
.Ltmp16:
0x2e6: {  	v9 =	vor.u32 v9, v11;
	v1 =	vmovc v2;
	v2 =	vmovc v3;
	v3 =	vmov v5;
	v7 =	vshll.u32 v10, $0x10;
	[tilespmem:s10+$0x30] =	vst v16;
	(pc) =	sbr.rel @p1 .LBB2_25-.Ltmp16, $4  }
0x2e7: {  	s8 =	sadd.s32 $0x90, s8;
	v15 =	vand.u32 $0xFFFF0000, v10;
	v10 =	vmul.f32 v7, v3;
	v7 =	vld [tilespmem:s15+$0x10];
	[tilespmem:s10+$0x20] =	vst v12;
	s10 =	smov.u32 s3;
	s3 =	smov.u32 s11  }
0x2e8: {  	v12 =	vmul.f32 v15, v3;
	v5 =	vmov v14;
	s11 =	smov.u32 s13;
	s13 =	smov.u32 s6;
	s6 =	smov.u32 s8;
	[tilespmem:s8+$0x40] =	vst v14;
	v11 =	vshll.u32 v13, $0x10  }
0x2e9: {  	s21 =	sadd.s32 $0x40, s21;
	s15 =	smov.u32 s14;
	s14 =	smov.u32 s19;
	v13 =	vand.u32 $0xFFFF0000, v13;
	[tilespmem:s13+$0xFFFFFFC0] =	vst v10;
	v11 =	vmul.f32 v11, v2  }
0x2ea: {  	s22 =	sadd.s32 $0x1, s22;
	s19 =	smov.u32 s1;
	s1 =	smov.u32 s21;
	v10 =	vld [tilespmem:s21+$0xFFFFFFE0];
	[tilespmem:s13+$0xFFFFFFD0] =	vst v12;
	v12 =	vmul.f32 v13, v2;
	v13 =	vshll.u32 v8, $0x10  }
0x2eb: {  	_ =	sdelay $0x3  }
0x2ec: {  	v6 =	vld.idx.msk [tilespmem:v9+s4+$0x0], $0xffff;
	_ =	sdelay $0x3  }
0x2ed: {  	s8 =	sadd.s32 $0x90, s8  }
0x2ee: {  	s21 =	sadd.s32 $0x40, s21;
	[tilespmem:s8+$0x40] =	vst v6  }
0x2ef: {  	v26 =	vld [tilespmem:s21+$0xFFFFFFE0];
	_ =	sdelay $0x2  }
0x2f0: {  	v14 =	vshll.u32 v10, $0x10  }
0x2f1: {  	v27 =	vand.u32 $0xFFFF0000, v10;
	v14 =	vmul.f32 v14, v5  }
0x2f2: {  	v10 =	vmul.f32 v27, v5;
	v15 =	vshll.u32 v26, $0x10  }
0x2f3: {  	v28 =	vld [tilespmem:s19+$0xFFFFFFF0];
	[tilespmem:s6+$0xFFFFFFC0] =	vst v14;
	v9 =	vand.u32 $0xFFFF0000, v26;
	v15 =	vmul.f32 v15, v6  }
0x2f4: {  	[tilespmem:s6+$0xFFFFFFD0] =	vst v10;
	v9 =	vmul.f32 v9, v6  }
0x2f5: {  	v10 =	vld [tilespmem:s1+$0xFFFFFFF0];
	[tilespmem:s8+$0xFFFFFFC0] =	vst v15  }
0x2f6: {  	[tilespmem:s8+$0xFFFFFFD0] =	vst v9  }
0x2f7: {  	[tilespmem:s11+$0xFFFFFFE0] =	vst v11;
	v8 =	vand.u32 $0xFFFF0000, v8;
	v29 =	vmul.f32 v13, v1;
	v30 =	vld [tilespmem:s21+$0xFFFFFFF0]  }
0x2f8: {  	[tilespmem:s11+$0xFFFFFFF0] =	vst v12;
	v8 =	vmul.f32 v8, v1;
	v31 =	vshll.u32 v28, $0x10  }
0x2f9: {  	[tilespmem:s3+$0x0] =	vst v29;
	v35 =	vld [tilespmem:s14+$0x0];
	v32 =	vand.u32 $0xFFFF0000, v28;
	v12 =	vmul.f32 v31, v3  }
0x2fa: {  	[tilespmem:s3+$0x10] =	vst v8;
	v33 =	vmul.f32 v32, v3;
	v34 =	vshll.u32 v10, $0x10  }
0x2fb: {  	[tilespmem:s13+$0xFFFFFFE0] =	vst v12;
	v10 =	vand.u32 $0xFFFF0000, v10;
	v9 =	vmul.f32 v34, v5  }
0x2fc: {  	[tilespmem:s13+$0xFFFFFFF0] =	vst v33;
	v36 =	vmul.f32 v10, v5;
	v37 =	vshll.u32 v30, $0x10  }
0x2fd: {  	v38 =	vld [tilespmem:s19+$0x0];
	[tilespmem:s6+$0xFFFFFFE0] =	vst v9;
	v11 =	vand.u32 $0xFFFF0000, v30;
	v10 =	vmul.f32 v37, v6  }
0x2fe: {  	v39 =	vand.u32 $0xFFFF0000, v7;
	v43 =	vshll.u32 v35, $0x10;
	[tilespmem:s6+$0xFFFFFFF0] =	vst v36;
	v11 =	vmul.f32 v11, v6  }
0x2ff: {  	v40 =	vshll.u32 v7, $0x10;
	v44 =	vand.u32 $0xFFFF0000, v35;
	v7 =	vmul.f32 v43, v2;
	v41 =	vld [tilespmem:s1+$0x0];
	[tilespmem:s8+$0xFFFFFFE0] =	vst v10  }
0x300: {  	v45 =	vmul.f32 v44, v2;
	[tilespmem:s8+$0xFFFFFFF0] =	vst v11  }
0x301: {  	v8 =	vmul.f32 v39, v4;
	[tilespmem:s11+$0x0] =	vst v7;
	v11 =	vld [tilespmem:s21+$0x0]  }
0x302: {  	v42 =	vmul.f32 v40, v4;
	[tilespmem:s11+$0x10] =	vst v45;
	v46 =	vshll.u32 v38, $0x10  }
0x303: {  	[tilespmem:s10+$0x30] =	vst v8;
	v51 =	vld [tilespmem:s14+$0x10];
	v48 =	vand.u32 $0xFFFF0000, v38;
	v8 =	vmul.f32 v46, v3  }
0x304: {  	[tilespmem:s10+$0x20] =	vst v42;
	v47 =	vld [tilespmem:s15+$0x10];
	v49 =	vmul.f32 v48, v3;
	v50 =	vshll.u32 v41, $0x10  }
0x305: {  	[tilespmem:s13+$0x0] =	vst v8;
	v52 =	vand.u32 $0xFFFF0000, v41;
	v7 =	vmul.f32 v50, v5  }
0x306: {  	[tilespmem:s13+$0x10] =	vst v49;
	v53 =	vmul.f32 v52, v5;
	v54 =	vshll.u32 v11, $0x10  }
0x307: {  	v55 =	vld [tilespmem:s19+$0x10];
	[tilespmem:s6+$0x0] =	vst v7;
	v56 =	vand.u32 $0xFFFF0000, v11;
	v8 =	vmul.f32 v54, v6  }
0x308: {  	v61 =	vand.u32 $0xFFFF0000, v51;
	[tilespmem:s6+$0x10] =	vst v53;
	v58 =	vmul.f32 v56, v6  }
0x309: {  	v57 =	vand.u32 $0xFFFF0000, v47;
	v59 =	vshll.u32 v47, $0x10;
	v7 =	vmul.f32 v61, v2;
	v60 =	vld [tilespmem:s1+$0x10];
	[tilespmem:s8+$0x0] =	vst v8  }
0x30a: {  	v11 =	vmul.f32 v57, v1;
	v1 =	vmul.f32 v59, v1;
	[tilespmem:s8+$0x10] =	vst v58  }
0x30b: {  	v62 =	vshll.u32 v51, $0x10;
	[tilespmem:s11+$0x30] =	vst v7;
	v8 =	vld [tilespmem:s21+$0x10]  }
0x30c: {  	[tilespmem:s3+$0x20] =	vst v1;
	v1 =	vmul.f32 v62, v2;
	v2 =	vand.u32 $0xFFFF0000, v55  }
0x30d: {  	v63 =	vshll.u32 v55, $0x10;
	[tilespmem:s3+$0x30] =	vst v11;
	v2 =	vmul.f32 v2, v3  }
0x30e: {  	[tilespmem:s11+$0x20] =	vst v1;
	v1 =	vmul.f32 v63, v3;
	v3 =	vand.u32 $0xFFFF0000, v60  }
0x30f: {  	[tilespmem:s13+$0x30] =	vst v2;
	v2 =	vshll.u32 v60, $0x10;
	v3 =	vmul.f32 v3, v5  }
.Ltmp17:
0x310: {  	[tilespmem:s13+$0x20] =	vst v1;
	v1 =	vmul.f32 v2, v5;
	v2 =	vand.u32 $0xFFFF0000, v8;
	(pc) =	sbr.rel @p0 .LBB2_28-.Ltmp17, $4  }
0x311: {  	[tilespmem:s6+$0x30] =	vst v3;
	v3 =	vshll.u32 v8, $0x10;
	v2 =	vmul.f32 v2, v6  }
0x312: {  	[tilespmem:s6+$0x20] =	vst v1;
	v1 =	vmul.f32 v3, v6  }
0x313: {  	[tilespmem:s8+$0x30] =	vst v2  }
0x314: {  	[tilespmem:s8+$0x20] =	vst v1  }
.Ltmp18:
0x315: {  	(pc) =	sbr.rel .LBB2_22-.Ltmp18, $4  }
0x316: {  	s1 =	sadd.s32 $0xF0, s12;
	s3 =	simm.s32 $0x26C0  }
0x317: {  	[tilespmem:s3], [sflag:$0x4] =	stream.indirect.gather [hbm4b:s5+s20], $0x40, s1, s20, $0xb8;
	[tilespmem:$0x1FCF0] =	vst v63  }
0x318: {  	s7 =	sadd.s32 $0x1, s7  }
0x319: {  	[spmem:s2] =	stream.indirect.scatter.add.f32 [tilespmem:s30], [sflag:$0x6], $0x90, s29, s20, $0xb8;
	[tilespmem:$0x1FCF0] =	vst v63  }
.LBB2_28:
0x31a: {  	[spmem:s2] =	stream.indirect.scatter.add.f32 [tilespmem:s30], [sflag:$0x6], $0x90, s29, s20, $0xb8;
	[tilespmem:$0x1FCF0] =	vst v63  }
0x31b: {  	_ =	swait.ge [sflag:s31], $0x2D00  }
0x31c: {  	[sflag:s31] =	ssyncset.done $0x0  }
0x31d: {  	[sflag:s31] =	ssyncadd.s32 $0xFFFFD300  }
0x31e: {  	_ =	swait.ge [sflag:s0], $0x2D00  }
0x31f: {  	[sflag:s0] =	ssyncset.done $0x0  }
0x320: {  	[sflag:s0] =	ssyncadd.s32 $0xFFFFD300  }
0x321: {  	[bflag:$0x0] =	sbarrier.arrive $0xFFFF  }
.Ltmp19:
0x322: {  	s15 =	rddreg [dreg:$0xa];
	(pc) =	sbr.rel .LBB2_29-.Ltmp19, $4  }
0x323: {  	s7 =	simm.s32 $0x0;
	s1 =	rddreg [dreg:$0xb]  }
0x324: {  	[tilespmem:s17], [sflag:$0x3] =	stream.linear.gather [spmem:s15], $0x2D00, $0x38;
	[tilespmem:$0x1FCF0] =	vst v63  }
0x325: {  	s14 =	stileid.u32;
	s19 =	simm.s32 $0x94C0;
	s13 =	rddreg [dreg:$0x1]  }
0x326: {  	[tilespmem:s30], [sflag:$0x4] =	stream.linear.gather [spmem:s1], $0x2D00, $0x38;
	[tilespmem:$0x1FCF0] =	vst v63  }
.LBB2_39:
0x327: {  	s7 =	sadd.s32 $0x1, s7  }
0x328: {  	p0 =	sne.s32 s7, $0x4  }
.Ltmp20:
0x329: {  	_ = 	snop;
	(pc) =	sbr.rel @!p0 .LBB2_40-.Ltmp20, $1  }
0x32a: {  	_ =	sdelay $0x3  }
.LBB2_29:
0x32b: {  	s1 =	sshll.u32 s7, $0x5  }
0x32c: {  	s3 =	sor.u32 s14, s1  }
0x32d: {  	_ =	swait.ge [sflag:s24], $0x2D00;
	s1 =	smul.u32 $0x2800, s3  }
0x32e: {  	s9 =	simm.s32 $0x3B00;
	[sflag:s24] =	ssyncset.done $0x0;
	s6 =	rddreg [dreg:$0xc]  }
0x32f: {  	s10 =	simm.s32 $0x0;
	[sflag:s24] =	ssyncadd.s32 $0xFFFFD300;
	s6 =	sadd.s32 s6, s1  }
.LBB2_30:
0x330: {  	s11 =	simm.s32 $0x0;
	v1 =	vld [tilespmem:s9+$0x40];
	s12 =	simm.s32 $0x200;
	s1 =	smov.u32 s9  }
.LBB2_31:
0x331: {  	p0 =	sne.s32 s12, $0x1E00;
	v2 =	vld [tilespmem:s1+$0xFFFFFFC0];
	_ =	sdelay $0x3  }
0x332: {  	vm0 =	vgt.f32 v1, $0.0e+00  }
0x333: {  	v1 =	vnsel vm0, $0x3F800000, v1  }
0x334: {  	(erf) = vrcp.f32 v1;
	_ =	sdelay $0x8  }
0x335: {  	v1 =	vpop (erf)  }
0x336: {  	v2 =	vmul.f32 v2, v1  }
0x337: {  	s8 =	sshra.s32 s11, $0x2;
	s11 =	smov.u32 s12  }
0x338: {  	[tilespmem:s8+$0x94C0] =	vst v2  }
0x339: {  	v2 =	vld [tilespmem:s1+$0xFFFFFFD0];
	_ =	sdelay $0x4  }
0x33a: {  	v2 =	vmul.f32 v2, v1;
	_ =	sdelay $0x1  }
0x33b: {  	[tilespmem:s8+$0x94D0] =	vst v2  }
0x33c: {  	v2 =	vld [tilespmem:s1+$0xFFFFFFE0];
	_ =	sdelay $0x4  }
0x33d: {  	v2 =	vmul.f32 v2, v1;
	_ =	sdelay $0x1  }
0x33e: {  	[tilespmem:s8+$0x94E0] =	vst v2  }
0x33f: {  	v2 =	vld [tilespmem:s1+$0xFFFFFFF0];
	_ =	sdelay $0x4  }
0x340: {  	v2 =	vmul.f32 v2, v1;
	_ =	sdelay $0x1  }
0x341: {  	[tilespmem:s8+$0x94F0] =	vst v2  }
0x342: {  	v2 =	vld [tilespmem:s1+$0x0];
	_ =	sdelay $0x4  }
0x343: {  	v2 =	vmul.f32 v2, v1;
	_ =	sdelay $0x1  }
0x344: {  	[tilespmem:s8+$0x9500] =	vst v2  }
0x345: {  	v2 =	vld [tilespmem:s1+$0x10];
	_ =	sdelay $0x4  }
0x346: {  	v2 =	vmul.f32 v2, v1;
	_ =	sdelay $0x1  }
0x347: {  	[tilespmem:s8+$0x9510] =	vst v2  }
0x348: {  	v2 =	vld [tilespmem:s1+$0x20];
	_ =	sdelay $0x4  }
0x349: {  	v2 =	vmul.f32 v2, v1;
	_ =	sdelay $0x1  }
0x34a: {  	[tilespmem:s8+$0x9520] =	vst v2  }
0x34b: {  	v2 =	vld [tilespmem:s1+$0x30];
	_ =	sdelay $0x3  }
.Ltmp21:
0x34c: {  	(pc) =	sbr.rel @p0 .LBB2_31-.Ltmp21, $3  }
0x34d: {  	v1 =	vmul.f32 v2, v1;
	_ =	sdelay $0x1  }
0x34e: {  	s1 =	sadd.s32 $0x90, s1;
	[tilespmem:s8+$0x9530] =	vst v1  }
0x34f: {  	s12 =	sadd.s32 $0x200, s12;
	v1 =	vld [tilespmem:s1+$0x40]  }
0x350: {  	_ =	sdelay $0x3  }
0x351: {  	vm0 =	vgt.f32 v1, $0.0e+00  }
0x352: {  	v1 =	vnsel vm0, $0x3F800000, v1  }
0x353: {  	(erf) = vrcp.f32 v1;
	_ =	sdelay $0x4  }
0x354: {  	v1 =	vld [tilespmem:s1+$0xFFFFFFC0];
	_ =	sdelay $0x3  }
0x355: {  	v2 =	vpop (erf)  }
0x356: {  	v1 =	vmul.f32 v1, v2  }
0x357: {  	s8 =	sshra.s32 s11, $0x2  }
0x358: {  	[tilespmem:s8+$0x94C0] =	vst v1  }
0x359: {  	v1 =	vld [tilespmem:s1+$0xFFFFFFD0];
	_ =	sdelay $0x4  }
0x35a: {  	v1 =	vmul.f32 v1, v2;
	_ =	sdelay $0x1  }
0x35b: {  	[tilespmem:s8+$0x94D0] =	vst v1  }
0x35c: {  	v1 =	vld [tilespmem:s1+$0xFFFFFFE0];
	_ =	sdelay $0x4  }
0x35d: {  	v1 =	vmul.f32 v1, v2;
	_ =	sdelay $0x1  }
0x35e: {  	[tilespmem:s8+$0x94E0] =	vst v1  }
0x35f: {  	v1 =	vld [tilespmem:s1+$0xFFFFFFF0];
	_ =	sdelay $0x4  }
0x360: {  	v1 =	vmul.f32 v1, v2;
	_ =	sdelay $0x1  }
0x361: {  	[tilespmem:s8+$0x94F0] =	vst v1  }
0x362: {  	v1 =	vld [tilespmem:s1+$0x0];
	_ =	sdelay $0x4  }
0x363: {  	v1 =	vmul.f32 v1, v2;
	_ =	sdelay $0x1  }
0x364: {  	[tilespmem:s8+$0x9500] =	vst v1  }
0x365: {  	v1 =	vld [tilespmem:s1+$0x10];
	_ =	sdelay $0x4  }
0x366: {  	v1 =	vmul.f32 v1, v2;
	_ =	sdelay $0x1  }
0x367: {  	[tilespmem:s8+$0x9510] =	vst v1  }
0x368: {  	v1 =	vld [tilespmem:s1+$0x20];
	_ =	sdelay $0x4  }
0x369: {  	v1 =	vmul.f32 v1, v2;
	_ =	sdelay $0x1  }
0x36a: {  	[tilespmem:s8+$0x9520] =	vst v1  }
0x36b: {  	v1 =	vld [tilespmem:s1+$0x30];
	_ =	sdelay $0x3  }
0x36c: {  	s28 =	sshll.u32 s10, $0xB  }
0x36d: {  	s10 =	sadd.s32 $0x1, s10;
	s1 =	sadd.s32 s28, s6;
	v1 =	vmul.f32 v1, v2  }
0x36e: {  	p0 =	sne.s32 s10, $0x5;
	s1 =	sshrl.u32 s1, $0x3  }
.Ltmp22:
0x36f: {  	s1 =	sadd.s32 s13, s1;
	[tilespmem:s8+$0x9530] =	vst v1;
	(pc) =	sbr.rel @p0 .LBB2_30-.Ltmp22, $4  }
0x370: {  	[hbm4b:s1+s4] =	stream.linear.scatter [tilespmem:s19], [sflag:$0x7], $0x800, $0x38;
	[tilespmem:$0x1FCF0] =	vst v63  }
0x371: {  	_ =	swait.ge [sflag:s18], $0x800  }
0x372: {  	[sflag:s18] =	ssyncset.done $0x0  }
0x373: {  	s9 =	sadd.s32 $0x900, s9;
	[sflag:s18] =	ssyncadd.s32 $0xFFFFF800  }
0x374: {  	p0 =	sgt.u32 s3, $0x5C  }
0x375: {  	s1 =	smul.u32 @!p0 $0xB400, s3;
	_ =	sdelay $0x1  }
0x376: {  	s1 =	sshra.s32 @!p0 s1, $0x2  }
0x377: {  	s1 =	sadd.s32 @!p0 s1, s2  }
0x378: {  	s6 =	simm.s32 @!p0 $0x3AC0;
	s3 =	sor.u32 $0x10, s3;
	s1 =	sadd.s32 @!p0 $0x5A000, s1  }
0x379: {  	[tilespmem:s6], [sflag:$0x3] =	stream.linear.gather @!p0 [spmem:s1], $0x2D00, $0x38;
	[tilespmem:$0x1FCF0] =	vst v63  }
0x37a: {  	p0 =	sgt.u32 s3, $0x7C  }
.Ltmp23:
0x37b: {  	_ = 	snop;
	(pc) =	sbr.rel @p0 .LBB2_39-.Ltmp23, $1  }
0x37c: {  	_ =	sdelay $0x3  }
0x37d: {  	_ =	swait.ge [sflag:s26], $0x2D00;
	s1 =	smul.u32 $0x2800, s3  }
0x37e: {  	s9 =	simm.s32 $0x0;
	[sflag:s26] =	ssyncset.done $0x0;
	s6 =	rddreg [dreg:$0xc]  }
0x37f: {  	s10 =	simm.s32 $0x6800;
	[sflag:s26] =	ssyncadd.s32 $0xFFFFD300;
	s6 =	sadd.s32 s6, s1  }
.LBB2_35:
0x380: {  	v1 =	vld [tilespmem:s10+$0x40];
	s12 =	simm.s32 $0x200;
	s1 =	smov.u32 s10;
	s11 =	simm.s32 $0x0  }
.LBB2_36:
0x381: {  	p0 =	sne.s32 s12, $0x1E00;
	v2 =	vld [tilespmem:s1+$0xFFFFFFC0];
	_ =	sdelay $0x3  }
0x382: {  	vm0 =	vgt.f32 v1, $0.0e+00  }
0x383: {  	v1 =	vnsel vm0, $0x3F800000, v1  }
0x384: {  	(erf) = vrcp.f32 v1;
	_ =	sdelay $0x8  }
0x385: {  	v1 =	vpop (erf)  }
0x386: {  	v2 =	vmul.f32 v2, v1  }
0x387: {  	s8 =	sshra.s32 s11, $0x2;
	s11 =	smov.u32 s12  }
0x388: {  	[tilespmem:s8+$0x94C0] =	vst v2  }
0x389: {  	v2 =	vld [tilespmem:s1+$0xFFFFFFD0];
	_ =	sdelay $0x4  }
0x38a: {  	v2 =	vmul.f32 v2, v1;
	_ =	sdelay $0x1  }
0x38b: {  	[tilespmem:s8+$0x94D0] =	vst v2  }
0x38c: {  	v2 =	vld [tilespmem:s1+$0xFFFFFFE0];
	_ =	sdelay $0x4  }
0x38d: {  	v2 =	vmul.f32 v2, v1;
	_ =	sdelay $0x1  }
0x38e: {  	[tilespmem:s8+$0x94E0] =	vst v2  }
0x38f: {  	v2 =	vld [tilespmem:s1+$0xFFFFFFF0];
	_ =	sdelay $0x4  }
0x390: {  	v2 =	vmul.f32 v2, v1;
	_ =	sdelay $0x1  }
0x391: {  	[tilespmem:s8+$0x94F0] =	vst v2  }
0x392: {  	v2 =	vld [tilespmem:s1+$0x0];
	_ =	sdelay $0x4  }
0x393: {  	v2 =	vmul.f32 v2, v1;
	_ =	sdelay $0x1  }
0x394: {  	[tilespmem:s8+$0x9500] =	vst v2  }
0x395: {  	v2 =	vld [tilespmem:s1+$0x10];
	_ =	sdelay $0x4  }
0x396: {  	v2 =	vmul.f32 v2, v1;
	_ =	sdelay $0x1  }
0x397: {  	[tilespmem:s8+$0x9510] =	vst v2  }
0x398: {  	v2 =	vld [tilespmem:s1+$0x20];
	_ =	sdelay $0x4  }
0x399: {  	v2 =	vmul.f32 v2, v1;
	_ =	sdelay $0x1  }
0x39a: {  	[tilespmem:s8+$0x9520] =	vst v2  }
0x39b: {  	v2 =	vld [tilespmem:s1+$0x30];
	_ =	sdelay $0x3  }
.Ltmp24:
0x39c: {  	(pc) =	sbr.rel @p0 .LBB2_36-.Ltmp24, $3  }
0x39d: {  	v1 =	vmul.f32 v2, v1;
	_ =	sdelay $0x1  }
0x39e: {  	s1 =	sadd.s32 $0x90, s1;
	[tilespmem:s8+$0x9530] =	vst v1  }
0x39f: {  	s12 =	sadd.s32 $0x200, s12;
	v1 =	vld [tilespmem:s1+$0x40]  }
0x3a0: {  	_ =	sdelay $0x3  }
0x3a1: {  	vm0 =	vgt.f32 v1, $0.0e+00  }
0x3a2: {  	v1 =	vnsel vm0, $0x3F800000, v1  }
0x3a3: {  	(erf) = vrcp.f32 v1;
	_ =	sdelay $0x4  }
0x3a4: {  	v1 =	vld [tilespmem:s1+$0xFFFFFFC0];
	_ =	sdelay $0x3  }
0x3a5: {  	v2 =	vpop (erf)  }
0x3a6: {  	v1 =	vmul.f32 v1, v2  }
0x3a7: {  	s8 =	sshra.s32 s11, $0x2  }
0x3a8: {  	[tilespmem:s8+$0x94C0] =	vst v1  }
0x3a9: {  	v1 =	vld [tilespmem:s1+$0xFFFFFFD0];
	_ =	sdelay $0x4  }
0x3aa: {  	v1 =	vmul.f32 v1, v2;
	_ =	sdelay $0x1  }
0x3ab: {  	[tilespmem:s8+$0x94D0] =	vst v1  }
0x3ac: {  	v1 =	vld [tilespmem:s1+$0xFFFFFFE0];
	_ =	sdelay $0x4  }
0x3ad: {  	v1 =	vmul.f32 v1, v2;
	_ =	sdelay $0x1  }
0x3ae: {  	[tilespmem:s8+$0x94E0] =	vst v1  }
0x3af: {  	v1 =	vld [tilespmem:s1+$0xFFFFFFF0];
	_ =	sdelay $0x4  }
0x3b0: {  	v1 =	vmul.f32 v1, v2;
	_ =	sdelay $0x1  }
0x3b1: {  	[tilespmem:s8+$0x94F0] =	vst v1  }
0x3b2: {  	v1 =	vld [tilespmem:s1+$0x0];
	_ =	sdelay $0x4  }
0x3b3: {  	v1 =	vmul.f32 v1, v2;
	_ =	sdelay $0x1  }
0x3b4: {  	[tilespmem:s8+$0x9500] =	vst v1  }
0x3b5: {  	v1 =	vld [tilespmem:s1+$0x10];
	_ =	sdelay $0x4  }
0x3b6: {  	v1 =	vmul.f32 v1, v2;
	_ =	sdelay $0x1  }
0x3b7: {  	[tilespmem:s8+$0x9510] =	vst v1  }
0x3b8: {  	v1 =	vld [tilespmem:s1+$0x20];
	_ =	sdelay $0x4  }
0x3b9: {  	v1 =	vmul.f32 v1, v2;
	_ =	sdelay $0x1  }
0x3ba: {  	[tilespmem:s8+$0x9520] =	vst v1  }
0x3bb: {  	v1 =	vld [tilespmem:s1+$0x30];
	_ =	sdelay $0x3  }
0x3bc: {  	s28 =	sshll.u32 s9, $0xB  }
0x3bd: {  	s9 =	sadd.s32 $0x1, s9;
	s1 =	sadd.s32 s28, s6;
	v1 =	vmul.f32 v1, v2  }
0x3be: {  	p0 =	sne.s32 s9, $0x5;
	s1 =	sshrl.u32 s1, $0x3  }
.Ltmp25:
0x3bf: {  	s1 =	sadd.s32 s13, s1;
	[tilespmem:s8+$0x9530] =	vst v1;
	(pc) =	sbr.rel @p0 .LBB2_35-.Ltmp25, $4  }
0x3c0: {  	[hbm4b:s1+s4] =	stream.linear.scatter [tilespmem:s19], [sflag:$0x7], $0x800, $0x38;
	[tilespmem:$0x1FCF0] =	vst v63  }
0x3c1: {  	_ =	swait.ge [sflag:s18], $0x800  }
0x3c2: {  	[sflag:s18] =	ssyncset.done $0x0  }
0x3c3: {  	s10 =	sadd.s32 $0x900, s10;
	[sflag:s18] =	ssyncadd.s32 $0xFFFFF800  }
0x3c4: {  	p0 =	sgt.u32 s3, $0x5C  }
0x3c5: {  	s1 =	smul.u32 @!p0 $0xB400, s3  }
.Ltmp26:
0x3c6: {  	_ = 	snop;
	(pc) =	sbr.rel .LBB2_39-.Ltmp26, $4  }
0x3c7: {  	s1 =	sshra.s32 @!p0 s1, $0x2  }
0x3c8: {  	s1 =	sadd.s32 @!p0 s1, s2  }
0x3c9: {  	s3 =	simm.s32 @!p0 $0x67C0;
	s1 =	sadd.s32 @!p0 $0x5A000, s1  }
0x3ca: {  	[tilespmem:s3], [sflag:$0x4] =	stream.linear.gather @!p0 [spmem:s1], $0x2D00, $0x38;
	[tilespmem:$0x1FCF0] =	vst v63  }
.LBB2_41:
0x3cb: {  	_ =	sfence.sel $0x180000  }
0x3cc: {  	[bflag:$0x0] =	sbarrier.arrive $0xFFFF  }
0x3cd: {  	_ =	strace $0x90000047  }
0x3ce: {  	[bflag:$0x2] =	sbarrier.arrive $0xFFFF  }
0x3cf: {  	p0 =	sne.s32 s14, $0x0;
	s0 =	rddreg [dreg:$0x3]  }
0x3d0: {  	s0 =	sadd.s32 @!p0 $0x100000, s0  }
0x3d1: {  	[sflag:s0] =	ssyncadd.tile.s32 @!p0 $0x1;
	_ =	shalt  }
.Lfunc_end2:
_tile_overlayer_lowered:
.L_overlay_start_2:
0x3d2: {  	(tag) =	ssettag $0x2  }
0x3d3: {  	s0 =	rddreg [dreg:$0x0];
	s2 =	stileid.u32  }
0x3d4: {  	s1 =	rddreg [dreg:$0x1];
	p0 =	sne.s32 s2, $0x0  }
0x3d5: {  	s3 =	rddreg [dreg:$0x2];
	[bflag:$0x3] =	sbarrier.arrive $0xFFFF;
	s2 =	simm.s32 @!p0 $0x1C07  }
0x3d6: {  	[timem:s3], [sflag:s2] =	dma.local @!p0 [hbm:s0], s1  }
0x3d7: {  	s0 =	simm.s32 @!p0 $0x7  }
0x3d8: {  	_ =	swait.ge @!p0 [sflag:s0], s1  }
0x3d9: {  	s1 =	ssub.s32 @!p0 $0x0, s1;
	[sflag:s0] =	ssyncset.done @!p0 $0x0  }
0x3da: {  	[sflag:s0] =	ssyncadd.s32 @!p0 s1  }
0x3db: {  	[bflag:$0x3] =	sbarrier.arrive $0xFFFF  }
0x3dc: {  	_ =	shalt  }

</sc_bundles>
